<compile_context>
chip_gen: v7x
topology: tpu7x:2x2x1
jax: 0.10.2.dev20260603
libtpu: 0.0.44.dev20260713+nightly
codegen_flags: <defaults>
</compile_context>

<pallas_src>
import jax
import jax.numpy as jnp
import numpy as np
from jax import lax
from jax.experimental import pallas as pl
from jax.experimental.pallas import tpu as pltpu
from jax.experimental.pallas import tpu_sc as plsc

TOP_K = 8
NUM_TOKENS = 32768
NUM_EXPERTS = 64
NEG_TWO_EPS = np.float32(-0.4)

NUM_CORES = 2
NUM_SUBCORES = 16
NUM_WORKERS = NUM_CORES * NUM_SUBCORES
TPW = NUM_TOKENS // NUM_WORKERS
GROUPS = TPW // 16
STRIDE = NUM_EXPERTS + 1


def _routing_body(x_hbm, oi_hbm, ov_hbm, buf, stage, oi_v, ov_v):
    wid = lax.axis_index("c") * NUM_SUBCORES + lax.axis_index("s")
    tok0 = wid * TPW

    lanes = lax.broadcasted_iota(jnp.int32, (16,), 0)
    neg_inf = jnp.full((16,), -jnp.inf, jnp.float32)
    f32_zero = jnp.zeros((16,), jnp.float32)
    i32_zero = jnp.zeros((16,), jnp.int32)

    @pl.loop(0, TPW // 128)
    def _stage_chunk(c):
        pltpu.sync_copy(x_hbm.at[pl.ds(tok0 + c * 128, 128)], stage)

        @pl.loop(0, 128, unroll=4)
        def _relayout(t):
            dst = (c * 128 + t) * STRIDE
            vs = [stage[t, pl.ds(16 * k, 16)] for k in range(4)]
            for k in range(4):
                plsc.store_scatter(buf, [lanes + (dst + 16 * k)], vs[k])

    @pl.loop(0, GROUPS // 8)
    def _chunk(chunk):
      @pl.loop(0, 8)
      def _group(gi):
        g = gi + chunk * 8
        rowoff = lanes * STRIDE + g * (16 * STRIDE)

        def _max_pass(e, carry):
            m, idx = carry
            v = plsc.load_gather(buf, [rowoff + e])
            gt = v > m
            return jnp.where(gt, v, m), jnp.where(gt, e, idx)

        m, idx = lax.fori_loop(0, NUM_EXPERTS, _max_pass,
                               (neg_inf, i32_zero), unroll=8)

        one = jnp.full((16,), 1.0, jnp.float32)
        for i in range(TOP_K):
            plsc.store_scatter(buf, [rowoff + idx], neg_inf)

            def _fused_pass(e, carry, m=m):
                denom, m2, idx2 = carry
                v = plsc.load_gather(buf, [rowoff + e])
                gap = v - m
                neg_thresh = NEG_TWO_EPS * jnp.maximum(jnp.abs(v), m)
                drop = gap < neg_thresh
                term = jnp.where(drop, f32_zero, jnp.exp(gap))
                gt = v > m2
                return (denom + term,
                        jnp.where(gt, v, m2),
                        jnp.where(gt, e, idx2))

            denom, m2, idx2 = lax.fori_loop(
                0, NUM_EXPERTS, _fused_pass,
                (one, neg_inf, i32_zero), unroll=8)

            orow = gi * 16 + lanes
            ocol = jnp.full((16,), i, jnp.int32)
            plsc.store_scatter(oi_v, [orow, ocol], idx)
            plsc.store_scatter(ov_v, [orow, ocol], jnp.float32(1.0) / denom)
            m, idx = m2, idx2

      base = tok0 + chunk * 128
      pltpu.sync_copy(oi_v, oi_hbm.at[pl.ds(base, 128)])
      pltpu.sync_copy(ov_v, ov_hbm.at[pl.ds(base, 128)])


@jax.jit
def kernel(router_logits):
    x = router_logits.astype(jnp.float32)
    mesh = plsc.VectorSubcoreMesh(
        core_axis_name="c", subcore_axis_name="s",
        num_cores=NUM_CORES, num_subcores=NUM_SUBCORES)
    run = pl.kernel(
        _routing_body,
        out_type=[
            jax.ShapeDtypeStruct((NUM_TOKENS, TOP_K), jnp.int32),
            jax.ShapeDtypeStruct((NUM_TOKENS, TOP_K), jnp.float32),
        ],
        mesh=mesh,
        compiler_params=pltpu.CompilerParams(
            needs_layout_passes=False, use_tc_tiling_on_sc=True),
        scratch_types=[
            pltpu.VMEM((TPW * STRIDE,), jnp.float32),
            pltpu.VMEM((128, NUM_EXPERTS), jnp.float32),
            pltpu.VMEM((128, TOP_K), jnp.int32),
            pltpu.VMEM((128, TOP_K), jnp.float32),
        ],
    )
    idxs, vals = run(x)
    return idxs, vals

# --- scband reference (transcript-rebuilt; emitter-appended) ---
"""Pipeline reference for scband-sparse-mixer-moe-routing-method-25572235280541 (READ-ONLY COPY).

The authoritative reference and input builder live on the scoring server;
editing this copy changes nothing except your own understanding.
"""

import jax, jax.numpy as jnp
import numpy as np

TOP_K = 8
EPS = 0.2
NUM_TOKENS = 32768
NUM_EXPERTS = 64


def setup_inputs(seed: int = 0) -> dict:
    key = jax.random.key(seed)
    router_logits = jax.random.normal(key, (NUM_TOKENS, NUM_EXPERTS), dtype=jnp.float32)
    return {"router_logits": router_logits}


def reference(router_logits):
    # Faithful translation of SparseMixerMoeRoutingMethod.apply
    logits = router_logits.astype(jnp.float32)
    n = logits.shape[0]
    rows = jnp.arange(n)
    idx_list = []
    val_list = []
    for i in range(TOP_K):
        if i > 0:
            # mask out previous iteration's max (torch scatter_ of -inf at argmax)
            max_elem = jnp.argmax(logits, axis=-1)
            logits = logits.at[rows, max_elem].set(-jnp.inf)
        max_indices = jnp.argmax(logits, axis=-1)
        max_values = jnp.take_along_axis(logits, max_indices[:, None], axis=-1)  # (n, 1)
        # sparsemixer mask: relative gap larger than 2*eps gets masked to -inf
        mask = (max_values - logits) / jnp.maximum(jnp.abs(logits), max_values) > 2.0 * EPS
        masked_logits = jnp.where(mask, -jnp.inf, logits)
        softmax_masked_logits = jax.nn.softmax(masked_logits, axis=-1)
        selected_values = jnp.take_along_axis(softmax_masked_logits, max_indices[:, None], axis=-1)
        idx_list.append(max_indices.astype(jnp.int32))
        val_list.append(selected_values[:, 0])
    topk_indices = jnp.stack(idx_list, axis=1)  # (n, top_k) int32
    topk_values = jnp.stack(val_list, axis=1)   # (n, top_k) float32
    return (topk_indices, topk_values)

if __name__ == "__main__":
    import jax
    _d = setup_inputs()
    print(jax.jit(kernel)(*tuple(_d.values())))

</pallas_src>

<mosaic_0001>
#map = affine_map<(d0, d1) -> (0, 0)>
module attributes {stable_mosaic.version = 14 : i64} {
  func.func @_routing_body(%arg0: i32, %arg1: i32, %arg2: memref<32768x64xf32, #tpu.memory_space<hbm>>, %arg3: memref<32768x8xi32, #tpu.memory_space<hbm>>, %arg4: memref<32768x8xf32, #tpu.memory_space<hbm>>, %arg5: memref<66560xf32, #tpu.memory_space<vmem>>, %arg6: memref<128x64xf32, #tpu.memory_space<vmem>>, %arg7: memref<128x8xi32, #tpu.memory_space<vmem>>, %arg8: memref<128x8xf32, #tpu.memory_space<vmem>>) attributes {dimension_semantics = [#tpu.dimension_semantics<core_parallel>, #tpu.dimension_semantics<subcore_parallel>], iteration_bounds = array<i64: 2, 16>, scalar_prefetch = 0 : i64, scratch_operands = 4 : i64, tpu.core_type = #tpu.core_type<sc_vector_subcore>, window_params = [{transform_indices = #map}, {transform_indices = #map}, {transform_indices = #map}]} {
    %mul3A = arith.constant 16 : i32
    %mul3A_0 = arith.muli %arg0, %mul3A : i32
    %add3A = arith.addi %mul3A_0, %arg1 : i32
    %mul3A_1 = arith.constant 1024 : i32
    %mul3A_2 = arith.muli %add3A, %mul3A_1 : i32
    %iota3A = tpu.iota {dimensions = array<i32: 0>} : vector<16xi32>
    %broadcast_in_dim3A = arith.constant 0xFF800000 : f32
    %broadcast_in_dim3A_3 = vector.broadcast %broadcast_in_dim3A : f32 to vector<16xf32>
    %broadcast_in_dim3A_4 = arith.constant 0.000000e+00 : f32
    %broadcast_in_dim3A_5 = vector.broadcast %broadcast_in_dim3A_4 : f32 to vector<16xf32>
    %broadcast_in_dim3A_6 = arith.constant 0 : i32
    %broadcast_in_dim3A_7 = vector.broadcast %broadcast_in_dim3A_6 : i32 to vector<16xi32>
    %scan3A = arith.constant 0 : i32
    %scan3A_8 = arith.constant 8 : i32
    %scan3A_9 = arith.addi %scan3A, %scan3A_8 : i32
    %scan3A_10 = arith.constant 1 : i32
    scf.for %scan3A_17 = %scan3A to %scan3A_9 step %scan3A_10  : i32 {
      %mul3A_18 = arith.constant 1 : i32
      %mul3A_19 = arith.muli %scan3A_17, %mul3A_18 : i32
      %add3A_20 = arith.constant 0 : i32
      %add3A_21 = arith.addi %add3A_20, %mul3A_19 : i32
      %mul3A_22 = arith.constant 128 : i32
      %mul3A_23 = arith.muli %add3A_21, %mul3A_22 : i32
      %add3A_24 = arith.addi %mul3A_2, %mul3A_23 : i32
      "tpu.region"() ({
        %run_scoped3A = tpu.sem_alloc : memref<!tpu.dma_semaphore, #tpu.memory_space<semaphore_mem>>
        %dma_start3A = arith.constant 0 : i32
        %dma_start3A_30 = tpu.memref_slice %arg2[%add3A_24, %dma_start3A] : memref<32768x64xf32, #tpu.memory_space<hbm>> -> memref<128x64xf32, #tpu.memory_space<hbm>>
        %dma_start3A_31 = arith.constant 0 : i32
        %dma_start3A_32 = tpu.memref_slice %arg2[%add3A_24, %dma_start3A_31] : memref<32768x64xf32, #tpu.memory_space<hbm>> -> memref<128x64xf32, #tpu.memory_space<hbm>>
        tpu.enqueue_dma source(%dma_start3A_32 : memref<128x64xf32, #tpu.memory_space<hbm>>) target(%arg6 : memref<128x64xf32, #tpu.memory_space<vmem>>) target_semaphore(%run_scoped3A : memref<!tpu.dma_semaphore, #tpu.memory_space<semaphore_mem>>)
        %dma_wait3A = arith.constant 0 : i32
        %dma_wait3A_33 = tpu.memref_slice %arg2[%add3A_24, %dma_wait3A] : memref<32768x64xf32, #tpu.memory_space<hbm>> -> memref<128x64xf32, #tpu.memory_space<hbm>>
        %dma_wait3A_34 = arith.constant 0 : i32
        %dma_wait3A_35 = tpu.memref_slice %arg2[%add3A_24, %dma_wait3A_34] : memref<32768x64xf32, #tpu.memory_space<hbm>> -> memref<128x64xf32, #tpu.memory_space<hbm>>
        tpu.wait_dma2 semaphore(%run_scoped3A : memref<!tpu.dma_semaphore, #tpu.memory_space<semaphore_mem>>) src(%dma_wait3A_35 : memref<128x64xf32, #tpu.memory_space<hbm>>) dst(%arg6 : memref<128x64xf32, #tpu.memory_space<vmem>>)
        tpu.yield
      }) : () -> ()
      %scan3A_25 = arith.constant 0 : i32
      %scan3A_26 = arith.constant 128 : i32
      %scan3A_27 = arith.addi %scan3A_25, %scan3A_26 : i32
      %scan3A_28 = arith.constant 4 : i32
      scf.for %scan3A_30 = %scan3A_25 to %scan3A_27 step %scan3A_28  : i32 {
        %mul3A_31 = arith.constant 1 : i32
        %mul3A_32 = arith.muli %scan3A_30, %mul3A_31 : i32
        %add3A_33 = arith.constant 0 : i32
        %add3A_34 = arith.addi %add3A_33, %mul3A_32 : i32
        %mul3A_35 = arith.constant 128 : i32
        %mul3A_36 = arith.muli %add3A_21, %mul3A_35 : i32
        %add3A_37 = arith.addi %mul3A_36, %add3A_34 : i32
        %mul3A_38 = arith.constant 65 : i32
        %mul3A_39 = arith.muli %add3A_37, %mul3A_38 : i32
        %get3A = arith.index_cast %add3A_34 : i32 to index
        %get3A_40 = arith.constant 0 : index
        %get3A_41 = tpu.vector_load %arg6[%get3A, %get3A_40] {strides = array<i32>} : memref<128x64xf32, #tpu.memory_space<vmem>>, vector<16xf32>,
        %get3A_42 = arith.index_cast %add3A_34 : i32 to index
        %get3A_43 = arith.constant 16 : index
        %get3A_44 = tpu.vector_load %arg6[%get3A_42, %get3A_43] {strides = array<i32>} : memref<128x64xf32, #tpu.memory_space<vmem>>, vector<16xf32>,
        %get3A_45 = arith.index_cast %add3A_34 : i32 to index
        %get3A_46 = arith.constant 32 : index
        %get3A_47 = tpu.vector_load %arg6[%get3A_45, %get3A_46] {strides = array<i32>} : memref<128x64xf32, #tpu.memory_space<vmem>>, vector<16xf32>,
        %get3A_48 = arith.index_cast %add3A_34 : i32 to index
        %get3A_49 = arith.constant 48 : index
        %get3A_50 = tpu.vector_load %arg6[%get3A_48, %get3A_49] {strides = array<i32>} : memref<128x64xf32, #tpu.memory_space<vmem>>, vector<16xf32>,
        %add3A_51 = arith.constant 0 : i32
        %add3A_52 = arith.addi %mul3A_39, %add3A_51 : i32
        %add3A_53 = vector.broadcast %add3A_52 : i32 to vector<16xi32>
        %add3A_54 = arith.addi %iota3A, %add3A_53 : vector<16xi32>
        tpu.vector_store_idx %arg5[%add3A_54], %get3A_41 : memref<66560xf32, #tpu.memory_space<vmem>>[vector<16xi32>], vector<16xf32>,
        %add3A_55 = arith.constant 16 : i32
        %add3A_56 = arith.addi %mul3A_39, %add3A_55 : i32
        %add3A_57 = vector.broadcast %add3A_56 : i32 to vector<16xi32>
        %add3A_58 = arith.addi %iota3A, %add3A_57 : vector<16xi32>
        tpu.vector_store_idx %arg5[%add3A_58], %get3A_44 : memref<66560xf32, #tpu.memory_space<vmem>>[vector<16xi32>], vector<16xf32>,
        %add3A_59 = arith.constant 32 : i32
        %add3A_60 = arith.addi %mul3A_39, %add3A_59 : i32
        %add3A_61 = vector.broadcast %add3A_60 : i32 to vector<16xi32>
        %add3A_62 = arith.addi %iota3A, %add3A_61 : vector<16xi32>
        tpu.vector_store_idx %arg5[%add3A_62], %get3A_47 : memref<66560xf32, #tpu.memory_space<vmem>>[vector<16xi32>], vector<16xf32>,
        %add3A_63 = arith.constant 48 : i32
        %add3A_64 = arith.addi %mul3A_39, %add3A_63 : i32
        %add3A_65 = vector.broadcast %add3A_64 : i32 to vector<16xi32>
        %add3A_66 = arith.addi %iota3A, %add3A_65 : vector<16xi32>
        tpu.vector_store_idx %arg5[%add3A_66], %get3A_50 : memref<66560xf32, #tpu.memory_space<vmem>>[vector<16xi32>], vector<16xf32>,
        %scan3A_67 = arith.constant 1 : i32
        %scan3A_68 = arith.addi %scan3A_30, %scan3A_67 : i32
        %mul3A_69 = arith.constant 1 : i32
        %mul3A_70 = arith.muli %scan3A_68, %mul3A_69 : i32
        %add3A_71 = arith.constant 0 : i32
        %add3A_72 = arith.addi %add3A_71, %mul3A_70 : i32
        %mul3A_73 = arith.constant 128 : i32
        %mul3A_74 = arith.muli %add3A_21, %mul3A_73 : i32
        %add3A_75 = arith.addi %mul3A_74, %add3A_72 : i32
        %mul3A_76 = arith.constant 65 : i32
        %mul3A_77 = arith.muli %add3A_75, %mul3A_76 : i32
        %get3A_78 = arith.index_cast %add3A_72 : i32 to index
        %get3A_79 = arith.constant 0 : index
        %get3A_80 = tpu.vector_load %arg6[%get3A_78, %get3A_79] {strides = array<i32>} : memref<128x64xf32, #tpu.memory_space<vmem>>, vector<16xf32>,
        %get3A_81 = arith.index_cast %add3A_72 : i32 to index
        %get3A_82 = arith.constant 16 : index
        %get3A_83 = tpu.vector_load %arg6[%get3A_81, %get3A_82] {strides = array<i32>} : memref<128x64xf32, #tpu.memory_space<vmem>>, vector<16xf32>,
        %get3A_84 = arith.index_cast %add3A_72 : i32 to index
        %get3A_85 = arith.constant 32 : index
        %get3A_86 = tpu.vector_load %arg6[%get3A_84, %get3A_85] {strides = array<i32>} : memref<128x64xf32, #tpu.memory_space<vmem>>, vector<16xf32>,
        %get3A_87 = arith.index_cast %add3A_72 : i32 to index
        %get3A_88 = arith.constant 48 : index
        %get3A_89 = tpu.vector_load %arg6[%get3A_87, %get3A_88] {strides = array<i32>} : memref<128x64xf32, #tpu.memory_space<vmem>>, vector<16xf32>,
        %add3A_90 = arith.constant 0 : i32
        %add3A_91 = arith.addi %mul3A_77, %add3A_90 : i32
        %add3A_92 = vector.broadcast %add3A_91 : i32 to vector<16xi32>
        %add3A_93 = arith.addi %iota3A, %add3A_92 : vector<16xi32>
        tpu.vector_store_idx %arg5[%add3A_93], %get3A_80 : memref<66560xf32, #tpu.memory_space<vmem>>[vector<16xi32>], vector<16xf32>,
        %add3A_94 = arith.constant 16 : i32
        %add3A_95 = arith.addi %mul3A_77, %add3A_94 : i32
        %add3A_96 = vector.broadcast %add3A_95 : i32 to vector<16xi32>
        %add3A_97 = arith.addi %iota3A, %add3A_96 : vector<16xi32>
        tpu.vector_store_idx %arg5[%add3A_97], %get3A_83 : memref<66560xf32, #tpu.memory_space<vmem>>[vector<16xi32>], vector<16xf32>,
        %add3A_98 = arith.constant 32 : i32
        %add3A_99 = arith.addi %mul3A_77, %add3A_98 : i32
        %add3A_100 = vector.broadcast %add3A_99 : i32 to vector<16xi32>
        %add3A_101 = arith.addi %iota3A, %add3A_100 : vector<16xi32>
        tpu.vector_store_idx %arg5[%add3A_101], %get3A_86 : memref<66560xf32, #tpu.memory_space<vmem>>[vector<16xi32>], vector<16xf32>,
        %add3A_102 = arith.constant 48 : i32
        %add3A_103 = arith.addi %mul3A_77, %add3A_102 : i32
        %add3A_104 = vector.broadcast %add3A_103 : i32 to vector<16xi32>
        %add3A_105 = arith.addi %iota3A, %add3A_104 : vector<16xi32>
        tpu.vector_store_idx %arg5[%add3A_105], %get3A_89 : memref<66560xf32, #tpu.memory_space<vmem>>[vector<16xi32>], vector<16xf32>,
        %scan3A_106 = arith.constant 2 : i32
        %scan3A_107 = arith.addi %scan3A_30, %scan3A_106 : i32
        %mul3A_108 = arith.constant 1 : i32
        %mul3A_109 = arith.muli %scan3A_107, %mul3A_108 : i32
        %add3A_110 = arith.constant 0 : i32
        %add3A_111 = arith.addi %add3A_110, %mul3A_109 : i32
        %mul3A_112 = arith.constant 128 : i32
        %mul3A_113 = arith.muli %add3A_21, %mul3A_112 : i32
        %add3A_114 = arith.addi %mul3A_113, %add3A_111 : i32
        %mul3A_115 = arith.constant 65 : i32
        %mul3A_116 = arith.muli %add3A_114, %mul3A_115 : i32
        %get3A_117 = arith.index_cast %add3A_111 : i32 to index
        %get3A_118 = arith.constant 0 : index
        %get3A_119 = tpu.vector_load %arg6[%get3A_117, %get3A_118] {strides = array<i32>} : memref<128x64xf32, #tpu.memory_space<vmem>>, vector<16xf32>,
        %get3A_120 = arith.index_cast %add3A_111 : i32 to index
        %get3A_121 = arith.constant 16 : index
        %get3A_122 = tpu.vector_load %arg6[%get3A_120, %get3A_121] {strides = array<i32>} : memref<128x64xf32, #tpu.memory_space<vmem>>, vector<16xf32>,
        %get3A_123 = arith.index_cast %add3A_111 : i32 to index
        %get3A_124 = arith.constant 32 : index
        %get3A_125 = tpu.vector_load %arg6[%get3A_123, %get3A_124] {strides = array<i32>} : memref<128x64xf32, #tpu.memory_space<vmem>>, vector<16xf32>,
        %get3A_126 = arith.index_cast %add3A_111 : i32 to index
        %get3A_127 = arith.constant 48 : index
        %get3A_128 = tpu.vector_load %arg6[%get3A_126, %get3A_127] {strides = array<i32>} : memref<128x64xf32, #tpu.memory_space<vmem>>, vector<16xf32>,
        %add3A_129 = arith.constant 0 : i32
        %add3A_130 = arith.addi %mul3A_116, %add3A_129 : i32
        %add3A_131 = vector.broadcast %add3A_130 : i32 to vector<16xi32>
        %add3A_132 = arith.addi %iota3A, %add3A_131 : vector<16xi32>
        tpu.vector_store_idx %arg5[%add3A_132], %get3A_119 : memref<66560xf32, #tpu.memory_space<vmem>>[vector<16xi32>], vector<16xf32>,
        %add3A_133 = arith.constant 16 : i32
        %add3A_134 = arith.addi %mul3A_116, %add3A_133 : i32
        %add3A_135 = vector.broadcast %add3A_134 : i32 to vector<16xi32>
        %add3A_136 = arith.addi %iota3A, %add3A_135 : vector<16xi32>
        tpu.vector_store_idx %arg5[%add3A_136], %get3A_122 : memref<66560xf32, #tpu.memory_space<vmem>>[vector<16xi32>], vector<16xf32>,
        %add3A_137 = arith.constant 32 : i32
        %add3A_138 = arith.addi %mul3A_116, %add3A_137 : i32
        %add3A_139 = vector.broadcast %add3A_138 : i32 to vector<16xi32>
        %add3A_140 = arith.addi %iota3A, %add3A_139 : vector<16xi32>
        tpu.vector_store_idx %arg5[%add3A_140], %get3A_125 : memref<66560xf32, #tpu.memory_space<vmem>>[vector<16xi32>], vector<16xf32>,
        %add3A_141 = arith.constant 48 : i32
        %add3A_142 = arith.addi %mul3A_116, %add3A_141 : i32
        %add3A_143 = vector.broadcast %add3A_142 : i32 to vector<16xi32>
        %add3A_144 = arith.addi %iota3A, %add3A_143 : vector<16xi32>
        tpu.vector_store_idx %arg5[%add3A_144], %get3A_128 : memref<66560xf32, #tpu.memory_space<vmem>>[vector<16xi32>], vector<16xf32>,
        %scan3A_145 = arith.constant 3 : i32
        %scan3A_146 = arith.addi %scan3A_30, %scan3A_145 : i32
        %mul3A_147 = arith.constant 1 : i32
        %mul3A_148 = arith.muli %scan3A_146, %mul3A_147 : i32
        %add3A_149 = arith.constant 0 : i32
        %add3A_150 = arith.addi %add3A_149, %mul3A_148 : i32
        %mul3A_151 = arith.constant 128 : i32
        %mul3A_152 = arith.muli %add3A_21, %mul3A_151 : i32
        %add3A_153 = arith.addi %mul3A_152, %add3A_150 : i32
        %mul3A_154 = arith.constant 65 : i32
        %mul3A_155 = arith.muli %add3A_153, %mul3A_154 : i32
        %get3A_156 = arith.index_cast %add3A_150 : i32 to index
        %get3A_157 = arith.constant 0 : index
        %get3A_158 = tpu.vector_load %arg6[%get3A_156, %get3A_157] {strides = array<i32>} : memref<128x64xf32, #tpu.memory_space<vmem>>, vector<16xf32>,
        %get3A_159 = arith.index_cast %add3A_150 : i32 to index
        %get3A_160 = arith.constant 16 : index
        %get3A_161 = tpu.vector_load %arg6[%get3A_159, %get3A_160] {strides = array<i32>} : memref<128x64xf32, #tpu.memory_space<vmem>>, vector<16xf32>,
        %get3A_162 = arith.index_cast %add3A_150 : i32 to index
        %get3A_163 = arith.constant 32 : index
        %get3A_164 = tpu.vector_load %arg6[%get3A_162, %get3A_163] {strides = array<i32>} : memref<128x64xf32, #tpu.memory_space<vmem>>, vector<16xf32>,
        %get3A_165 = arith.index_cast %add3A_150 : i32 to index
        %get3A_166 = arith.constant 48 : index
        %get3A_167 = tpu.vector_load %arg6[%get3A_165, %get3A_166] {strides = array<i32>} : memref<128x64xf32, #tpu.memory_space<vmem>>, vector<16xf32>,
        %add3A_168 = arith.constant 0 : i32
        %add3A_169 = arith.addi %mul3A_155, %add3A_168 : i32
        %add3A_170 = vector.broadcast %add3A_169 : i32 to vector<16xi32>
        %add3A_171 = arith.addi %iota3A, %add3A_170 : vector<16xi32>
        tpu.vector_store_idx %arg5[%add3A_171], %get3A_158 : memref<66560xf32, #tpu.memory_space<vmem>>[vector<16xi32>], vector<16xf32>,
        %add3A_172 = arith.constant 16 : i32
        %add3A_173 = arith.addi %mul3A_155, %add3A_172 : i32
        %add3A_174 = vector.broadcast %add3A_173 : i32 to vector<16xi32>
        %add3A_175 = arith.addi %iota3A, %add3A_174 : vector<16xi32>
        tpu.vector_store_idx %arg5[%add3A_175], %get3A_161 : memref<66560xf32, #tpu.memory_space<vmem>>[vector<16xi32>], vector<16xf32>,
        %add3A_176 = arith.constant 32 : i32
        %add3A_177 = arith.addi %mul3A_155, %add3A_176 : i32
        %add3A_178 = vector.broadcast %add3A_177 : i32 to vector<16xi32>
        %add3A_179 = arith.addi %iota3A, %add3A_178 : vector<16xi32>
        tpu.vector_store_idx %arg5[%add3A_179], %get3A_164 : memref<66560xf32, #tpu.memory_space<vmem>>[vector<16xi32>], vector<16xf32>,
        %add3A_180 = arith.constant 48 : i32
        %add3A_181 = arith.addi %mul3A_155, %add3A_180 : i32
        %add3A_182 = vector.broadcast %add3A_181 : i32 to vector<16xi32>
        %add3A_183 = arith.addi %iota3A, %add3A_182 : vector<16xi32>
        tpu.vector_store_idx %arg5[%add3A_183], %get3A_167 : memref<66560xf32, #tpu.memory_space<vmem>>[vector<16xi32>], vector<16xf32>,
      }
      %scan3A_29 = arith.constant 128 : i32
    }
    %scan3A_11 = arith.constant 8 : i32
    %scan3A_12 = arith.constant 0 : i32
    %scan3A_13 = arith.constant 8 : i32
    %scan3A_14 = arith.addi %scan3A_12, %scan3A_13 : i32
    %scan3A_15 = arith.constant 1 : i32
    scf.for %scan3A_17 = %scan3A_12 to %scan3A_14 step %scan3A_15  : i32 {
      %mul3A_18 = arith.constant 1 : i32
      %mul3A_19 = arith.muli %scan3A_17, %mul3A_18 : i32
      %add3A_20 = arith.constant 0 : i32
      %add3A_21 = arith.addi %add3A_20, %mul3A_19 : i32
      %scan3A_22 = arith.constant 0 : i32
      %scan3A_23 = arith.constant 8 : i32
      %scan3A_24 = arith.addi %scan3A_22, %scan3A_23 : i32
      %scan3A_25 = arith.constant 1 : i32
      scf.for %scan3A_30 = %scan3A_22 to %scan3A_24 step %scan3A_25  : i32 {
        %mul3A_31 = arith.constant 1 : i32
        %mul3A_32 = arith.muli %scan3A_30, %mul3A_31 : i32
        %add3A_33 = arith.constant 0 : i32
        %add3A_34 = arith.addi %add3A_33, %mul3A_32 : i32
        %mul3A_35 = arith.constant 8 : i32
        %mul3A_36 = arith.muli %add3A_21, %mul3A_35 : i32
        %add3A_37 = arith.addi %add3A_34, %mul3A_36 : i32
        %mul3A_38 = arith.constant 65 : i32
        %mul3A_39 = vector.broadcast %mul3A_38 : i32 to vector<16xi32>
        %mul3A_40 = arith.muli %iota3A, %mul3A_39 : vector<16xi32>
        %mul3A_41 = arith.constant 1040 : i32
        %mul3A_42 = arith.muli %add3A_37, %mul3A_41 : i32
        %add3A_43 = vector.broadcast %mul3A_42 : i32 to vector<16xi32>
        %add3A_44 = arith.addi %mul3A_40, %add3A_43 : vector<16xi32>
        %scan3A_45 = arith.constant 0 : i32
        %scan3A_46 = arith.constant 64 : i32
        %scan3A_47 = arith.addi %scan3A_45, %scan3A_46 : i32
        %scan3A_48 = arith.constant 8 : i32
        %scan3A_49:2 = scf.for %scan3A_180 = %scan3A_45 to %scan3A_47 step %scan3A_48 iter_args(%scan3A_181 = %broadcast_in_dim3A_3, %scan3A_182 = %broadcast_in_dim3A_7) -> (vector<16xf32>, vector<16xi32>)  : i32 {
          %add3A_183 = vector.broadcast %scan3A_180 : i32 to vector<16xi32>
          %add3A_184 = arith.addi %add3A_44, %add3A_183 : vector<16xi32>
          %gather3A = tpu.vector_load_idx %arg5[%add3A_184] : memref<66560xf32, #tpu.memory_space<vmem>>[vector<16xi32>], vector<16xf32>,
          %gt3A = arith.cmpf ogt, %gather3A, %scan3A_181 : vector<16xf32>
          %select_n3A = arith.select %gt3A, %gather3A, %scan3A_181 : vector<16xi1>, vector<16xf32>
          %broadcast_in_dim3A_185 = vector.broadcast %scan3A_180 : i32 to vector<16xi32>
          %select_n3A_186 = arith.select %gt3A, %broadcast_in_dim3A_185, %scan3A_182 : vector<16xi1>, vector<16xi32>
          %scan3A_187 = arith.constant 1 : i32
          %scan3A_188 = arith.addi %scan3A_180, %scan3A_187 : i32
          %add3A_189 = vector.broadcast %scan3A_188 : i32 to vector<16xi32>
          %add3A_190 = arith.addi %add3A_44, %add3A_189 : vector<16xi32>
          %gather3A_191 = tpu.vector_load_idx %arg5[%add3A_190] : memref<66560xf32, #tpu.memory_space<vmem>>[vector<16xi32>], vector<16xf32>,
          %gt3A_192 = arith.cmpf ogt, %gather3A_191, %select_n3A : vector<16xf32>
          %select_n3A_193 = arith.select %gt3A_192, %gather3A_191, %select_n3A : vector<16xi1>, vector<16xf32>
          %broadcast_in_dim3A_194 = vector.broadcast %scan3A_188 : i32 to vector<16xi32>
          %select_n3A_195 = arith.select %gt3A_192, %broadcast_in_dim3A_194, %select_n3A_186 : vector<16xi1>, vector<16xi32>
          %scan3A_196 = arith.constant 2 : i32
          %scan3A_197 = arith.addi %scan3A_180, %scan3A_196 : i32
          %add3A_198 = vector.broadcast %scan3A_197 : i32 to vector<16xi32>
          %add3A_199 = arith.addi %add3A_44, %add3A_198 : vector<16xi32>
          %gather3A_200 = tpu.vector_load_idx %arg5[%add3A_199] : memref<66560xf32, #tpu.memory_space<vmem>>[vector<16xi32>], vector<16xf32>,
          %gt3A_201 = arith.cmpf ogt, %gather3A_200, %select_n3A_193 : vector<16xf32>
          %select_n3A_202 = arith.select %gt3A_201, %gather3A_200, %select_n3A_193 : vector<16xi1>, vector<16xf32>
          %broadcast_in_dim3A_203 = vector.broadcast %scan3A_197 : i32 to vector<16xi32>
          %select_n3A_204 = arith.select %gt3A_201, %broadcast_in_dim3A_203, %select_n3A_195 : vector<16xi1>, vector<16xi32>
          %scan3A_205 = arith.constant 3 : i32
          %scan3A_206 = arith.addi %scan3A_180, %scan3A_205 : i32
          %add3A_207 = vector.broadcast %scan3A_206 : i32 to vector<16xi32>
          %add3A_208 = arith.addi %add3A_44, %add3A_207 : vector<16xi32>
          %gather3A_209 = tpu.vector_load_idx %arg5[%add3A_208] : memref<66560xf32, #tpu.memory_space<vmem>>[vector<16xi32>], vector<16xf32>,
          %gt3A_210 = arith.cmpf ogt, %gather3A_209, %select_n3A_202 : vector<16xf32>
          %select_n3A_211 = arith.select %gt3A_210, %gather3A_209, %select_n3A_202 : vector<16xi1>, vector<16xf32>
          %broadcast_in_dim3A_212 = vector.broadcast %scan3A_206 : i32 to vector<16xi32>
          %select_n3A_213 = arith.select %gt3A_210, %broadcast_in_dim3A_212, %select_n3A_204 : vector<16xi1>, vector<16xi32>
          %scan3A_214 = arith.constant 4 : i32
          %scan3A_215 = arith.addi %scan3A_180, %scan3A_214 : i32
          %add3A_216 = vector.broadcast %scan3A_215 : i32 to vector<16xi32>
          %add3A_217 = arith.addi %add3A_44, %add3A_216 : vector<16xi32>
          %gather3A_218 = tpu.vector_load_idx %arg5[%add3A_217] : memref<66560xf32, #tpu.memory_space<vmem>>[vector<16xi32>], vector<16xf32>,
          %gt3A_219 = arith.cmpf ogt, %gather3A_218, %select_n3A_211 : vector<16xf32>
          %select_n3A_220 = arith.select %gt3A_219, %gather3A_218, %select_n3A_211 : vector<16xi1>, vector<16xf32>
          %broadcast_in_dim3A_221 = vector.broadcast %scan3A_215 : i32 to vector<16xi32>
          %select_n3A_222 = arith.select %gt3A_219, %broadcast_in_dim3A_221, %select_n3A_213 : vector<16xi1>, vector<16xi32>
          %scan3A_223 = arith.constant 5 : i32
          %scan3A_224 = arith.addi %scan3A_180, %scan3A_223 : i32
          %add3A_225 = vector.broadcast %scan3A_224 : i32 to vector<16xi32>
          %add3A_226 = arith.addi %add3A_44, %add3A_225 : vector<16xi32>
          %gather3A_227 = tpu.vector_load_idx %arg5[%add3A_226] : memref<66560xf32, #tpu.memory_space<vmem>>[vector<16xi32>], vector<16xf32>,
          %gt3A_228 = arith.cmpf ogt, %gather3A_227, %select_n3A_220 : vector<16xf32>
          %select_n3A_229 = arith.select %gt3A_228, %gather3A_227, %select_n3A_220 : vector<16xi1>, vector<16xf32>
          %broadcast_in_dim3A_230 = vector.broadcast %scan3A_224 : i32 to vector<16xi32>
          %select_n3A_231 = arith.select %gt3A_228, %broadcast_in_dim3A_230, %select_n3A_222 : vector<16xi1>, vector<16xi32>
          %scan3A_232 = arith.constant 6 : i32
          %scan3A_233 = arith.addi %scan3A_180, %scan3A_232 : i32
          %add3A_234 = vector.broadcast %scan3A_233 : i32 to vector<16xi32>
          %add3A_235 = arith.addi %add3A_44, %add3A_234 : vector<16xi32>
          %gather3A_236 = tpu.vector_load_idx %arg5[%add3A_235] : memref<66560xf32, #tpu.memory_space<vmem>>[vector<16xi32>], vector<16xf32>,
          %gt3A_237 = arith.cmpf ogt, %gather3A_236, %select_n3A_229 : vector<16xf32>
          %select_n3A_238 = arith.select %gt3A_237, %gather3A_236, %select_n3A_229 : vector<16xi1>, vector<16xf32>
          %broadcast_in_dim3A_239 = vector.broadcast %scan3A_233 : i32 to vector<16xi32>
          %select_n3A_240 = arith.select %gt3A_237, %broadcast_in_dim3A_239, %select_n3A_231 : vector<16xi1>, vector<16xi32>
          %scan3A_241 = arith.constant 7 : i32
          %scan3A_242 = arith.addi %scan3A_180, %scan3A_241 : i32
          %add3A_243 = vector.broadcast %scan3A_242 : i32 to vector<16xi32>
          %add3A_244 = arith.addi %add3A_44, %add3A_243 : vector<16xi32>
          %gather3A_245 = tpu.vector_load_idx %arg5[%add3A_244] : memref<66560xf32, #tpu.memory_space<vmem>>[vector<16xi32>], vector<16xf32>,
          %gt3A_246 = arith.cmpf ogt, %gather3A_245, %select_n3A_238 : vector<16xf32>
          %select_n3A_247 = arith.select %gt3A_246, %gather3A_245, %select_n3A_238 : vector<16xi1>, vector<16xf32>
          %broadcast_in_dim3A_248 = vector.broadcast %scan3A_242 : i32 to vector<16xi32>
          %select_n3A_249 = arith.select %gt3A_246, %broadcast_in_dim3A_248, %select_n3A_240 : vector<16xi1>, vector<16xi32>
          scf.yield %select_n3A_247, %select_n3A_249 : vector<16xf32>, vector<16xi32>
        }
        %scan3A_50 = arith.constant 64 : i32
        %broadcast_in_dim3A_51 = arith.constant 1.000000e+00 : f32
        %broadcast_in_dim3A_52 = vector.broadcast %broadcast_in_dim3A_51 : f32 to vector<16xf32>
        %add3A_53 = arith.addi %add3A_44, %scan3A_49#1 : vector<16xi32>
        tpu.vector_store_idx %arg5[%add3A_53], %broadcast_in_dim3A_3 : memref<66560xf32, #tpu.memory_space<vmem>>[vector<16xi32>], vector<16xf32>,
        %scan3A_54 = arith.constant 0 : i32
        %scan3A_55 = arith.constant 64 : i32
        %scan3A_56 = arith.addi %scan3A_54, %scan3A_55 : i32
        %scan3A_57 = arith.constant 8 : i32
        %scan3A_58:3 = scf.for %scan3A_180 = %scan3A_54 to %scan3A_56 step %scan3A_57 iter_args(%scan3A_181 = %broadcast_in_dim3A_52, %scan3A_182 = %broadcast_in_dim3A_3, %scan3A_183 = %broadcast_in_dim3A_7) -> (vector<16xf32>, vector<16xf32>, vector<16xi32>)  : i32 {
          %add3A_184 = vector.broadcast %scan3A_180 : i32 to vector<16xi32>
          %add3A_185 = arith.addi %add3A_44, %add3A_184 : vector<16xi32>
          %gather3A = tpu.vector_load_idx %arg5[%add3A_185] : memref<66560xf32, #tpu.memory_space<vmem>>[vector<16xi32>], vector<16xf32>,
          %sub3A = arith.subf %gather3A, %scan3A_49#0 : vector<16xf32>
          %abs3A = math.absf %gather3A : vector<16xf32>
          %max3A = arith.maximumf %abs3A, %scan3A_49#0 : vector<16xf32>
          %mul3A_186 = arith.constant -4.000000e-01 : f32
          %mul3A_187 = vector.broadcast %mul3A_186 : f32 to vector<16xf32>
          %mul3A_188 = arith.mulf %mul3A_187, %max3A : vector<16xf32>
          %lt3A = arith.cmpf olt, %sub3A, %mul3A_188 : vector<16xf32>
          %exp3A = math.exp %sub3A : vector<16xf32>
          %select_n3A = arith.select %lt3A, %broadcast_in_dim3A_5, %exp3A : vector<16xi1>, vector<16xf32>
          %gt3A = arith.cmpf ogt, %gather3A, %scan3A_182 : vector<16xf32>
          %add3A_189 = arith.addf %scan3A_181, %select_n3A : vector<16xf32>
          %select_n3A_190 = arith.select %gt3A, %gather3A, %scan3A_182 : vector<16xi1>, vector<16xf32>
          %broadcast_in_dim3A_191 = vector.broadcast %scan3A_180 : i32 to vector<16xi32>
          %select_n3A_192 = arith.select %gt3A, %broadcast_in_dim3A_191, %scan3A_183 : vector<16xi1>, vector<16xi32>
          %scan3A_193 = arith.constant 1 : i32
          %scan3A_194 = arith.addi %scan3A_180, %scan3A_193 : i32
          %add3A_195 = vector.broadcast %scan3A_194 : i32 to vector<16xi32>
          %add3A_196 = arith.addi %add3A_44, %add3A_195 : vector<16xi32>
          %gather3A_197 = tpu.vector_load_idx %arg5[%add3A_196] : memref<66560xf32, #tpu.memory_space<vmem>>[vector<16xi32>], vector<16xf32>,
          %sub3A_198 = arith.subf %gather3A_197, %scan3A_49#0 : vector<16xf32>
          %abs3A_199 = math.absf %gather3A_197 : vector<16xf32>
          %max3A_200 = arith.maximumf %abs3A_199, %scan3A_49#0 : vector<16xf32>
          %mul3A_201 = arith.constant -4.000000e-01 : f32
          %mul3A_202 = vector.broadcast %mul3A_201 : f32 to vector<16xf32>
          %mul3A_203 = arith.mulf %mul3A_202, %max3A_200 : vector<16xf32>
          %lt3A_204 = arith.cmpf olt, %sub3A_198, %mul3A_203 : vector<16xf32>
          %exp3A_205 = math.exp %sub3A_198 : vector<16xf32>
          %select_n3A_206 = arith.select %lt3A_204, %broadcast_in_dim3A_5, %exp3A_205 : vector<16xi1>, vector<16xf32>
          %gt3A_207 = arith.cmpf ogt, %gather3A_197, %select_n3A_190 : vector<16xf32>
          %add3A_208 = arith.addf %add3A_189, %select_n3A_206 : vector<16xf32>
          %select_n3A_209 = arith.select %gt3A_207, %gather3A_197, %select_n3A_190 : vector<16xi1>, vector<16xf32>
          %broadcast_in_dim3A_210 = vector.broadcast %scan3A_194 : i32 to vector<16xi32>
          %select_n3A_211 = arith.select %gt3A_207, %broadcast_in_dim3A_210, %select_n3A_192 : vector<16xi1>, vector<16xi32>
          %scan3A_212 = arith.constant 2 : i32
          %scan3A_213 = arith.addi %scan3A_180, %scan3A_212 : i32
          %add3A_214 = vector.broadcast %scan3A_213 : i32 to vector<16xi32>
          %add3A_215 = arith.addi %add3A_44, %add3A_214 : vector<16xi32>
          %gather3A_216 = tpu.vector_load_idx %arg5[%add3A_215] : memref<66560xf32, #tpu.memory_space<vmem>>[vector<16xi32>], vector<16xf32>,
          %sub3A_217 = arith.subf %gather3A_216, %scan3A_49#0 : vector<16xf32>
          %abs3A_218 = math.absf %gather3A_216 : vector<16xf32>
          %max3A_219 = arith.maximumf %abs3A_218, %scan3A_49#0 : vector<16xf32>
          %mul3A_220 = arith.constant -4.000000e-01 : f32
          %mul3A_221 = vector.broadcast %mul3A_220 : f32 to vector<16xf32>
          %mul3A_222 = arith.mulf %mul3A_221, %max3A_219 : vector<16xf32>
          %lt3A_223 = arith.cmpf olt, %sub3A_217, %mul3A_222 : vector<16xf32>
          %exp3A_224 = math.exp %sub3A_217 : vector<16xf32>
          %select_n3A_225 = arith.select %lt3A_223, %broadcast_in_dim3A_5, %exp3A_224 : vector<16xi1>, vector<16xf32>
          %gt3A_226 = arith.cmpf ogt, %gather3A_216, %select_n3A_209 : vector<16xf32>
          %add3A_227 = arith.addf %add3A_208, %select_n3A_225 : vector<16xf32>
          %select_n3A_228 = arith.select %gt3A_226, %gather3A_216, %select_n3A_209 : vector<16xi1>, vector<16xf32>
          %broadcast_in_dim3A_229 = vector.broadcast %scan3A_213 : i32 to vector<16xi32>
          %select_n3A_230 = arith.select %gt3A_226, %broadcast_in_dim3A_229, %select_n3A_211 : vector<16xi1>, vector<16xi32>
          %scan3A_231 = arith.constant 3 : i32
          %scan3A_232 = arith.addi %scan3A_180, %scan3A_231 : i32
          %add3A_233 = vector.broadcast %scan3A_232 : i32 to vector<16xi32>
          %add3A_234 = arith.addi %add3A_44, %add3A_233 : vector<16xi32>
          %gather3A_235 = tpu.vector_load_idx %arg5[%add3A_234] : memref<66560xf32, #tpu.memory_space<vmem>>[vector<16xi32>], vector<16xf32>,
          %sub3A_236 = arith.subf %gather3A_235, %scan3A_49#0 : vector<16xf32>
          %abs3A_237 = math.absf %gather3A_235 : vector<16xf32>
          %max3A_238 = arith.maximumf %abs3A_237, %scan3A_49#0 : vector<16xf32>
          %mul3A_239 = arith.constant -4.000000e-01 : f32
          %mul3A_240 = vector.broadcast %mul3A_239 : f32 to vector<16xf32>
          %mul3A_241 = arith.mulf %mul3A_240, %max3A_238 : vector<16xf32>
          %lt3A_242 = arith.cmpf olt, %sub3A_236, %mul3A_241 : vector<16xf32>
          %exp3A_243 = math.exp %sub3A_236 : vector<16xf32>
          %select_n3A_244 = arith.select %lt3A_242, %broadcast_in_dim3A_5, %exp3A_243 : vector<16xi1>, vector<16xf32>
          %gt3A_245 = arith.cmpf ogt, %gather3A_235, %select_n3A_228 : vector<16xf32>
          %add3A_246 = arith.addf %add3A_227, %select_n3A_244 : vector<16xf32>
          %select_n3A_247 = arith.select %gt3A_245, %gather3A_235, %select_n3A_228 : vector<16xi1>, vector<16xf32>
          %broadcast_in_dim3A_248 = vector.broadcast %scan3A_232 : i32 to vector<16xi32>
          %select_n3A_249 = arith.select %gt3A_245, %broadcast_in_dim3A_248, %select_n3A_230 : vector<16xi1>, vector<16xi32>
          %scan3A_250 = arith.constant 4 : i32
          %scan3A_251 = arith.addi %scan3A_180, %scan3A_250 : i32
          %add3A_252 = vector.broadcast %scan3A_251 : i32 to vector<16xi32>
          %add3A_253 = arith.addi %add3A_44, %add3A_252 : vector<16xi32>
          %gather3A_254 = tpu.vector_load_idx %arg5[%add3A_253] : memref<66560xf32, #tpu.memory_space<vmem>>[vector<16xi32>], vector<16xf32>,
          %sub3A_255 = arith.subf %gather3A_254, %scan3A_49#0 : vector<16xf32>
          %abs3A_256 = math.absf %gather3A_254 : vector<16xf32>
          %max3A_257 = arith.maximumf %abs3A_256, %scan3A_49#0 : vector<16xf32>
          %mul3A_258 = arith.constant -4.000000e-01 : f32
          %mul3A_259 = vector.broadcast %mul3A_258 : f32 to vector<16xf32>
          %mul3A_260 = arith.mulf %mul3A_259, %max3A_257 : vector<16xf32>
          %lt3A_261 = arith.cmpf olt, %sub3A_255, %mul3A_260 : vector<16xf32>
          %exp3A_262 = math.exp %sub3A_255 : vector<16xf32>
          %select_n3A_263 = arith.select %lt3A_261, %broadcast_in_dim3A_5, %exp3A_262 : vector<16xi1>, vector<16xf32>
          %gt3A_264 = arith.cmpf ogt, %gather3A_254, %select_n3A_247 : vector<16xf32>
          %add3A_265 = arith.addf %add3A_246, %select_n3A_263 : vector<16xf32>
          %select_n3A_266 = arith.select %gt3A_264, %gather3A_254, %select_n3A_247 : vector<16xi1>, vector<16xf32>
          %broadcast_in_dim3A_267 = vector.broadcast %scan3A_251 : i32 to vector<16xi32>
          %select_n3A_268 = arith.select %gt3A_264, %broadcast_in_dim3A_267, %select_n3A_249 : vector<16xi1>, vector<16xi32>
          %scan3A_269 = arith.constant 5 : i32
          %scan3A_270 = arith.addi %scan3A_180, %scan3A_269 : i32
          %add3A_271 = vector.broadcast %scan3A_270 : i32 to vector<16xi32>
          %add3A_272 = arith.addi %add3A_44, %add3A_271 : vector<16xi32>
          %gather3A_273 = tpu.vector_load_idx %arg5[%add3A_272] : memref<66560xf32, #tpu.memory_space<vmem>>[vector<16xi32>], vector<16xf32>,
          %sub3A_274 = arith.subf %gather3A_273, %scan3A_49#0 : vector<16xf32>
          %abs3A_275 = math.absf %gather3A_273 : vector<16xf32>
          %max3A_276 = arith.maximumf %abs3A_275, %scan3A_49#0 : vector<16xf32>
          %mul3A_277 = arith.constant -4.000000e-01 : f32
          %mul3A_278 = vector.broadcast %mul3A_277 : f32 to vector<16xf32>
          %mul3A_279 = arith.mulf %mul3A_278, %max3A_276 : vector<16xf32>
          %lt3A_280 = arith.cmpf olt, %sub3A_274, %mul3A_279 : vector<16xf32>
          %exp3A_281 = math.exp %sub3A_274 : vector<16xf32>
          %select_n3A_282 = arith.select %lt3A_280, %broadcast_in_dim3A_5, %exp3A_281 : vector<16xi1>, vector<16xf32>
          %gt3A_283 = arith.cmpf ogt, %gather3A_273, %select_n3A_266 : vector<16xf32>
          %add3A_284 = arith.addf %add3A_265, %select_n3A_282 : vector<16xf32>
          %select_n3A_285 = arith.select %gt3A_283, %gather3A_273, %select_n3A_266 : vector<16xi1>, vector<16xf32>
          %broadcast_in_dim3A_286 = vector.broadcast %scan3A_270 : i32 to vector<16xi32>
          %select_n3A_287 = arith.select %gt3A_283, %broadcast_in_dim3A_286, %select_n3A_268 : vector<16xi1>, vector<16xi32>
          %scan3A_288 = arith.constant 6 : i32
          %scan3A_289 = arith.addi %scan3A_180, %scan3A_288 : i32
          %add3A_290 = vector.broadcast %scan3A_289 : i32 to vector<16xi32>
          %add3A_291 = arith.addi %add3A_44, %add3A_290 : vector<16xi32>
          %gather3A_292 = tpu.vector_load_idx %arg5[%add3A_291] : memref<66560xf32, #tpu.memory_space<vmem>>[vector<16xi32>], vector<16xf32>,
          %sub3A_293 = arith.subf %gather3A_292, %scan3A_49#0 : vector<16xf32>
          %abs3A_294 = math.absf %gather3A_292 : vector<16xf32>
          %max3A_295 = arith.maximumf %abs3A_294, %scan3A_49#0 : vector<16xf32>
          %mul3A_296 = arith.constant -4.000000e-01 : f32
          %mul3A_297 = vector.broadcast %mul3A_296 : f32 to vector<16xf32>
          %mul3A_298 = arith.mulf %mul3A_297, %max3A_295 : vector<16xf32>
          %lt3A_299 = arith.cmpf olt, %sub3A_293, %mul3A_298 : vector<16xf32>
          %exp3A_300 = math.exp %sub3A_293 : vector<16xf32>
          %select_n3A_301 = arith.select %lt3A_299, %broadcast_in_dim3A_5, %exp3A_300 : vector<16xi1>, vector<16xf32>
          %gt3A_302 = arith.cmpf ogt, %gather3A_292, %select_n3A_285 : vector<16xf32>
          %add3A_303 = arith.addf %add3A_284, %select_n3A_301 : vector<16xf32>
          %select_n3A_304 = arith.select %gt3A_302, %gather3A_292, %select_n3A_285 : vector<16xi1>, vector<16xf32>
          %broadcast_in_dim3A_305 = vector.broadcast %scan3A_289 : i32 to vector<16xi32>
          %select_n3A_306 = arith.select %gt3A_302, %broadcast_in_dim3A_305, %select_n3A_287 : vector<16xi1>, vector<16xi32>
          %scan3A_307 = arith.constant 7 : i32
          %scan3A_308 = arith.addi %scan3A_180, %scan3A_307 : i32
          %add3A_309 = vector.broadcast %scan3A_308 : i32 to vector<16xi32>
          %add3A_310 = arith.addi %add3A_44, %add3A_309 : vector<16xi32>
          %gather3A_311 = tpu.vector_load_idx %arg5[%add3A_310] : memref<66560xf32, #tpu.memory_space<vmem>>[vector<16xi32>], vector<16xf32>,
          %sub3A_312 = arith.subf %gather3A_311, %scan3A_49#0 : vector<16xf32>
          %abs3A_313 = math.absf %gather3A_311 : vector<16xf32>
          %max3A_314 = arith.maximumf %abs3A_313, %scan3A_49#0 : vector<16xf32>
          %mul3A_315 = arith.constant -4.000000e-01 : f32
          %mul3A_316 = vector.broadcast %mul3A_315 : f32 to vector<16xf32>
          %mul3A_317 = arith.mulf %mul3A_316, %max3A_314 : vector<16xf32>
          %lt3A_318 = arith.cmpf olt, %sub3A_312, %mul3A_317 : vector<16xf32>
          %exp3A_319 = math.exp %sub3A_312 : vector<16xf32>
          %select_n3A_320 = arith.select %lt3A_318, %broadcast_in_dim3A_5, %exp3A_319 : vector<16xi1>, vector<16xf32>
          %gt3A_321 = arith.cmpf ogt, %gather3A_311, %select_n3A_304 : vector<16xf32>
          %add3A_322 = arith.addf %add3A_303, %select_n3A_320 : vector<16xf32>
          %select_n3A_323 = arith.select %gt3A_321, %gather3A_311, %select_n3A_304 : vector<16xi1>, vector<16xf32>
          %broadcast_in_dim3A_324 = vector.broadcast %scan3A_308 : i32 to vector<16xi32>
          %select_n3A_325 = arith.select %gt3A_321, %broadcast_in_dim3A_324, %select_n3A_306 : vector<16xi1>, vector<16xi32>
          scf.yield %add3A_322, %select_n3A_323, %select_n3A_325 : vector<16xf32>, vector<16xf32>, vector<16xi32>
        }
        %scan3A_59 = arith.constant 64 : i32
        %mul3A_60 = arith.constant 16 : i32
        %mul3A_61 = arith.muli %add3A_34, %mul3A_60 : i32
        %add3A_62 = vector.broadcast %mul3A_61 : i32 to vector<16xi32>
        %add3A_63 = arith.addi %add3A_62, %iota3A : vector<16xi32>
        %broadcast_in_dim3A_64 = arith.constant 0 : i32
        %broadcast_in_dim3A_65 = vector.broadcast %broadcast_in_dim3A_64 : i32 to vector<16xi32>
        tpu.vector_store_idx %arg7[%add3A_63, %broadcast_in_dim3A_65], %scan3A_49#1 : memref<128x8xi32, #tpu.memory_space<vmem>>[vector<16xi32>, vector<16xi32>], vector<16xi32>,
        %div3A = arith.constant 1.000000e+00 : f32
        %div3A_66 = vector.broadcast %div3A : f32 to vector<16xf32>
        %div3A_67 = arith.divf %div3A_66, %scan3A_58#0 : vector<16xf32>
        tpu.vector_store_idx %arg8[%add3A_63, %broadcast_in_dim3A_65], %div3A_67 : memref<128x8xf32, #tpu.memory_space<vmem>>[vector<16xi32>, vector<16xi32>], vector<16xf32>,
        %add3A_68 = arith.addi %add3A_44, %scan3A_58#2 : vector<16xi32>
        tpu.vector_store_idx %arg5[%add3A_68], %broadcast_in_dim3A_3 : memref<66560xf32, #tpu.memory_space<vmem>>[vector<16xi32>], vector<16xf32>,
        %scan3A_69 = arith.constant 0 : i32
        %scan3A_70 = arith.constant 64 : i32
        %scan3A_71 = arith.addi %scan3A_69, %scan3A_70 : i32
        %scan3A_72 = arith.constant 8 : i32
        %scan3A_73:3 = scf.for %scan3A_180 = %scan3A_69 to %scan3A_71 step %scan3A_72 iter_args(%scan3A_181 = %broadcast_in_dim3A_52, %scan3A_182 = %broadcast_in_dim3A_3, %scan3A_183 = %broadcast_in_dim3A_7) -> (vector<16xf32>, vector<16xf32>, vector<16xi32>)  : i32 {
          %add3A_184 = vector.broadcast %scan3A_180 : i32 to vector<16xi32>
          %add3A_185 = arith.addi %add3A_44, %add3A_184 : vector<16xi32>
          %gather3A = tpu.vector_load_idx %arg5[%add3A_185] : memref<66560xf32, #tpu.memory_space<vmem>>[vector<16xi32>], vector<16xf32>,
          %sub3A = arith.subf %gather3A, %scan3A_58#1 : vector<16xf32>
          %abs3A = math.absf %gather3A : vector<16xf32>
          %max3A = arith.maximumf %abs3A, %scan3A_58#1 : vector<16xf32>
          %mul3A_186 = arith.constant -4.000000e-01 : f32
          %mul3A_187 = vector.broadcast %mul3A_186 : f32 to vector<16xf32>
          %mul3A_188 = arith.mulf %mul3A_187, %max3A : vector<16xf32>
          %lt3A = arith.cmpf olt, %sub3A, %mul3A_188 : vector<16xf32>
          %exp3A = math.exp %sub3A : vector<16xf32>
          %select_n3A = arith.select %lt3A, %broadcast_in_dim3A_5, %exp3A : vector<16xi1>, vector<16xf32>
          %gt3A = arith.cmpf ogt, %gather3A, %scan3A_182 : vector<16xf32>
          %add3A_189 = arith.addf %scan3A_181, %select_n3A : vector<16xf32>
          %select_n3A_190 = arith.select %gt3A, %gather3A, %scan3A_182 : vector<16xi1>, vector<16xf32>
          %broadcast_in_dim3A_191 = vector.broadcast %scan3A_180 : i32 to vector<16xi32>
          %select_n3A_192 = arith.select %gt3A, %broadcast_in_dim3A_191, %scan3A_183 : vector<16xi1>, vector<16xi32>
          %scan3A_193 = arith.constant 1 : i32
          %scan3A_194 = arith.addi %scan3A_180, %scan3A_193 : i32
          %add3A_195 = vector.broadcast %scan3A_194 : i32 to vector<16xi32>
          %add3A_196 = arith.addi %add3A_44, %add3A_195 : vector<16xi32>
          %gather3A_197 = tpu.vector_load_idx %arg5[%add3A_196] : memref<66560xf32, #tpu.memory_space<vmem>>[vector<16xi32>], vector<16xf32>,
          %sub3A_198 = arith.subf %gather3A_197, %scan3A_58#1 : vector<16xf32>
          %abs3A_199 = math.absf %gather3A_197 : vector<16xf32>
          %max3A_200 = arith.maximumf %abs3A_199, %scan3A_58#1 : vector<16xf32>
          %mul3A_201 = arith.constant -4.000000e-01 : f32
          %mul3A_202 = vector.broadcast %mul3A_201 : f32 to vector<16xf32>
          %mul3A_203 = arith.mulf %mul3A_202, %max3A_200 : vector<16xf32>
          %lt3A_204 = arith.cmpf olt, %sub3A_198, %mul3A_203 : vector<16xf32>
          %exp3A_205 = math.exp %sub3A_198 : vector<16xf32>
          %select_n3A_206 = arith.select %lt3A_204, %broadcast_in_dim3A_5, %exp3A_205 : vector<16xi1>, vector<16xf32>
          %gt3A_207 = arith.cmpf ogt, %gather3A_197, %select_n3A_190 : vector<16xf32>
          %add3A_208 = arith.addf %add3A_189, %select_n3A_206 : vector<16xf32>
          %select_n3A_209 = arith.select %gt3A_207, %gather3A_197, %select_n3A_190 : vector<16xi1>, vector<16xf32>
          %broadcast_in_dim3A_210 = vector.broadcast %scan3A_194 : i32 to vector<16xi32>
          %select_n3A_211 = arith.select %gt3A_207, %broadcast_in_dim3A_210, %select_n3A_192 : vector<16xi1>, vector<16xi32>
          %scan3A_212 = arith.constant 2 : i32
          %scan3A_213 = arith.addi %scan3A_180, %scan3A_212 : i32
          %add3A_214 = vector.broadcast %scan3A_213 : i32 to vector<16xi32>
          %add3A_215 = arith.addi %add3A_44, %add3A_214 : vector<16xi32>
          %gather3A_216 = tpu.vector_load_idx %arg5[%add3A_215] : memref<66560xf32, #tpu.memory_space<vmem>>[vector<16xi32>], vector<16xf32>,
          %sub3A_217 = arith.subf %gather3A_216, %scan3A_58#1 : vector<16xf32>
          %abs3A_218 = math.absf %gather3A_216 : vector<16xf32>
          %max3A_219 = arith.maximumf %abs3A_218, %scan3A_58#1 : vector<16xf32>
          %mul3A_220 = arith.constant -4.000000e-01 : f32
          %mul3A_221 = vector.broadcast %mul3A_220 : f32 to vector<16xf32>
          %mul3A_222 = arith.mulf %mul3A_221, %max3A_219 : vector<16xf32>
          %lt3A_223 = arith.cmpf olt, %sub3A_217, %mul3A_222 : vector<16xf32>
          %exp3A_224 = math.exp %sub3A_217 : vector<16xf32>
          %select_n3A_225 = arith.select %lt3A_223, %broadcast_in_dim3A_5, %exp3A_224 : vector<16xi1>, vector<16xf32>
          %gt3A_226 = arith.cmpf ogt, %gather3A_216, %select_n3A_209 : vector<16xf32>
          %add3A_227 = arith.addf %add3A_208, %select_n3A_225 : vector<16xf32>
          %select_n3A_228 = arith.select %gt3A_226, %gather3A_216, %select_n3A_209 : vector<16xi1>, vector<16xf32>
          %broadcast_in_dim3A_229 = vector.broadcast %scan3A_213 : i32 to vector<16xi32>
          %select_n3A_230 = arith.select %gt3A_226, %broadcast_in_dim3A_229, %select_n3A_211 : vector<16xi1>, vector<16xi32>
          %scan3A_231 = arith.constant 3 : i32
          %scan3A_232 = arith.addi %scan3A_180, %scan3A_231 : i32
          %add3A_233 = vector.broadcast %scan3A_232 : i32 to vector<16xi32>
          %add3A_234 = arith.addi %add3A_44, %add3A_233 : vector<16xi32>
          %gather3A_235 = tpu.vector_load_idx %arg5[%add3A_234] : memref<66560xf32, #tpu.memory_space<vmem>>[vector<16xi32>], vector<16xf32>,
          %sub3A_236 = arith.subf %gather3A_235, %scan3A_58#1 : vector<16xf32>
          %abs3A_237 = math.absf %gather3A_235 : vector<16xf32>
          %max3A_238 = arith.maximumf %abs3A_237, %scan3A_58#1 : vector<16xf32>
          %mul3A_239 = arith.constant -4.000000e-01 : f32
          %mul3A_240 = vector.broadcast %mul3A_239 : f32 to vector<16xf32>
          %mul3A_241 = arith.mulf %mul3A_240, %max3A_238 : vector<16xf32>
          %lt3A_242 = arith.cmpf olt, %sub3A_236, %mul3A_241 : vector<16xf32>
          %exp3A_243 = math.exp %sub3A_236 : vector<16xf32>
          %select_n3A_244 = arith.select %lt3A_242, %broadcast_in_dim3A_5, %exp3A_243 : vector<16xi1>, vector<16xf32>
          %gt3A_245 = arith.cmpf ogt, %gather3A_235, %select_n3A_228 : vector<16xf32>
          %add3A_246 = arith.addf %add3A_227, %select_n3A_244 : vector<16xf32>
          %select_n3A_247 = arith.select %gt3A_245, %gather3A_235, %select_n3A_228 : vector<16xi1>, vector<16xf32>
          %broadcast_in_dim3A_248 = vector.broadcast %scan3A_232 : i32 to vector<16xi32>
          %select_n3A_249 = arith.select %gt3A_245, %broadcast_in_dim3A_248, %select_n3A_230 : vector<16xi1>, vector<16xi32>
          %scan3A_250 = arith.constant 4 : i32
          %scan3A_251 = arith.addi %scan3A_180, %scan3A_250 : i32
          %add3A_252 = vector.broadcast %scan3A_251 : i32 to vector<16xi32>
          %add3A_253 = arith.addi %add3A_44, %add3A_252 : vector<16xi32>
          %gather3A_254 = tpu.vector_load_idx %arg5[%add3A_253] : memref<66560xf32, #tpu.memory_space<vmem>>[vector<16xi32>], vector<16xf32>,
          %sub3A_255 = arith.subf %gather3A_254, %scan3A_58#1 : vector<16xf32>
          %abs3A_256 = math.absf %gather3A_254 : vector<16xf32>
          %max3A_257 = arith.maximumf %abs3A_256, %scan3A_58#1 : vector<16xf32>
          %mul3A_258 = arith.constant -4.000000e-01 : f32
          %mul3A_259 = vector.broadcast %mul3A_258 : f32 to vector<16xf32>
          %mul3A_260 = arith.mulf %mul3A_259, %max3A_257 : vector<16xf32>
          %lt3A_261 = arith.cmpf olt, %sub3A_255, %mul3A_260 : vector<16xf32>
          %exp3A_262 = math.exp %sub3A_255 : vector<16xf32>
          %select_n3A_263 = arith.select %lt3A_261, %broadcast_in_dim3A_5, %exp3A_262 : vector<16xi1>, vector<16xf32>
          %gt3A_264 = arith.cmpf ogt, %gather3A_254, %select_n3A_247 : vector<16xf32>
          %add3A_265 = arith.addf %add3A_246, %select_n3A_263 : vector<16xf32>
          %select_n3A_266 = arith.select %gt3A_264, %gather3A_254, %select_n3A_247 : vector<16xi1>, vector<16xf32>
          %broadcast_in_dim3A_267 = vector.broadcast %scan3A_251 : i32 to vector<16xi32>
          %select_n3A_268 = arith.select %gt3A_264, %broadcast_in_dim3A_267, %select_n3A_249 : vector<16xi1>, vector<16xi32>
          %scan3A_269 = arith.constant 5 : i32
          %scan3A_270 = arith.addi %scan3A_180, %scan3A_269 : i32
          %add3A_271 = vector.broadcast %scan3A_270 : i32 to vector<16xi32>
          %add3A_272 = arith.addi %add3A_44, %add3A_271 : vector<16xi32>
          %gather3A_273 = tpu.vector_load_idx %arg5[%add3A_272] : memref<66560xf32, #tpu.memory_space<vmem>>[vector<16xi32>], vector<16xf32>,
          %sub3A_274 = arith.subf %gather3A_273, %scan3A_58#1 : vector<16xf32>
          %abs3A_275 = math.absf %gather3A_273 : vector<16xf32>
          %max3A_276 = arith.maximumf %abs3A_275, %scan3A_58#1 : vector<16xf32>
          %mul3A_277 = arith.constant -4.000000e-01 : f32
          %mul3A_278 = vector.broadcast %mul3A_277 : f32 to vector<16xf32>
          %mul3A_279 = arith.mulf %mul3A_278, %max3A_276 : vector<16xf32>
          %lt3A_280 = arith.cmpf olt, %sub3A_274, %mul3A_279 : vector<16xf32>
          %exp3A_281 = math.exp %sub3A_274 : vector<16xf32>
          %select_n3A_282 = arith.select %lt3A_280, %broadcast_in_dim3A_5, %exp3A_281 : vector<16xi1>, vector<16xf32>
          %gt3A_283 = arith.cmpf ogt, %gather3A_273, %select_n3A_266 : vector<16xf32>
          %add3A_284 = arith.addf %add3A_265, %select_n3A_282 : vector<16xf32>
          %select_n3A_285 = arith.select %gt3A_283, %gather3A_273, %select_n3A_266 : vector<16xi1>, vector<16xf32>
          %broadcast_in_dim3A_286 = vector.broadcast %scan3A_270 : i32 to vector<16xi32>
          %select_n3A_287 = arith.select %gt3A_283, %broadcast_in_dim3A_286, %select_n3A_268 : vector<16xi1>, vector<16xi32>
          %scan3A_288 = arith.constant 6 : i32
          %scan3A_289 = arith.addi %scan3A_180, %scan3A_288 : i32
          %add3A_290 = vector.broadcast %scan3A_289 : i32 to vector<16xi32>
          %add3A_291 = arith.addi %add3A_44, %add3A_290 : vector<16xi32>
          %gather3A_292 = tpu.vector_load_idx %arg5[%add3A_291] : memref<66560xf32, #tpu.memory_space<vmem>>[vector<16xi32>], vector<16xf32>,
          %sub3A_293 = arith.subf %gather3A_292, %scan3A_58#1 : vector<16xf32>
          %abs3A_294 = math.absf %gather3A_292 : vector<16xf32>
          %max3A_295 = arith.maximumf %abs3A_294, %scan3A_58#1 : vector<16xf32>
          %mul3A_296 = arith.constant -4.000000e-01 : f32
          %mul3A_297 = vector.broadcast %mul3A_296 : f32 to vector<16xf32>
          %mul3A_298 = arith.mulf %mul3A_297, %max3A_295 : vector<16xf32>
          %lt3A_299 = arith.cmpf olt, %sub3A_293, %mul3A_298 : vector<16xf32>
          %exp3A_300 = math.exp %sub3A_293 : vector<16xf32>
          %select_n3A_301 = arith.select %lt3A_299, %broadcast_in_dim3A_5, %exp3A_300 : vector<16xi1>, vector<16xf32>
          %gt3A_302 = arith.cmpf ogt, %gather3A_292, %select_n3A_285 : vector<16xf32>
          %add3A_303 = arith.addf %add3A_284, %select_n3A_301 : vector<16xf32>
          %select_n3A_304 = arith.select %gt3A_302, %gather3A_292, %select_n3A_285 : vector<16xi1>, vector<16xf32>
          %broadcast_in_dim3A_305 = vector.broadcast %scan3A_289 : i32 to vector<16xi32>
          %select_n3A_306 = arith.select %gt3A_302, %broadcast_in_dim3A_305, %select_n3A_287 : vector<16xi1>, vector<16xi32>
          %scan3A_307 = arith.constant 7 : i32
          %scan3A_308 = arith.addi %scan3A_180, %scan3A_307 : i32
          %add3A_309 = vector.broadcast %scan3A_308 : i32 to vector<16xi32>
          %add3A_310 = arith.addi %add3A_44, %add3A_309 : vector<16xi32>
          %gather3A_311 = tpu.vector_load_idx %arg5[%add3A_310] : memref<66560xf32, #tpu.memory_space<vmem>>[vector<16xi32>], vector<16xf32>,
          %sub3A_312 = arith.subf %gather3A_311, %scan3A_58#1 : vector<16xf32>
          %abs3A_313 = math.absf %gather3A_311 : vector<16xf32>
          %max3A_314 = arith.maximumf %abs3A_313, %scan3A_58#1 : vector<16xf32>
          %mul3A_315 = arith.constant -4.000000e-01 : f32
          %mul3A_316 = vector.broadcast %mul3A_315 : f32 to vector<16xf32>
          %mul3A_317 = arith.mulf %mul3A_316, %max3A_314 : vector<16xf32>
          %lt3A_318 = arith.cmpf olt, %sub3A_312, %mul3A_317 : vector<16xf32>
          %exp3A_319 = math.exp %sub3A_312 : vector<16xf32>
          %select_n3A_320 = arith.select %lt3A_318, %broadcast_in_dim3A_5, %exp3A_319 : vector<16xi1>, vector<16xf32>
          %gt3A_321 = arith.cmpf ogt, %gather3A_311, %select_n3A_304 : vector<16xf32>
          %add3A_322 = arith.addf %add3A_303, %select_n3A_320 : vector<16xf32>
          %select_n3A_323 = arith.select %gt3A_321, %gather3A_311, %select_n3A_304 : vector<16xi1>, vector<16xf32>
          %broadcast_in_dim3A_324 = vector.broadcast %scan3A_308 : i32 to vector<16xi32>
          %select_n3A_325 = arith.select %gt3A_321, %broadcast_in_dim3A_324, %select_n3A_306 : vector<16xi1>, vector<16xi32>
          scf.yield %add3A_322, %select_n3A_323, %select_n3A_325 : vector<16xf32>, vector<16xf32>, vector<16xi32>
        }
        %scan3A_74 = arith.constant 64 : i32
        %mul3A_75 = arith.constant 16 : i32
        %mul3A_76 = arith.muli %add3A_34, %mul3A_75 : i32
        %add3A_77 = vector.broadcast %mul3A_76 : i32 to vector<16xi32>
        %add3A_78 = arith.addi %add3A_77, %iota3A : vector<16xi32>
        %broadcast_in_dim3A_79 = arith.constant 1 : i32
        %broadcast_in_dim3A_80 = vector.broadcast %broadcast_in_dim3A_79 : i32 to vector<16xi32>
        tpu.vector_store_idx %arg7[%add3A_78, %broadcast_in_dim3A_80], %scan3A_58#2 : memref<128x8xi32, #tpu.memory_space<vmem>>[vector<16xi32>, vector<16xi32>], vector<16xi32>,
        %div3A_81 = arith.constant 1.000000e+00 : f32
        %div3A_82 = vector.broadcast %div3A_81 : f32 to vector<16xf32>
        %div3A_83 = arith.divf %div3A_82, %scan3A_73#0 : vector<16xf32>
        tpu.vector_store_idx %arg8[%add3A_78, %broadcast_in_dim3A_80], %div3A_83 : memref<128x8xf32, #tpu.memory_space<vmem>>[vector<16xi32>, vector<16xi32>], vector<16xf32>,
        %add3A_84 = arith.addi %add3A_44, %scan3A_73#2 : vector<16xi32>
        tpu.vector_store_idx %arg5[%add3A_84], %broadcast_in_dim3A_3 : memref<66560xf32, #tpu.memory_space<vmem>>[vector<16xi32>], vector<16xf32>,
        %scan3A_85 = arith.constant 0 : i32
        %scan3A_86 = arith.constant 64 : i32
        %scan3A_87 = arith.addi %scan3A_85, %scan3A_86 : i32
        %scan3A_88 = arith.constant 8 : i32
        %scan3A_89:3 = scf.for %scan3A_180 = %scan3A_85 to %scan3A_87 step %scan3A_88 iter_args(%scan3A_181 = %broadcast_in_dim3A_52, %scan3A_182 = %broadcast_in_dim3A_3, %scan3A_183 = %broadcast_in_dim3A_7) -> (vector<16xf32>, vector<16xf32>, vector<16xi32>)  : i32 {
          %add3A_184 = vector.broadcast %scan3A_180 : i32 to vector<16xi32>
          %add3A_185 = arith.addi %add3A_44, %add3A_184 : vector<16xi32>
          %gather3A = tpu.vector_load_idx %arg5[%add3A_185] : memref<66560xf32, #tpu.memory_space<vmem>>[vector<16xi32>], vector<16xf32>,
          %sub3A = arith.subf %gather3A, %scan3A_73#1 : vector<16xf32>
          %abs3A = math.absf %gather3A : vector<16xf32>
          %max3A = arith.maximumf %abs3A, %scan3A_73#1 : vector<16xf32>
          %mul3A_186 = arith.constant -4.000000e-01 : f32
          %mul3A_187 = vector.broadcast %mul3A_186 : f32 to vector<16xf32>
          %mul3A_188 = arith.mulf %mul3A_187, %max3A : vector<16xf32>
          %lt3A = arith.cmpf olt, %sub3A, %mul3A_188 : vector<16xf32>
          %exp3A = math.exp %sub3A : vector<16xf32>
          %select_n3A = arith.select %lt3A, %broadcast_in_dim3A_5, %exp3A : vector<16xi1>, vector<16xf32>
          %gt3A = arith.cmpf ogt, %gather3A, %scan3A_182 : vector<16xf32>
          %add3A_189 = arith.addf %scan3A_181, %select_n3A : vector<16xf32>
          %select_n3A_190 = arith.select %gt3A, %gather3A, %scan3A_182 : vector<16xi1>, vector<16xf32>
          %broadcast_in_dim3A_191 = vector.broadcast %scan3A_180 : i32 to vector<16xi32>
          %select_n3A_192 = arith.select %gt3A, %broadcast_in_dim3A_191, %scan3A_183 : vector<16xi1>, vector<16xi32>
          %scan3A_193 = arith.constant 1 : i32
          %scan3A_194 = arith.addi %scan3A_180, %scan3A_193 : i32
          %add3A_195 = vector.broadcast %scan3A_194 : i32 to vector<16xi32>
          %add3A_196 = arith.addi %add3A_44, %add3A_195 : vector<16xi32>
          %gather3A_197 = tpu.vector_load_idx %arg5[%add3A_196] : memref<66560xf32, #tpu.memory_space<vmem>>[vector<16xi32>], vector<16xf32>,
          %sub3A_198 = arith.subf %gather3A_197, %scan3A_73#1 : vector<16xf32>
          %abs3A_199 = math.absf %gather3A_197 : vector<16xf32>
          %max3A_200 = arith.maximumf %abs3A_199, %scan3A_73#1 : vector<16xf32>
          %mul3A_201 = arith.constant -4.000000e-01 : f32
          %mul3A_202 = vector.broadcast %mul3A_201 : f32 to vector<16xf32>
          %mul3A_203 = arith.mulf %mul3A_202, %max3A_200 : vector<16xf32>
          %lt3A_204 = arith.cmpf olt, %sub3A_198, %mul3A_203 : vector<16xf32>
          %exp3A_205 = math.exp %sub3A_198 : vector<16xf32>
          %select_n3A_206 = arith.select %lt3A_204, %broadcast_in_dim3A_5, %exp3A_205 : vector<16xi1>, vector<16xf32>
          %gt3A_207 = arith.cmpf ogt, %gather3A_197, %select_n3A_190 : vector<16xf32>
          %add3A_208 = arith.addf %add3A_189, %select_n3A_206 : vector<16xf32>
          %select_n3A_209 = arith.select %gt3A_207, %gather3A_197, %select_n3A_190 : vector<16xi1>, vector<16xf32>
          %broadcast_in_dim3A_210 = vector.broadcast %scan3A_194 : i32 to vector<16xi32>
          %select_n3A_211 = arith.select %gt3A_207, %broadcast_in_dim3A_210, %select_n3A_192 : vector<16xi1>, vector<16xi32>
          %scan3A_212 = arith.constant 2 : i32
          %scan3A_213 = arith.addi %scan3A_180, %scan3A_212 : i32
          %add3A_214 = vector.broadcast %scan3A_213 : i32 to vector<16xi32>
          %add3A_215 = arith.addi %add3A_44, %add3A_214 : vector<16xi32>
          %gather3A_216 = tpu.vector_load_idx %arg5[%add3A_215] : memref<66560xf32, #tpu.memory_space<vmem>>[vector<16xi32>], vector<16xf32>,
          %sub3A_217 = arith.subf %gather3A_216, %scan3A_73#1 : vector<16xf32>
          %abs3A_218 = math.absf %gather3A_216 : vector<16xf32>
          %max3A_219 = arith.maximumf %abs3A_218, %scan3A_73#1 : vector<16xf32>
          %mul3A_220 = arith.constant -4.000000e-01 : f32
          %mul3A_221 = vector.broadcast %mul3A_220 : f32 to vector<16xf32>
          %mul3A_222 = arith.mulf %mul3A_221, %max3A_219 : vector<16xf32>
          %lt3A_223 = arith.cmpf olt, %sub3A_217, %mul3A_222 : vector<16xf32>
          %exp3A_224 = math.exp %sub3A_217 : vector<16xf32>
          %select_n3A_225 = arith.select %lt3A_223, %broadcast_in_dim3A_5, %exp3A_224 : vector<16xi1>, vector<16xf32>
          %gt3A_226 = arith.cmpf ogt, %gather3A_216, %select_n3A_209 : vector<16xf32>
          %add3A_227 = arith.addf %add3A_208, %select_n3A_225 : vector<16xf32>
          %select_n3A_228 = arith.select %gt3A_226, %gather3A_216, %select_n3A_209 : vector<16xi1>, vector<16xf32>
          %broadcast_in_dim3A_229 = vector.broadcast %scan3A_213 : i32 to vector<16xi32>
          %select_n3A_230 = arith.select %gt3A_226, %broadcast_in_dim3A_229, %select_n3A_211 : vector<16xi1>, vector<16xi32>
          %scan3A_231 = arith.constant 3 : i32
          %scan3A_232 = arith.addi %scan3A_180, %scan3A_231 : i32
          %add3A_233 = vector.broadcast %scan3A_232 : i32 to vector<16xi32>
          %add3A_234 = arith.addi %add3A_44, %add3A_233 : vector<16xi32>
          %gather3A_235 = tpu.vector_load_idx %arg5[%add3A_234] : memref<66560xf32, #tpu.memory_space<vmem>>[vector<16xi32>], vector<16xf32>,
          %sub3A_236 = arith.subf %gather3A_235, %scan3A_73#1 : vector<16xf32>
          %abs3A_237 = math.absf %gather3A_235 : vector<16xf32>
          %max3A_238 = arith.maximumf %abs3A_237, %scan3A_73#1 : vector<16xf32>
          %mul3A_239 = arith.constant -4.000000e-01 : f32
          %mul3A_240 = vector.broadcast %mul3A_239 : f32 to vector<16xf32>
          %mul3A_241 = arith.mulf %mul3A_240, %max3A_238 : vector<16xf32>
          %lt3A_242 = arith.cmpf olt, %sub3A_236, %mul3A_241 : vector<16xf32>
          %exp3A_243 = math.exp %sub3A_236 : vector<16xf32>
          %select_n3A_244 = arith.select %lt3A_242, %broadcast_in_dim3A_5, %exp3A_243 : vector<16xi1>, vector<16xf32>
          %gt3A_245 = arith.cmpf ogt, %gather3A_235, %select_n3A_228 : vector<16xf32>
          %add3A_246 = arith.addf %add3A_227, %select_n3A_244 : vector<16xf32>
          %select_n3A_247 = arith.select %gt3A_245, %gather3A_235, %select_n3A_228 : vector<16xi1>, vector<16xf32>
          %broadcast_in_dim3A_248 = vector.broadcast %scan3A_232 : i32 to vector<16xi32>
          %select_n3A_249 = arith.select %gt3A_245, %broadcast_in_dim3A_248, %select_n3A_230 : vector<16xi1>, vector<16xi32>
          %scan3A_250 = arith.constant 4 : i32
          %scan3A_251 = arith.addi %scan3A_180, %scan3A_250 : i32
          %add3A_252 = vector.broadcast %scan3A_251 : i32 to vector<16xi32>
          %add3A_253 = arith.addi %add3A_44, %add3A_252 : vector<16xi32>
          %gather3A_254 = tpu.vector_load_idx %arg5[%add3A_253] : memref<66560xf32, #tpu.memory_space<vmem>>[vector<16xi32>], vector<16xf32>,
          %sub3A_255 = arith.subf %gather3A_254, %scan3A_73#1 : vector<16xf32>
          %abs3A_256 = math.absf %gather3A_254 : vector<16xf32>
          %max3A_257 = arith.maximumf %abs3A_256, %scan3A_73#1 : vector<16xf32>
          %mul3A_258 = arith.constant -4.000000e-01 : f32
          %mul3A_259 = vector.broadcast %mul3A_258 : f32 to vector<16xf32>
          %mul3A_260 = arith.mulf %mul3A_259, %max3A_257 : vector<16xf32>
          %lt3A_261 = arith.cmpf olt, %sub3A_255, %mul3A_260 : vector<16xf32>
          %exp3A_262 = math.exp %sub3A_255 : vector<16xf32>
          %select_n3A_263 = arith.select %lt3A_261, %broadcast_in_dim3A_5, %exp3A_262 : vector<16xi1>, vector<16xf32>
          %gt3A_264 = arith.cmpf ogt, %gather3A_254, %select_n3A_247 : vector<16xf32>
          %add3A_265 = arith.addf %add3A_246, %select_n3A_263 : vector<16xf32>
          %select_n3A_266 = arith.select %gt3A_264, %gather3A_254, %select_n3A_247 : vector<16xi1>, vector<16xf32>
          %broadcast_in_dim3A_267 = vector.broadcast %scan3A_251 : i32 to vector<16xi32>
          %select_n3A_268 = arith.select %gt3A_264, %broadcast_in_dim3A_267, %select_n3A_249 : vector<16xi1>, vector<16xi32>
          %scan3A_269 = arith.constant 5 : i32
          %scan3A_270 = arith.addi %scan3A_180, %scan3A_269 : i32
          %add3A_271 = vector.broadcast %scan3A_270 : i32 to vector<16xi32>
          %add3A_272 = arith.addi %add3A_44, %add3A_271 : vector<16xi32>
          %gather3A_273 = tpu.vector_load_idx %arg5[%add3A_272] : memref<66560xf32, #tpu.memory_space<vmem>>[vector<16xi32>], vector<16xf32>,
          %sub3A_274 = arith.subf %gather3A_273, %scan3A_73#1 : vector<16xf32>
          %abs3A_275 = math.absf %gather3A_273 : vector<16xf32>
          %max3A_276 = arith.maximumf %abs3A_275, %scan3A_73#1 : vector<16xf32>
          %mul3A_277 = arith.constant -4.000000e-01 : f32
          %mul3A_278 = vector.broadcast %mul3A_277 : f32 to vector<16xf32>
          %mul3A_279 = arith.mulf %mul3A_278, %max3A_276 : vector<16xf32>
          %lt3A_280 = arith.cmpf olt, %sub3A_274, %mul3A_279 : vector<16xf32>
          %exp3A_281 = math.exp %sub3A_274 : vector<16xf32>
          %select_n3A_282 = arith.select %lt3A_280, %broadcast_in_dim3A_5, %exp3A_281 : vector<16xi1>, vector<16xf32>
          %gt3A_283 = arith.cmpf ogt, %gather3A_273, %select_n3A_266 : vector<16xf32>
          %add3A_284 = arith.addf %add3A_265, %select_n3A_282 : vector<16xf32>
          %select_n3A_285 = arith.select %gt3A_283, %gather3A_273, %select_n3A_266 : vector<16xi1>, vector<16xf32>
          %broadcast_in_dim3A_286 = vector.broadcast %scan3A_270 : i32 to vector<16xi32>
          %select_n3A_287 = arith.select %gt3A_283, %broadcast_in_dim3A_286, %select_n3A_268 : vector<16xi1>, vector<16xi32>
          %scan3A_288 = arith.constant 6 : i32
          %scan3A_289 = arith.addi %scan3A_180, %scan3A_288 : i32
          %add3A_290 = vector.broadcast %scan3A_289 : i32 to vector<16xi32>
          %add3A_291 = arith.addi %add3A_44, %add3A_290 : vector<16xi32>
          %gather3A_292 = tpu.vector_load_idx %arg5[%add3A_291] : memref<66560xf32, #tpu.memory_space<vmem>>[vector<16xi32>], vector<16xf32>,
          %sub3A_293 = arith.subf %gather3A_292, %scan3A_73#1 : vector<16xf32>
          %abs3A_294 = math.absf %gather3A_292 : vector<16xf32>
          %max3A_295 = arith.maximumf %abs3A_294, %scan3A_73#1 : vector<16xf32>
          %mul3A_296 = arith.constant -4.000000e-01 : f32
          %mul3A_297 = vector.broadcast %mul3A_296 : f32 to vector<16xf32>
          %mul3A_298 = arith.mulf %mul3A_297, %max3A_295 : vector<16xf32>
          %lt3A_299 = arith.cmpf olt, %sub3A_293, %mul3A_298 : vector<16xf32>
          %exp3A_300 = math.exp %sub3A_293 : vector<16xf32>
          %select_n3A_301 = arith.select %lt3A_299, %broadcast_in_dim3A_5, %exp3A_300 : vector<16xi1>, vector<16xf32>
          %gt3A_302 = arith.cmpf ogt, %gather3A_292, %select_n3A_285 : vector<16xf32>
          %add3A_303 = arith.addf %add3A_284, %select_n3A_301 : vector<16xf32>
          %select_n3A_304 = arith.select %gt3A_302, %gather3A_292, %select_n3A_285 : vector<16xi1>, vector<16xf32>
          %broadcast_in_dim3A_305 = vector.broadcast %scan3A_289 : i32 to vector<16xi32>
          %select_n3A_306 = arith.select %gt3A_302, %broadcast_in_dim3A_305, %select_n3A_287 : vector<16xi1>, vector<16xi32>
          %scan3A_307 = arith.constant 7 : i32
          %scan3A_308 = arith.addi %scan3A_180, %scan3A_307 : i32
          %add3A_309 = vector.broadcast %scan3A_308 : i32 to vector<16xi32>
          %add3A_310 = arith.addi %add3A_44, %add3A_309 : vector<16xi32>
          %gather3A_311 = tpu.vector_load_idx %arg5[%add3A_310] : memref<66560xf32, #tpu.memory_space<vmem>>[vector<16xi32>], vector<16xf32>,
          %sub3A_312 = arith.subf %gather3A_311, %scan3A_73#1 : vector<16xf32>
          %abs3A_313 = math.absf %gather3A_311 : vector<16xf32>
          %max3A_314 = arith.maximumf %abs3A_313, %scan3A_73#1 : vector<16xf32>
          %mul3A_315 = arith.constant -4.000000e-01 : f32
          %mul3A_316 = vector.broadcast %mul3A_315 : f32 to vector<16xf32>
          %mul3A_317 = arith.mulf %mul3A_316, %max3A_314 : vector<16xf32>
          %lt3A_318 = arith.cmpf olt, %sub3A_312, %mul3A_317 : vector<16xf32>
          %exp3A_319 = math.exp %sub3A_312 : vector<16xf32>
          %select_n3A_320 = arith.select %lt3A_318, %broadcast_in_dim3A_5, %exp3A_319 : vector<16xi1>, vector<16xf32>
          %gt3A_321 = arith.cmpf ogt, %gather3A_311, %select_n3A_304 : vector<16xf32>
          %add3A_322 = arith.addf %add3A_303, %select_n3A_320 : vector<16xf32>
          %select_n3A_323 = arith.select %gt3A_321, %gather3A_311, %select_n3A_304 : vector<16xi1>, vector<16xf32>
          %broadcast_in_dim3A_324 = vector.broadcast %scan3A_308 : i32 to vector<16xi32>
          %select_n3A_325 = arith.select %gt3A_321, %broadcast_in_dim3A_324, %select_n3A_306 : vector<16xi1>, vector<16xi32>
          scf.yield %add3A_322, %select_n3A_323, %select_n3A_325 : vector<16xf32>, vector<16xf32>, vector<16xi32>
        }
        %scan3A_90 = arith.constant 64 : i32
        %mul3A_91 = arith.constant 16 : i32
        %mul3A_92 = arith.muli %add3A_34, %mul3A_91 : i32
        %add3A_93 = vector.broadcast %mul3A_92 : i32 to vector<16xi32>
        %add3A_94 = arith.addi %add3A_93, %iota3A : vector<16xi32>
        %broadcast_in_dim3A_95 = arith.constant 2 : i32
        %broadcast_in_dim3A_96 = vector.broadcast %broadcast_in_dim3A_95 : i32 to vector<16xi32>
        tpu.vector_store_idx %arg7[%add3A_94, %broadcast_in_dim3A_96], %scan3A_73#2 : memref<128x8xi32, #tpu.memory_space<vmem>>[vector<16xi32>, vector<16xi32>], vector<16xi32>,
        %div3A_97 = arith.constant 1.000000e+00 : f32
        %div3A_98 = vector.broadcast %div3A_97 : f32 to vector<16xf32>
        %div3A_99 = arith.divf %div3A_98, %scan3A_89#0 : vector<16xf32>
        tpu.vector_store_idx %arg8[%add3A_94, %broadcast_in_dim3A_96], %div3A_99 : memref<128x8xf32, #tpu.memory_space<vmem>>[vector<16xi32>, vector<16xi32>], vector<16xf32>,
        %add3A_100 = arith.addi %add3A_44, %scan3A_89#2 : vector<16xi32>
        tpu.vector_store_idx %arg5[%add3A_100], %broadcast_in_dim3A_3 : memref<66560xf32, #tpu.memory_space<vmem>>[vector<16xi32>], vector<16xf32>,
        %scan3A_101 = arith.constant 0 : i32
        %scan3A_102 = arith.constant 64 : i32
        %scan3A_103 = arith.addi %scan3A_101, %scan3A_102 : i32
        %scan3A_104 = arith.constant 8 : i32
        %scan3A_105:3 = scf.for %scan3A_180 = %scan3A_101 to %scan3A_103 step %scan3A_104 iter_args(%scan3A_181 = %broadcast_in_dim3A_52, %scan3A_182 = %broadcast_in_dim3A_3, %scan3A_183 = %broadcast_in_dim3A_7) -> (vector<16xf32>, vector<16xf32>, vector<16xi32>)  : i32 {
          %add3A_184 = vector.broadcast %scan3A_180 : i32 to vector<16xi32>
          %add3A_185 = arith.addi %add3A_44, %add3A_184 : vector<16xi32>
          %gather3A = tpu.vector_load_idx %arg5[%add3A_185] : memref<66560xf32, #tpu.memory_space<vmem>>[vector<16xi32>], vector<16xf32>,
          %sub3A = arith.subf %gather3A, %scan3A_89#1 : vector<16xf32>
          %abs3A = math.absf %gather3A : vector<16xf32>
          %max3A = arith.maximumf %abs3A, %scan3A_89#1 : vector<16xf32>
          %mul3A_186 = arith.constant -4.000000e-01 : f32
          %mul3A_187 = vector.broadcast %mul3A_186 : f32 to vector<16xf32>
          %mul3A_188 = arith.mulf %mul3A_187, %max3A : vector<16xf32>
          %lt3A = arith.cmpf olt, %sub3A, %mul3A_188 : vector<16xf32>
          %exp3A = math.exp %sub3A : vector<16xf32>
          %select_n3A = arith.select %lt3A, %broadcast_in_dim3A_5, %exp3A : vector<16xi1>, vector<16xf32>
          %gt3A = arith.cmpf ogt, %gather3A, %scan3A_182 : vector<16xf32>
          %add3A_189 = arith.addf %scan3A_181, %select_n3A : vector<16xf32>
          %select_n3A_190 = arith.select %gt3A, %gather3A, %scan3A_182 : vector<16xi1>, vector<16xf32>
          %broadcast_in_dim3A_191 = vector.broadcast %scan3A_180 : i32 to vector<16xi32>
          %select_n3A_192 = arith.select %gt3A, %broadcast_in_dim3A_191, %scan3A_183 : vector<16xi1>, vector<16xi32>
          %scan3A_193 = arith.constant 1 : i32
          %scan3A_194 = arith.addi %scan3A_180, %scan3A_193 : i32
          %add3A_195 = vector.broadcast %scan3A_194 : i32 to vector<16xi32>
          %add3A_196 = arith.addi %add3A_44, %add3A_195 : vector<16xi32>
          %gather3A_197 = tpu.vector_load_idx %arg5[%add3A_196] : memref<66560xf32, #tpu.memory_space<vmem>>[vector<16xi32>], vector<16xf32>,
          %sub3A_198 = arith.subf %gather3A_197, %scan3A_89#1 : vector<16xf32>
          %abs3A_199 = math.absf %gather3A_197 : vector<16xf32>
          %max3A_200 = arith.maximumf %abs3A_199, %scan3A_89#1 : vector<16xf32>
          %mul3A_201 = arith.constant -4.000000e-01 : f32
          %mul3A_202 = vector.broadcast %mul3A_201 : f32 to vector<16xf32>
          %mul3A_203 = arith.mulf %mul3A_202, %max3A_200 : vector<16xf32>
          %lt3A_204 = arith.cmpf olt, %sub3A_198, %mul3A_203 : vector<16xf32>
          %exp3A_205 = math.exp %sub3A_198 : vector<16xf32>
          %select_n3A_206 = arith.select %lt3A_204, %broadcast_in_dim3A_5, %exp3A_205 : vector<16xi1>, vector<16xf32>
          %gt3A_207 = arith.cmpf ogt, %gather3A_197, %select_n3A_190 : vector<16xf32>
          %add3A_208 = arith.addf %add3A_189, %select_n3A_206 : vector<16xf32>
          %select_n3A_209 = arith.select %gt3A_207, %gather3A_197, %select_n3A_190 : vector<16xi1>, vector<16xf32>
          %broadcast_in_dim3A_210 = vector.broadcast %scan3A_194 : i32 to vector<16xi32>
          %select_n3A_211 = arith.select %gt3A_207, %broadcast_in_dim3A_210, %select_n3A_192 : vector<16xi1>, vector<16xi32>
          %scan3A_212 = arith.constant 2 : i32
          %scan3A_213 = arith.addi %scan3A_180, %scan3A_212 : i32
          %add3A_214 = vector.broadcast %scan3A_213 : i32 to vector<16xi32>
          %add3A_215 = arith.addi %add3A_44, %add3A_214 : vector<16xi32>
          %gather3A_216 = tpu.vector_load_idx %arg5[%add3A_215] : memref<66560xf32, #tpu.memory_space<vmem>>[vector<16xi32>], vector<16xf32>,
          %sub3A_217 = arith.subf %gather3A_216, %scan3A_89#1 : vector<16xf32>
          %abs3A_218 = math.absf %gather3A_216 : vector<16xf32>
          %max3A_219 = arith.maximumf %abs3A_218, %scan3A_89#1 : vector<16xf32>
          %mul3A_220 = arith.constant -4.000000e-01 : f32
          %mul3A_221 = vector.broadcast %mul3A_220 : f32 to vector<16xf32>
          %mul3A_222 = arith.mulf %mul3A_221, %max3A_219 : vector<16xf32>
          %lt3A_223 = arith.cmpf olt, %sub3A_217, %mul3A_222 : vector<16xf32>
          %exp3A_224 = math.exp %sub3A_217 : vector<16xf32>
          %select_n3A_225 = arith.select %lt3A_223, %broadcast_in_dim3A_5, %exp3A_224 : vector<16xi1>, vector<16xf32>
          %gt3A_226 = arith.cmpf ogt, %gather3A_216, %select_n3A_209 : vector<16xf32>
          %add3A_227 = arith.addf %add3A_208, %select_n3A_225 : vector<16xf32>
          %select_n3A_228 = arith.select %gt3A_226, %gather3A_216, %select_n3A_209 : vector<16xi1>, vector<16xf32>
          %broadcast_in_dim3A_229 = vector.broadcast %scan3A_213 : i32 to vector<16xi32>
          %select_n3A_230 = arith.select %gt3A_226, %broadcast_in_dim3A_229, %select_n3A_211 : vector<16xi1>, vector<16xi32>
          %scan3A_231 = arith.constant 3 : i32
          %scan3A_232 = arith.addi %scan3A_180, %scan3A_231 : i32
          %add3A_233 = vector.broadcast %scan3A_232 : i32 to vector<16xi32>
          %add3A_234 = arith.addi %add3A_44, %add3A_233 : vector<16xi32>
          %gather3A_235 = tpu.vector_load_idx %arg5[%add3A_234] : memref<66560xf32, #tpu.memory_space<vmem>>[vector<16xi32>], vector<16xf32>,
          %sub3A_236 = arith.subf %gather3A_235, %scan3A_89#1 : vector<16xf32>
          %abs3A_237 = math.absf %gather3A_235 : vector<16xf32>
          %max3A_238 = arith.maximumf %abs3A_237, %scan3A_89#1 : vector<16xf32>
          %mul3A_239 = arith.constant -4.000000e-01 : f32
          %mul3A_240 = vector.broadcast %mul3A_239 : f32 to vector<16xf32>
          %mul3A_241 = arith.mulf %mul3A_240, %max3A_238 : vector<16xf32>
          %lt3A_242 = arith.cmpf olt, %sub3A_236, %mul3A_241 : vector<16xf32>
          %exp3A_243 = math.exp %sub3A_236 : vector<16xf32>
          %select_n3A_244 = arith.select %lt3A_242, %broadcast_in_dim3A_5, %exp3A_243 : vector<16xi1>, vector<16xf32>
          %gt3A_245 = arith.cmpf ogt, %gather3A_235, %select_n3A_228 : vector<16xf32>
          %add3A_246 = arith.addf %add3A_227, %select_n3A_244 : vector<16xf32>
          %select_n3A_247 = arith.select %gt3A_245, %gather3A_235, %select_n3A_228 : vector<16xi1>, vector<16xf32>
          %broadcast_in_dim3A_248 = vector.broadcast %scan3A_232 : i32 to vector<16xi32>
          %select_n3A_249 = arith.select %gt3A_245, %broadcast_in_dim3A_248, %select_n3A_230 : vector<16xi1>, vector<16xi32>
          %scan3A_250 = arith.constant 4 : i32
          %scan3A_251 = arith.addi %scan3A_180, %scan3A_250 : i32
          %add3A_252 = vector.broadcast %scan3A_251 : i32 to vector<16xi32>
          %add3A_253 = arith.addi %add3A_44, %add3A_252 : vector<16xi32>
          %gather3A_254 = tpu.vector_load_idx %arg5[%add3A_253] : memref<66560xf32, #tpu.memory_space<vmem>>[vector<16xi32>], vector<16xf32>,
          %sub3A_255 = arith.subf %gather3A_254, %scan3A_89#1 : vector<16xf32>
          %abs3A_256 = math.absf %gather3A_254 : vector<16xf32>
          %max3A_257 = arith.maximumf %abs3A_256, %scan3A_89#1 : vector<16xf32>
          %mul3A_258 = arith.constant -4.000000e-01 : f32
          %mul3A_259 = vector.broadcast %mul3A_258 : f32 to vector<16xf32>
          %mul3A_260 = arith.mulf %mul3A_259, %max3A_257 : vector<16xf32>
          %lt3A_261 = arith.cmpf olt, %sub3A_255, %mul3A_260 : vector<16xf32>
          %exp3A_262 = math.exp %sub3A_255 : vector<16xf32>
          %select_n3A_263 = arith.select %lt3A_261, %broadcast_in_dim3A_5, %exp3A_262 : vector<16xi1>, vector<16xf32>
          %gt3A_264 = arith.cmpf ogt, %gather3A_254, %select_n3A_247 : vector<16xf32>
          %add3A_265 = arith.addf %add3A_246, %select_n3A_263 : vector<16xf32>
          %select_n3A_266 = arith.select %gt3A_264, %gather3A_254, %select_n3A_247 : vector<16xi1>, vector<16xf32>
          %broadcast_in_dim3A_267 = vector.broadcast %scan3A_251 : i32 to vector<16xi32>
          %select_n3A_268 = arith.select %gt3A_264, %broadcast_in_dim3A_267, %select_n3A_249 : vector<16xi1>, vector<16xi32>
          %scan3A_269 = arith.constant 5 : i32
          %scan3A_270 = arith.addi %scan3A_180, %scan3A_269 : i32
          %add3A_271 = vector.broadcast %scan3A_270 : i32 to vector<16xi32>
          %add3A_272 = arith.addi %add3A_44, %add3A_271 : vector<16xi32>
          %gather3A_273 = tpu.vector_load_idx %arg5[%add3A_272] : memref<66560xf32, #tpu.memory_space<vmem>>[vector<16xi32>], vector<16xf32>,
          %sub3A_274 = arith.subf %gather3A_273, %scan3A_89#1 : vector<16xf32>
          %abs3A_275 = math.absf %gather3A_273 : vector<16xf32>
          %max3A_276 = arith.maximumf %abs3A_275, %scan3A_89#1 : vector<16xf32>
          %mul3A_277 = arith.constant -4.000000e-01 : f32
          %mul3A_278 = vector.broadcast %mul3A_277 : f32 to vector<16xf32>
          %mul3A_279 = arith.mulf %mul3A_278, %max3A_276 : vector<16xf32>
          %lt3A_280 = arith.cmpf olt, %sub3A_274, %mul3A_279 : vector<16xf32>
          %exp3A_281 = math.exp %sub3A_274 : vector<16xf32>
          %select_n3A_282 = arith.select %lt3A_280, %broadcast_in_dim3A_5, %exp3A_281 : vector<16xi1>, vector<16xf32>
          %gt3A_283 = arith.cmpf ogt, %gather3A_273, %select_n3A_266 : vector<16xf32>
          %add3A_284 = arith.addf %add3A_265, %select_n3A_282 : vector<16xf32>
          %select_n3A_285 = arith.select %gt3A_283, %gather3A_273, %select_n3A_266 : vector<16xi1>, vector<16xf32>
          %broadcast_in_dim3A_286 = vector.broadcast %scan3A_270 : i32 to vector<16xi32>
          %select_n3A_287 = arith.select %gt3A_283, %broadcast_in_dim3A_286, %select_n3A_268 : vector<16xi1>, vector<16xi32>
          %scan3A_288 = arith.constant 6 : i32
          %scan3A_289 = arith.addi %scan3A_180, %scan3A_288 : i32
          %add3A_290 = vector.broadcast %scan3A_289 : i32 to vector<16xi32>
          %add3A_291 = arith.addi %add3A_44, %add3A_290 : vector<16xi32>
          %gather3A_292 = tpu.vector_load_idx %arg5[%add3A_291] : memref<66560xf32, #tpu.memory_space<vmem>>[vector<16xi32>], vector<16xf32>,
          %sub3A_293 = arith.subf %gather3A_292, %scan3A_89#1 : vector<16xf32>
          %abs3A_294 = math.absf %gather3A_292 : vector<16xf32>
          %max3A_295 = arith.maximumf %abs3A_294, %scan3A_89#1 : vector<16xf32>
          %mul3A_296 = arith.constant -4.000000e-01 : f32
          %mul3A_297 = vector.broadcast %mul3A_296 : f32 to vector<16xf32>
          %mul3A_298 = arith.mulf %mul3A_297, %max3A_295 : vector<16xf32>
          %lt3A_299 = arith.cmpf olt, %sub3A_293, %mul3A_298 : vector<16xf32>
          %exp3A_300 = math.exp %sub3A_293 : vector<16xf32>
          %select_n3A_301 = arith.select %lt3A_299, %broadcast_in_dim3A_5, %exp3A_300 : vector<16xi1>, vector<16xf32>
          %gt3A_302 = arith.cmpf ogt, %gather3A_292, %select_n3A_285 : vector<16xf32>
          %add3A_303 = arith.addf %add3A_284, %select_n3A_301 : vector<16xf32>
          %select_n3A_304 = arith.select %gt3A_302, %gather3A_292, %select_n3A_285 : vector<16xi1>, vector<16xf32>
          %broadcast_in_dim3A_305 = vector.broadcast %scan3A_289 : i32 to vector<16xi32>
          %select_n3A_306 = arith.select %gt3A_302, %broadcast_in_dim3A_305, %select_n3A_287 : vector<16xi1>, vector<16xi32>
          %scan3A_307 = arith.constant 7 : i32
          %scan3A_308 = arith.addi %scan3A_180, %scan3A_307 : i32
          %add3A_309 = vector.broadcast %scan3A_308 : i32 to vector<16xi32>
          %add3A_310 = arith.addi %add3A_44, %add3A_309 : vector<16xi32>
          %gather3A_311 = tpu.vector_load_idx %arg5[%add3A_310] : memref<66560xf32, #tpu.memory_space<vmem>>[vector<16xi32>], vector<16xf32>,
          %sub3A_312 = arith.subf %gather3A_311, %scan3A_89#1 : vector<16xf32>
          %abs3A_313 = math.absf %gather3A_311 : vector<16xf32>
          %max3A_314 = arith.maximumf %abs3A_313, %scan3A_89#1 : vector<16xf32>
          %mul3A_315 = arith.constant -4.000000e-01 : f32
          %mul3A_316 = vector.broadcast %mul3A_315 : f32 to vector<16xf32>
          %mul3A_317 = arith.mulf %mul3A_316, %max3A_314 : vector<16xf32>
          %lt3A_318 = arith.cmpf olt, %sub3A_312, %mul3A_317 : vector<16xf32>
          %exp3A_319 = math.exp %sub3A_312 : vector<16xf32>
          %select_n3A_320 = arith.select %lt3A_318, %broadcast_in_dim3A_5, %exp3A_319 : vector<16xi1>, vector<16xf32>
          %gt3A_321 = arith.cmpf ogt, %gather3A_311, %select_n3A_304 : vector<16xf32>
          %add3A_322 = arith.addf %add3A_303, %select_n3A_320 : vector<16xf32>
          %select_n3A_323 = arith.select %gt3A_321, %gather3A_311, %select_n3A_304 : vector<16xi1>, vector<16xf32>
          %broadcast_in_dim3A_324 = vector.broadcast %scan3A_308 : i32 to vector<16xi32>
          %select_n3A_325 = arith.select %gt3A_321, %broadcast_in_dim3A_324, %select_n3A_306 : vector<16xi1>, vector<16xi32>
          scf.yield %add3A_322, %select_n3A_323, %select_n3A_325 : vector<16xf32>, vector<16xf32>, vector<16xi32>
        }
        %scan3A_106 = arith.constant 64 : i32
        %mul3A_107 = arith.constant 16 : i32
        %mul3A_108 = arith.muli %add3A_34, %mul3A_107 : i32
        %add3A_109 = vector.broadcast %mul3A_108 : i32 to vector<16xi32>
        %add3A_110 = arith.addi %add3A_109, %iota3A : vector<16xi32>
        %broadcast_in_dim3A_111 = arith.constant 3 : i32
        %broadcast_in_dim3A_112 = vector.broadcast %broadcast_in_dim3A_111 : i32 to vector<16xi32>
        tpu.vector_store_idx %arg7[%add3A_110, %broadcast_in_dim3A_112], %scan3A_89#2 : memref<128x8xi32, #tpu.memory_space<vmem>>[vector<16xi32>, vector<16xi32>], vector<16xi32>,
        %div3A_113 = arith.constant 1.000000e+00 : f32
        %div3A_114 = vector.broadcast %div3A_113 : f32 to vector<16xf32>
        %div3A_115 = arith.divf %div3A_114, %scan3A_105#0 : vector<16xf32>
        tpu.vector_store_idx %arg8[%add3A_110, %broadcast_in_dim3A_112], %div3A_115 : memref<128x8xf32, #tpu.memory_space<vmem>>[vector<16xi32>, vector<16xi32>], vector<16xf32>,
        %add3A_116 = arith.addi %add3A_44, %scan3A_105#2 : vector<16xi32>
        tpu.vector_store_idx %arg5[%add3A_116], %broadcast_in_dim3A_3 : memref<66560xf32, #tpu.memory_space<vmem>>[vector<16xi32>], vector<16xf32>,
        %scan3A_117 = arith.constant 0 : i32
        %scan3A_118 = arith.constant 64 : i32
        %scan3A_119 = arith.addi %scan3A_117, %scan3A_118 : i32
        %scan3A_120 = arith.constant 8 : i32
        %scan3A_121:3 = scf.for %scan3A_180 = %scan3A_117 to %scan3A_119 step %scan3A_120 iter_args(%scan3A_181 = %broadcast_in_dim3A_52, %scan3A_182 = %broadcast_in_dim3A_3, %scan3A_183 = %broadcast_in_dim3A_7) -> (vector<16xf32>, vector<16xf32>, vector<16xi32>)  : i32 {
          %add3A_184 = vector.broadcast %scan3A_180 : i32 to vector<16xi32>
          %add3A_185 = arith.addi %add3A_44, %add3A_184 : vector<16xi32>
          %gather3A = tpu.vector_load_idx %arg5[%add3A_185] : memref<66560xf32, #tpu.memory_space<vmem>>[vector<16xi32>], vector<16xf32>,
          %sub3A = arith.subf %gather3A, %scan3A_105#1 : vector<16xf32>
          %abs3A = math.absf %gather3A : vector<16xf32>
          %max3A = arith.maximumf %abs3A, %scan3A_105#1 : vector<16xf32>
          %mul3A_186 = arith.constant -4.000000e-01 : f32
          %mul3A_187 = vector.broadcast %mul3A_186 : f32 to vector<16xf32>
          %mul3A_188 = arith.mulf %mul3A_187, %max3A : vector<16xf32>
          %lt3A = arith.cmpf olt, %sub3A, %mul3A_188 : vector<16xf32>
          %exp3A = math.exp %sub3A : vector<16xf32>
          %select_n3A = arith.select %lt3A, %broadcast_in_dim3A_5, %exp3A : vector<16xi1>, vector<16xf32>
          %gt3A = arith.cmpf ogt, %gather3A, %scan3A_182 : vector<16xf32>
          %add3A_189 = arith.addf %scan3A_181, %select_n3A : vector<16xf32>
          %select_n3A_190 = arith.select %gt3A, %gather3A, %scan3A_182 : vector<16xi1>, vector<16xf32>
          %broadcast_in_dim3A_191 = vector.broadcast %scan3A_180 : i32 to vector<16xi32>
          %select_n3A_192 = arith.select %gt3A, %broadcast_in_dim3A_191, %scan3A_183 : vector<16xi1>, vector<16xi32>
          %scan3A_193 = arith.constant 1 : i32
          %scan3A_194 = arith.addi %scan3A_180, %scan3A_193 : i32
          %add3A_195 = vector.broadcast %scan3A_194 : i32 to vector<16xi32>
          %add3A_196 = arith.addi %add3A_44, %add3A_195 : vector<16xi32>
          %gather3A_197 = tpu.vector_load_idx %arg5[%add3A_196] : memref<66560xf32, #tpu.memory_space<vmem>>[vector<16xi32>], vector<16xf32>,
          %sub3A_198 = arith.subf %gather3A_197, %scan3A_105#1 : vector<16xf32>
          %abs3A_199 = math.absf %gather3A_197 : vector<16xf32>
          %max3A_200 = arith.maximumf %abs3A_199, %scan3A_105#1 : vector<16xf32>
          %mul3A_201 = arith.constant -4.000000e-01 : f32
          %mul3A_202 = vector.broadcast %mul3A_201 : f32 to vector<16xf32>
          %mul3A_203 = arith.mulf %mul3A_202, %max3A_200 : vector<16xf32>
          %lt3A_204 = arith.cmpf olt, %sub3A_198, %mul3A_203 : vector<16xf32>
          %exp3A_205 = math.exp %sub3A_198 : vector<16xf32>
          %select_n3A_206 = arith.select %lt3A_204, %broadcast_in_dim3A_5, %exp3A_205 : vector<16xi1>, vector<16xf32>
          %gt3A_207 = arith.cmpf ogt, %gather3A_197, %select_n3A_190 : vector<16xf32>
          %add3A_208 = arith.addf %add3A_189, %select_n3A_206 : vector<16xf32>
          %select_n3A_209 = arith.select %gt3A_207, %gather3A_197, %select_n3A_190 : vector<16xi1>, vector<16xf32>
          %broadcast_in_dim3A_210 = vector.broadcast %scan3A_194 : i32 to vector<16xi32>
          %select_n3A_211 = arith.select %gt3A_207, %broadcast_in_dim3A_210, %select_n3A_192 : vector<16xi1>, vector<16xi32>
          %scan3A_212 = arith.constant 2 : i32
          %scan3A_213 = arith.addi %scan3A_180, %scan3A_212 : i32
          %add3A_214 = vector.broadcast %scan3A_213 : i32 to vector<16xi32>
          %add3A_215 = arith.addi %add3A_44, %add3A_214 : vector<16xi32>
          %gather3A_216 = tpu.vector_load_idx %arg5[%add3A_215] : memref<66560xf32, #tpu.memory_space<vmem>>[vector<16xi32>], vector<16xf32>,
          %sub3A_217 = arith.subf %gather3A_216, %scan3A_105#1 : vector<16xf32>
          %abs3A_218 = math.absf %gather3A_216 : vector<16xf32>
          %max3A_219 = arith.maximumf %abs3A_218, %scan3A_105#1 : vector<16xf32>
          %mul3A_220 = arith.constant -4.000000e-01 : f32
          %mul3A_221 = vector.broadcast %mul3A_220 : f32 to vector<16xf32>
          %mul3A_222 = arith.mulf %mul3A_221, %max3A_219 : vector<16xf32>
          %lt3A_223 = arith.cmpf olt, %sub3A_217, %mul3A_222 : vector<16xf32>
          %exp3A_224 = math.exp %sub3A_217 : vector<16xf32>
          %select_n3A_225 = arith.select %lt3A_223, %broadcast_in_dim3A_5, %exp3A_224 : vector<16xi1>, vector<16xf32>
          %gt3A_226 = arith.cmpf ogt, %gather3A_216, %select_n3A_209 : vector<16xf32>
          %add3A_227 = arith.addf %add3A_208, %select_n3A_225 : vector<16xf32>
          %select_n3A_228 = arith.select %gt3A_226, %gather3A_216, %select_n3A_209 : vector<16xi1>, vector<16xf32>
          %broadcast_in_dim3A_229 = vector.broadcast %scan3A_213 : i32 to vector<16xi32>
          %select_n3A_230 = arith.select %gt3A_226, %broadcast_in_dim3A_229, %select_n3A_211 : vector<16xi1>, vector<16xi32>
          %scan3A_231 = arith.constant 3 : i32
          %scan3A_232 = arith.addi %scan3A_180, %scan3A_231 : i32
          %add3A_233 = vector.broadcast %scan3A_232 : i32 to vector<16xi32>
          %add3A_234 = arith.addi %add3A_44, %add3A_233 : vector<16xi32>
          %gather3A_235 = tpu.vector_load_idx %arg5[%add3A_234] : memref<66560xf32, #tpu.memory_space<vmem>>[vector<16xi32>], vector<16xf32>,
          %sub3A_236 = arith.subf %gather3A_235, %scan3A_105#1 : vector<16xf32>
          %abs3A_237 = math.absf %gather3A_235 : vector<16xf32>
          %max3A_238 = arith.maximumf %abs3A_237, %scan3A_105#1 : vector<16xf32>
          %mul3A_239 = arith.constant -4.000000e-01 : f32
          %mul3A_240 = vector.broadcast %mul3A_239 : f32 to vector<16xf32>
          %mul3A_241 = arith.mulf %mul3A_240, %max3A_238 : vector<16xf32>
          %lt3A_242 = arith.cmpf olt, %sub3A_236, %mul3A_241 : vector<16xf32>
          %exp3A_243 = math.exp %sub3A_236 : vector<16xf32>
          %select_n3A_244 = arith.select %lt3A_242, %broadcast_in_dim3A_5, %exp3A_243 : vector<16xi1>, vector<16xf32>
          %gt3A_245 = arith.cmpf ogt, %gather3A_235, %select_n3A_228 : vector<16xf32>
          %add3A_246 = arith.addf %add3A_227, %select_n3A_244 : vector<16xf32>
          %select_n3A_247 = arith.select %gt3A_245, %gather3A_235, %select_n3A_228 : vector<16xi1>, vector<16xf32>
          %broadcast_in_dim3A_248 = vector.broadcast %scan3A_232 : i32 to vector<16xi32>
          %select_n3A_249 = arith.select %gt3A_245, %broadcast_in_dim3A_248, %select_n3A_230 : vector<16xi1>, vector<16xi32>
          %scan3A_250 = arith.constant 4 : i32
          %scan3A_251 = arith.addi %scan3A_180, %scan3A_250 : i32
          %add3A_252 = vector.broadcast %scan3A_251 : i32 to vector<16xi32>
          %add3A_253 = arith.addi %add3A_44, %add3A_252 : vector<16xi32>
          %gather3A_254 = tpu.vector_load_idx %arg5[%add3A_253] : memref<66560xf32, #tpu.memory_space<vmem>>[vector<16xi32>], vector<16xf32>,
          %sub3A_255 = arith.subf %gather3A_254, %scan3A_105#1 : vector<16xf32>
          %abs3A_256 = math.absf %gather3A_254 : vector<16xf32>
          %max3A_257 = arith.maximumf %abs3A_256, %scan3A_105#1 : vector<16xf32>
          %mul3A_258 = arith.constant -4.000000e-01 : f32
          %mul3A_259 = vector.broadcast %mul3A_258 : f32 to vector<16xf32>
          %mul3A_260 = arith.mulf %mul3A_259, %max3A_257 : vector<16xf32>
          %lt3A_261 = arith.cmpf olt, %sub3A_255, %mul3A_260 : vector<16xf32>
          %exp3A_262 = math.exp %sub3A_255 : vector<16xf32>
          %select_n3A_263 = arith.select %lt3A_261, %broadcast_in_dim3A_5, %exp3A_262 : vector<16xi1>, vector<16xf32>
          %gt3A_264 = arith.cmpf ogt, %gather3A_254, %select_n3A_247 : vector<16xf32>
          %add3A_265 = arith.addf %add3A_246, %select_n3A_263 : vector<16xf32>
          %select_n3A_266 = arith.select %gt3A_264, %gather3A_254, %select_n3A_247 : vector<16xi1>, vector<16xf32>
          %broadcast_in_dim3A_267 = vector.broadcast %scan3A_251 : i32 to vector<16xi32>
          %select_n3A_268 = arith.select %gt3A_264, %broadcast_in_dim3A_267, %select_n3A_249 : vector<16xi1>, vector<16xi32>
          %scan3A_269 = arith.constant 5 : i32
          %scan3A_270 = arith.addi %scan3A_180, %scan3A_269 : i32
          %add3A_271 = vector.broadcast %scan3A_270 : i32 to vector<16xi32>
          %add3A_272 = arith.addi %add3A_44, %add3A_271 : vector<16xi32>
          %gather3A_273 = tpu.vector_load_idx %arg5[%add3A_272] : memref<66560xf32, #tpu.memory_space<vmem>>[vector<16xi32>], vector<16xf32>,
          %sub3A_274 = arith.subf %gather3A_273, %scan3A_105#1 : vector<16xf32>
          %abs3A_275 = math.absf %gather3A_273 : vector<16xf32>
          %max3A_276 = arith.maximumf %abs3A_275, %scan3A_105#1 : vector<16xf32>
          %mul3A_277 = arith.constant -4.000000e-01 : f32
          %mul3A_278 = vector.broadcast %mul3A_277 : f32 to vector<16xf32>
          %mul3A_279 = arith.mulf %mul3A_278, %max3A_276 : vector<16xf32>
          %lt3A_280 = arith.cmpf olt, %sub3A_274, %mul3A_279 : vector<16xf32>
          %exp3A_281 = math.exp %sub3A_274 : vector<16xf32>
          %select_n3A_282 = arith.select %lt3A_280, %broadcast_in_dim3A_5, %exp3A_281 : vector<16xi1>, vector<16xf32>
          %gt3A_283 = arith.cmpf ogt, %gather3A_273, %select_n3A_266 : vector<16xf32>
          %add3A_284 = arith.addf %add3A_265, %select_n3A_282 : vector<16xf32>
          %select_n3A_285 = arith.select %gt3A_283, %gather3A_273, %select_n3A_266 : vector<16xi1>, vector<16xf32>
          %broadcast_in_dim3A_286 = vector.broadcast %scan3A_270 : i32 to vector<16xi32>
          %select_n3A_287 = arith.select %gt3A_283, %broadcast_in_dim3A_286, %select_n3A_268 : vector<16xi1>, vector<16xi32>
          %scan3A_288 = arith.constant 6 : i32
          %scan3A_289 = arith.addi %scan3A_180, %scan3A_288 : i32
          %add3A_290 = vector.broadcast %scan3A_289 : i32 to vector<16xi32>
          %add3A_291 = arith.addi %add3A_44, %add3A_290 : vector<16xi32>
          %gather3A_292 = tpu.vector_load_idx %arg5[%add3A_291] : memref<66560xf32, #tpu.memory_space<vmem>>[vector<16xi32>], vector<16xf32>,
          %sub3A_293 = arith.subf %gather3A_292, %scan3A_105#1 : vector<16xf32>
          %abs3A_294 = math.absf %gather3A_292 : vector<16xf32>
          %max3A_295 = arith.maximumf %abs3A_294, %scan3A_105#1 : vector<16xf32>
          %mul3A_296 = arith.constant -4.000000e-01 : f32
          %mul3A_297 = vector.broadcast %mul3A_296 : f32 to vector<16xf32>
          %mul3A_298 = arith.mulf %mul3A_297, %max3A_295 : vector<16xf32>
          %lt3A_299 = arith.cmpf olt, %sub3A_293, %mul3A_298 : vector<16xf32>
          %exp3A_300 = math.exp %sub3A_293 : vector<16xf32>
          %select_n3A_301 = arith.select %lt3A_299, %broadcast_in_dim3A_5, %exp3A_300 : vector<16xi1>, vector<16xf32>
          %gt3A_302 = arith.cmpf ogt, %gather3A_292, %select_n3A_285 : vector<16xf32>
          %add3A_303 = arith.addf %add3A_284, %select_n3A_301 : vector<16xf32>
          %select_n3A_304 = arith.select %gt3A_302, %gather3A_292, %select_n3A_285 : vector<16xi1>, vector<16xf32>
          %broadcast_in_dim3A_305 = vector.broadcast %scan3A_289 : i32 to vector<16xi32>
          %select_n3A_306 = arith.select %gt3A_302, %broadcast_in_dim3A_305, %select_n3A_287 : vector<16xi1>, vector<16xi32>
          %scan3A_307 = arith.constant 7 : i32
          %scan3A_308 = arith.addi %scan3A_180, %scan3A_307 : i32
          %add3A_309 = vector.broadcast %scan3A_308 : i32 to vector<16xi32>
          %add3A_310 = arith.addi %add3A_44, %add3A_309 : vector<16xi32>
          %gather3A_311 = tpu.vector_load_idx %arg5[%add3A_310] : memref<66560xf32, #tpu.memory_space<vmem>>[vector<16xi32>], vector<16xf32>,
          %sub3A_312 = arith.subf %gather3A_311, %scan3A_105#1 : vector<16xf32>
          %abs3A_313 = math.absf %gather3A_311 : vector<16xf32>
          %max3A_314 = arith.maximumf %abs3A_313, %scan3A_105#1 : vector<16xf32>
          %mul3A_315 = arith.constant -4.000000e-01 : f32
          %mul3A_316 = vector.broadcast %mul3A_315 : f32 to vector<16xf32>
          %mul3A_317 = arith.mulf %mul3A_316, %max3A_314 : vector<16xf32>
          %lt3A_318 = arith.cmpf olt, %sub3A_312, %mul3A_317 : vector<16xf32>
          %exp3A_319 = math.exp %sub3A_312 : vector<16xf32>
          %select_n3A_320 = arith.select %lt3A_318, %broadcast_in_dim3A_5, %exp3A_319 : vector<16xi1>, vector<16xf32>
          %gt3A_321 = arith.cmpf ogt, %gather3A_311, %select_n3A_304 : vector<16xf32>
          %add3A_322 = arith.addf %add3A_303, %select_n3A_320 : vector<16xf32>
          %select_n3A_323 = arith.select %gt3A_321, %gather3A_311, %select_n3A_304 : vector<16xi1>, vector<16xf32>
          %broadcast_in_dim3A_324 = vector.broadcast %scan3A_308 : i32 to vector<16xi32>
          %select_n3A_325 = arith.select %gt3A_321, %broadcast_in_dim3A_324, %select_n3A_306 : vector<16xi1>, vector<16xi32>
          scf.yield %add3A_322, %select_n3A_323, %select_n3A_325 : vector<16xf32>, vector<16xf32>, vector<16xi32>
        }
        %scan3A_122 = arith.constant 64 : i32
        %mul3A_123 = arith.constant 16 : i32
        %mul3A_124 = arith.muli %add3A_34, %mul3A_123 : i32
        %add3A_125 = vector.broadcast %mul3A_124 : i32 to vector<16xi32>
        %add3A_126 = arith.addi %add3A_125, %iota3A : vector<16xi32>
        %broadcast_in_dim3A_127 = arith.constant 4 : i32
        %broadcast_in_dim3A_128 = vector.broadcast %broadcast_in_dim3A_127 : i32 to vector<16xi32>
        tpu.vector_store_idx %arg7[%add3A_126, %broadcast_in_dim3A_128], %scan3A_105#2 : memref<128x8xi32, #tpu.memory_space<vmem>>[vector<16xi32>, vector<16xi32>], vector<16xi32>,
        %div3A_129 = arith.constant 1.000000e+00 : f32
        %div3A_130 = vector.broadcast %div3A_129 : f32 to vector<16xf32>
        %div3A_131 = arith.divf %div3A_130, %scan3A_121#0 : vector<16xf32>
        tpu.vector_store_idx %arg8[%add3A_126, %broadcast_in_dim3A_128], %div3A_131 : memref<128x8xf32, #tpu.memory_space<vmem>>[vector<16xi32>, vector<16xi32>], vector<16xf32>,
        %add3A_132 = arith.addi %add3A_44, %scan3A_121#2 : vector<16xi32>
        tpu.vector_store_idx %arg5[%add3A_132], %broadcast_in_dim3A_3 : memref<66560xf32, #tpu.memory_space<vmem>>[vector<16xi32>], vector<16xf32>,
        %scan3A_133 = arith.constant 0 : i32
        %scan3A_134 = arith.constant 64 : i32
        %scan3A_135 = arith.addi %scan3A_133, %scan3A_134 : i32
        %scan3A_136 = arith.constant 8 : i32
        %scan3A_137:3 = scf.for %scan3A_180 = %scan3A_133 to %scan3A_135 step %scan3A_136 iter_args(%scan3A_181 = %broadcast_in_dim3A_52, %scan3A_182 = %broadcast_in_dim3A_3, %scan3A_183 = %broadcast_in_dim3A_7) -> (vector<16xf32>, vector<16xf32>, vector<16xi32>)  : i32 {
          %add3A_184 = vector.broadcast %scan3A_180 : i32 to vector<16xi32>
          %add3A_185 = arith.addi %add3A_44, %add3A_184 : vector<16xi32>
          %gather3A = tpu.vector_load_idx %arg5[%add3A_185] : memref<66560xf32, #tpu.memory_space<vmem>>[vector<16xi32>], vector<16xf32>,
          %sub3A = arith.subf %gather3A, %scan3A_121#1 : vector<16xf32>
          %abs3A = math.absf %gather3A : vector<16xf32>
          %max3A = arith.maximumf %abs3A, %scan3A_121#1 : vector<16xf32>
          %mul3A_186 = arith.constant -4.000000e-01 : f32
          %mul3A_187 = vector.broadcast %mul3A_186 : f32 to vector<16xf32>
          %mul3A_188 = arith.mulf %mul3A_187, %max3A : vector<16xf32>
          %lt3A = arith.cmpf olt, %sub3A, %mul3A_188 : vector<16xf32>
          %exp3A = math.exp %sub3A : vector<16xf32>
          %select_n3A = arith.select %lt3A, %broadcast_in_dim3A_5, %exp3A : vector<16xi1>, vector<16xf32>
          %gt3A = arith.cmpf ogt, %gather3A, %scan3A_182 : vector<16xf32>
          %add3A_189 = arith.addf %scan3A_181, %select_n3A : vector<16xf32>
          %select_n3A_190 = arith.select %gt3A, %gather3A, %scan3A_182 : vector<16xi1>, vector<16xf32>
          %broadcast_in_dim3A_191 = vector.broadcast %scan3A_180 : i32 to vector<16xi32>
          %select_n3A_192 = arith.select %gt3A, %broadcast_in_dim3A_191, %scan3A_183 : vector<16xi1>, vector<16xi32>
          %scan3A_193 = arith.constant 1 : i32
          %scan3A_194 = arith.addi %scan3A_180, %scan3A_193 : i32
          %add3A_195 = vector.broadcast %scan3A_194 : i32 to vector<16xi32>
          %add3A_196 = arith.addi %add3A_44, %add3A_195 : vector<16xi32>
          %gather3A_197 = tpu.vector_load_idx %arg5[%add3A_196] : memref<66560xf32, #tpu.memory_space<vmem>>[vector<16xi32>], vector<16xf32>,
          %sub3A_198 = arith.subf %gather3A_197, %scan3A_121#1 : vector<16xf32>
          %abs3A_199 = math.absf %gather3A_197 : vector<16xf32>
          %max3A_200 = arith.maximumf %abs3A_199, %scan3A_121#1 : vector<16xf32>
          %mul3A_201 = arith.constant -4.000000e-01 : f32
          %mul3A_202 = vector.broadcast %mul3A_201 : f32 to vector<16xf32>
          %mul3A_203 = arith.mulf %mul3A_202, %max3A_200 : vector<16xf32>
          %lt3A_204 = arith.cmpf olt, %sub3A_198, %mul3A_203 : vector<16xf32>
          %exp3A_205 = math.exp %sub3A_198 : vector<16xf32>
          %select_n3A_206 = arith.select %lt3A_204, %broadcast_in_dim3A_5, %exp3A_205 : vector<16xi1>, vector<16xf32>
          %gt3A_207 = arith.cmpf ogt, %gather3A_197, %select_n3A_190 : vector<16xf32>
          %add3A_208 = arith.addf %add3A_189, %select_n3A_206 : vector<16xf32>
          %select_n3A_209 = arith.select %gt3A_207, %gather3A_197, %select_n3A_190 : vector<16xi1>, vector<16xf32>
          %broadcast_in_dim3A_210 = vector.broadcast %scan3A_194 : i32 to vector<16xi32>
          %select_n3A_211 = arith.select %gt3A_207, %broadcast_in_dim3A_210, %select_n3A_192 : vector<16xi1>, vector<16xi32>
          %scan3A_212 = arith.constant 2 : i32
          %scan3A_213 = arith.addi %scan3A_180, %scan3A_212 : i32
          %add3A_214 = vector.broadcast %scan3A_213 : i32 to vector<16xi32>
          %add3A_215 = arith.addi %add3A_44, %add3A_214 : vector<16xi32>
          %gather3A_216 = tpu.vector_load_idx %arg5[%add3A_215] : memref<66560xf32, #tpu.memory_space<vmem>>[vector<16xi32>], vector<16xf32>,
          %sub3A_217 = arith.subf %gather3A_216, %scan3A_121#1 : vector<16xf32>
          %abs3A_218 = math.absf %gather3A_216 : vector<16xf32>
          %max3A_219 = arith.maximumf %abs3A_218, %scan3A_121#1 : vector<16xf32>
          %mul3A_220 = arith.constant -4.000000e-01 : f32
          %mul3A_221 = vector.broadcast %mul3A_220 : f32 to vector<16xf32>
          %mul3A_222 = arith.mulf %mul3A_221, %max3A_219 : vector<16xf32>
          %lt3A_223 = arith.cmpf olt, %sub3A_217, %mul3A_222 : vector<16xf32>
          %exp3A_224 = math.exp %sub3A_217 : vector<16xf32>
          %select_n3A_225 = arith.select %lt3A_223, %broadcast_in_dim3A_5, %exp3A_224 : vector<16xi1>, vector<16xf32>
          %gt3A_226 = arith.cmpf ogt, %gather3A_216, %select_n3A_209 : vector<16xf32>
          %add3A_227 = arith.addf %add3A_208, %select_n3A_225 : vector<16xf32>
          %select_n3A_228 = arith.select %gt3A_226, %gather3A_216, %select_n3A_209 : vector<16xi1>, vector<16xf32>
          %broadcast_in_dim3A_229 = vector.broadcast %scan3A_213 : i32 to vector<16xi32>
          %select_n3A_230 = arith.select %gt3A_226, %broadcast_in_dim3A_229, %select_n3A_211 : vector<16xi1>, vector<16xi32>
          %scan3A_231 = arith.constant 3 : i32
          %scan3A_232 = arith.addi %scan3A_180, %scan3A_231 : i32
          %add3A_233 = vector.broadcast %scan3A_232 : i32 to vector<16xi32>
          %add3A_234 = arith.addi %add3A_44, %add3A_233 : vector<16xi32>
          %gather3A_235 = tpu.vector_load_idx %arg5[%add3A_234] : memref<66560xf32, #tpu.memory_space<vmem>>[vector<16xi32>], vector<16xf32>,
          %sub3A_236 = arith.subf %gather3A_235, %scan3A_121#1 : vector<16xf32>
          %abs3A_237 = math.absf %gather3A_235 : vector<16xf32>
          %max3A_238 = arith.maximumf %abs3A_237, %scan3A_121#1 : vector<16xf32>
          %mul3A_239 = arith.constant -4.000000e-01 : f32
          %mul3A_240 = vector.broadcast %mul3A_239 : f32 to vector<16xf32>
          %mul3A_241 = arith.mulf %mul3A_240, %max3A_238 : vector<16xf32>
          %lt3A_242 = arith.cmpf olt, %sub3A_236, %mul3A_241 : vector<16xf32>
          %exp3A_243 = math.exp %sub3A_236 : vector<16xf32>
          %select_n3A_244 = arith.select %lt3A_242, %broadcast_in_dim3A_5, %exp3A_243 : vector<16xi1>, vector<16xf32>
          %gt3A_245 = arith.cmpf ogt, %gather3A_235, %select_n3A_228 : vector<16xf32>
          %add3A_246 = arith.addf %add3A_227, %select_n3A_244 : vector<16xf32>
          %select_n3A_247 = arith.select %gt3A_245, %gather3A_235, %select_n3A_228 : vector<16xi1>, vector<16xf32>
          %broadcast_in_dim3A_248 = vector.broadcast %scan3A_232 : i32 to vector<16xi32>
          %select_n3A_249 = arith.select %gt3A_245, %broadcast_in_dim3A_248, %select_n3A_230 : vector<16xi1>, vector<16xi32>
          %scan3A_250 = arith.constant 4 : i32
          %scan3A_251 = arith.addi %scan3A_180, %scan3A_250 : i32
          %add3A_252 = vector.broadcast %scan3A_251 : i32 to vector<16xi32>
          %add3A_253 = arith.addi %add3A_44, %add3A_252 : vector<16xi32>
          %gather3A_254 = tpu.vector_load_idx %arg5[%add3A_253] : memref<66560xf32, #tpu.memory_space<vmem>>[vector<16xi32>], vector<16xf32>,
          %sub3A_255 = arith.subf %gather3A_254, %scan3A_121#1 : vector<16xf32>
          %abs3A_256 = math.absf %gather3A_254 : vector<16xf32>
          %max3A_257 = arith.maximumf %abs3A_256, %scan3A_121#1 : vector<16xf32>
          %mul3A_258 = arith.constant -4.000000e-01 : f32
          %mul3A_259 = vector.broadcast %mul3A_258 : f32 to vector<16xf32>
          %mul3A_260 = arith.mulf %mul3A_259, %max3A_257 : vector<16xf32>
          %lt3A_261 = arith.cmpf olt, %sub3A_255, %mul3A_260 : vector<16xf32>
          %exp3A_262 = math.exp %sub3A_255 : vector<16xf32>
          %select_n3A_263 = arith.select %lt3A_261, %broadcast_in_dim3A_5, %exp3A_262 : vector<16xi1>, vector<16xf32>
          %gt3A_264 = arith.cmpf ogt, %gather3A_254, %select_n3A_247 : vector<16xf32>
          %add3A_265 = arith.addf %add3A_246, %select_n3A_263 : vector<16xf32>
          %select_n3A_266 = arith.select %gt3A_264, %gather3A_254, %select_n3A_247 : vector<16xi1>, vector<16xf32>
          %broadcast_in_dim3A_267 = vector.broadcast %scan3A_251 : i32 to vector<16xi32>
          %select_n3A_268 = arith.select %gt3A_264, %broadcast_in_dim3A_267, %select_n3A_249 : vector<16xi1>, vector<16xi32>
          %scan3A_269 = arith.constant 5 : i32
          %scan3A_270 = arith.addi %scan3A_180, %scan3A_269 : i32
          %add3A_271 = vector.broadcast %scan3A_270 : i32 to vector<16xi32>
          %add3A_272 = arith.addi %add3A_44, %add3A_271 : vector<16xi32>
          %gather3A_273 = tpu.vector_load_idx %arg5[%add3A_272] : memref<66560xf32, #tpu.memory_space<vmem>>[vector<16xi32>], vector<16xf32>,
          %sub3A_274 = arith.subf %gather3A_273, %scan3A_121#1 : vector<16xf32>
          %abs3A_275 = math.absf %gather3A_273 : vector<16xf32>
          %max3A_276 = arith.maximumf %abs3A_275, %scan3A_121#1 : vector<16xf32>
          %mul3A_277 = arith.constant -4.000000e-01 : f32
          %mul3A_278 = vector.broadcast %mul3A_277 : f32 to vector<16xf32>
          %mul3A_279 = arith.mulf %mul3A_278, %max3A_276 : vector<16xf32>
          %lt3A_280 = arith.cmpf olt, %sub3A_274, %mul3A_279 : vector<16xf32>
          %exp3A_281 = math.exp %sub3A_274 : vector<16xf32>
          %select_n3A_282 = arith.select %lt3A_280, %broadcast_in_dim3A_5, %exp3A_281 : vector<16xi1>, vector<16xf32>
          %gt3A_283 = arith.cmpf ogt, %gather3A_273, %select_n3A_266 : vector<16xf32>
          %add3A_284 = arith.addf %add3A_265, %select_n3A_282 : vector<16xf32>
          %select_n3A_285 = arith.select %gt3A_283, %gather3A_273, %select_n3A_266 : vector<16xi1>, vector<16xf32>
          %broadcast_in_dim3A_286 = vector.broadcast %scan3A_270 : i32 to vector<16xi32>
          %select_n3A_287 = arith.select %gt3A_283, %broadcast_in_dim3A_286, %select_n3A_268 : vector<16xi1>, vector<16xi32>
          %scan3A_288 = arith.constant 6 : i32
          %scan3A_289 = arith.addi %scan3A_180, %scan3A_288 : i32
          %add3A_290 = vector.broadcast %scan3A_289 : i32 to vector<16xi32>
          %add3A_291 = arith.addi %add3A_44, %add3A_290 : vector<16xi32>
          %gather3A_292 = tpu.vector_load_idx %arg5[%add3A_291] : memref<66560xf32, #tpu.memory_space<vmem>>[vector<16xi32>], vector<16xf32>,
          %sub3A_293 = arith.subf %gather3A_292, %scan3A_121#1 : vector<16xf32>
          %abs3A_294 = math.absf %gather3A_292 : vector<16xf32>
          %max3A_295 = arith.maximumf %abs3A_294, %scan3A_121#1 : vector<16xf32>
          %mul3A_296 = arith.constant -4.000000e-01 : f32
          %mul3A_297 = vector.broadcast %mul3A_296 : f32 to vector<16xf32>
          %mul3A_298 = arith.mulf %mul3A_297, %max3A_295 : vector<16xf32>
          %lt3A_299 = arith.cmpf olt, %sub3A_293, %mul3A_298 : vector<16xf32>
          %exp3A_300 = math.exp %sub3A_293 : vector<16xf32>
          %select_n3A_301 = arith.select %lt3A_299, %broadcast_in_dim3A_5, %exp3A_300 : vector<16xi1>, vector<16xf32>
          %gt3A_302 = arith.cmpf ogt, %gather3A_292, %select_n3A_285 : vector<16xf32>
          %add3A_303 = arith.addf %add3A_284, %select_n3A_301 : vector<16xf32>
          %select_n3A_304 = arith.select %gt3A_302, %gather3A_292, %select_n3A_285 : vector<16xi1>, vector<16xf32>
          %broadcast_in_dim3A_305 = vector.broadcast %scan3A_289 : i32 to vector<16xi32>
          %select_n3A_306 = arith.select %gt3A_302, %broadcast_in_dim3A_305, %select_n3A_287 : vector<16xi1>, vector<16xi32>
          %scan3A_307 = arith.constant 7 : i32
          %scan3A_308 = arith.addi %scan3A_180, %scan3A_307 : i32
          %add3A_309 = vector.broadcast %scan3A_308 : i32 to vector<16xi32>
          %add3A_310 = arith.addi %add3A_44, %add3A_309 : vector<16xi32>
          %gather3A_311 = tpu.vector_load_idx %arg5[%add3A_310] : memref<66560xf32, #tpu.memory_space<vmem>>[vector<16xi32>], vector<16xf32>,
          %sub3A_312 = arith.subf %gather3A_311, %scan3A_121#1 : vector<16xf32>
          %abs3A_313 = math.absf %gather3A_311 : vector<16xf32>
          %max3A_314 = arith.maximumf %abs3A_313, %scan3A_121#1 : vector<16xf32>
          %mul3A_315 = arith.constant -4.000000e-01 : f32
          %mul3A_316 = vector.broadcast %mul3A_315 : f32 to vector<16xf32>
          %mul3A_317 = arith.mulf %mul3A_316, %max3A_314 : vector<16xf32>
          %lt3A_318 = arith.cmpf olt, %sub3A_312, %mul3A_317 : vector<16xf32>
          %exp3A_319 = math.exp %sub3A_312 : vector<16xf32>
          %select_n3A_320 = arith.select %lt3A_318, %broadcast_in_dim3A_5, %exp3A_319 : vector<16xi1>, vector<16xf32>
          %gt3A_321 = arith.cmpf ogt, %gather3A_311, %select_n3A_304 : vector<16xf32>
          %add3A_322 = arith.addf %add3A_303, %select_n3A_320 : vector<16xf32>
          %select_n3A_323 = arith.select %gt3A_321, %gather3A_311, %select_n3A_304 : vector<16xi1>, vector<16xf32>
          %broadcast_in_dim3A_324 = vector.broadcast %scan3A_308 : i32 to vector<16xi32>
          %select_n3A_325 = arith.select %gt3A_321, %broadcast_in_dim3A_324, %select_n3A_306 : vector<16xi1>, vector<16xi32>
          scf.yield %add3A_322, %select_n3A_323, %select_n3A_325 : vector<16xf32>, vector<16xf32>, vector<16xi32>
        }
        %scan3A_138 = arith.constant 64 : i32
        %mul3A_139 = arith.constant 16 : i32
        %mul3A_140 = arith.muli %add3A_34, %mul3A_139 : i32
        %add3A_141 = vector.broadcast %mul3A_140 : i32 to vector<16xi32>
        %add3A_142 = arith.addi %add3A_141, %iota3A : vector<16xi32>
        %broadcast_in_dim3A_143 = arith.constant 5 : i32
        %broadcast_in_dim3A_144 = vector.broadcast %broadcast_in_dim3A_143 : i32 to vector<16xi32>
        tpu.vector_store_idx %arg7[%add3A_142, %broadcast_in_dim3A_144], %scan3A_121#2 : memref<128x8xi32, #tpu.memory_space<vmem>>[vector<16xi32>, vector<16xi32>], vector<16xi32>,
        %div3A_145 = arith.constant 1.000000e+00 : f32
        %div3A_146 = vector.broadcast %div3A_145 : f32 to vector<16xf32>
        %div3A_147 = arith.divf %div3A_146, %scan3A_137#0 : vector<16xf32>
        tpu.vector_store_idx %arg8[%add3A_142, %broadcast_in_dim3A_144], %div3A_147 : memref<128x8xf32, #tpu.memory_space<vmem>>[vector<16xi32>, vector<16xi32>], vector<16xf32>,
        %add3A_148 = arith.addi %add3A_44, %scan3A_137#2 : vector<16xi32>
        tpu.vector_store_idx %arg5[%add3A_148], %broadcast_in_dim3A_3 : memref<66560xf32, #tpu.memory_space<vmem>>[vector<16xi32>], vector<16xf32>,
        %scan3A_149 = arith.constant 0 : i32
        %scan3A_150 = arith.constant 64 : i32
        %scan3A_151 = arith.addi %scan3A_149, %scan3A_150 : i32
        %scan3A_152 = arith.constant 8 : i32
        %scan3A_153:3 = scf.for %scan3A_180 = %scan3A_149 to %scan3A_151 step %scan3A_152 iter_args(%scan3A_181 = %broadcast_in_dim3A_52, %scan3A_182 = %broadcast_in_dim3A_3, %scan3A_183 = %broadcast_in_dim3A_7) -> (vector<16xf32>, vector<16xf32>, vector<16xi32>)  : i32 {
          %add3A_184 = vector.broadcast %scan3A_180 : i32 to vector<16xi32>
          %add3A_185 = arith.addi %add3A_44, %add3A_184 : vector<16xi32>
          %gather3A = tpu.vector_load_idx %arg5[%add3A_185] : memref<66560xf32, #tpu.memory_space<vmem>>[vector<16xi32>], vector<16xf32>,
          %sub3A = arith.subf %gather3A, %scan3A_137#1 : vector<16xf32>
          %abs3A = math.absf %gather3A : vector<16xf32>
          %max3A = arith.maximumf %abs3A, %scan3A_137#1 : vector<16xf32>
          %mul3A_186 = arith.constant -4.000000e-01 : f32
          %mul3A_187 = vector.broadcast %mul3A_186 : f32 to vector<16xf32>
          %mul3A_188 = arith.mulf %mul3A_187, %max3A : vector<16xf32>
          %lt3A = arith.cmpf olt, %sub3A, %mul3A_188 : vector<16xf32>
          %exp3A = math.exp %sub3A : vector<16xf32>
          %select_n3A = arith.select %lt3A, %broadcast_in_dim3A_5, %exp3A : vector<16xi1>, vector<16xf32>
          %gt3A = arith.cmpf ogt, %gather3A, %scan3A_182 : vector<16xf32>
          %add3A_189 = arith.addf %scan3A_181, %select_n3A : vector<16xf32>
          %select_n3A_190 = arith.select %gt3A, %gather3A, %scan3A_182 : vector<16xi1>, vector<16xf32>
          %broadcast_in_dim3A_191 = vector.broadcast %scan3A_180 : i32 to vector<16xi32>
          %select_n3A_192 = arith.select %gt3A, %broadcast_in_dim3A_191, %scan3A_183 : vector<16xi1>, vector<16xi32>
          %scan3A_193 = arith.constant 1 : i32
          %scan3A_194 = arith.addi %scan3A_180, %scan3A_193 : i32
          %add3A_195 = vector.broadcast %scan3A_194 : i32 to vector<16xi32>
          %add3A_196 = arith.addi %add3A_44, %add3A_195 : vector<16xi32>
          %gather3A_197 = tpu.vector_load_idx %arg5[%add3A_196] : memref<66560xf32, #tpu.memory_space<vmem>>[vector<16xi32>], vector<16xf32>,
          %sub3A_198 = arith.subf %gather3A_197, %scan3A_137#1 : vector<16xf32>
          %abs3A_199 = math.absf %gather3A_197 : vector<16xf32>
          %max3A_200 = arith.maximumf %abs3A_199, %scan3A_137#1 : vector<16xf32>
          %mul3A_201 = arith.constant -4.000000e-01 : f32
          %mul3A_202 = vector.broadcast %mul3A_201 : f32 to vector<16xf32>
          %mul3A_203 = arith.mulf %mul3A_202, %max3A_200 : vector<16xf32>
          %lt3A_204 = arith.cmpf olt, %sub3A_198, %mul3A_203 : vector<16xf32>
          %exp3A_205 = math.exp %sub3A_198 : vector<16xf32>
          %select_n3A_206 = arith.select %lt3A_204, %broadcast_in_dim3A_5, %exp3A_205 : vector<16xi1>, vector<16xf32>
          %gt3A_207 = arith.cmpf ogt, %gather3A_197, %select_n3A_190 : vector<16xf32>
          %add3A_208 = arith.addf %add3A_189, %select_n3A_206 : vector<16xf32>
          %select_n3A_209 = arith.select %gt3A_207, %gather3A_197, %select_n3A_190 : vector<16xi1>, vector<16xf32>
          %broadcast_in_dim3A_210 = vector.broadcast %scan3A_194 : i32 to vector<16xi32>
          %select_n3A_211 = arith.select %gt3A_207, %broadcast_in_dim3A_210, %select_n3A_192 : vector<16xi1>, vector<16xi32>
          %scan3A_212 = arith.constant 2 : i32
          %scan3A_213 = arith.addi %scan3A_180, %scan3A_212 : i32
          %add3A_214 = vector.broadcast %scan3A_213 : i32 to vector<16xi32>
          %add3A_215 = arith.addi %add3A_44, %add3A_214 : vector<16xi32>
          %gather3A_216 = tpu.vector_load_idx %arg5[%add3A_215] : memref<66560xf32, #tpu.memory_space<vmem>>[vector<16xi32>], vector<16xf32>,
          %sub3A_217 = arith.subf %gather3A_216, %scan3A_137#1 : vector<16xf32>
          %abs3A_218 = math.absf %gather3A_216 : vector<16xf32>
          %max3A_219 = arith.maximumf %abs3A_218, %scan3A_137#1 : vector<16xf32>
          %mul3A_220 = arith.constant -4.000000e-01 : f32
          %mul3A_221 = vector.broadcast %mul3A_220 : f32 to vector<16xf32>
          %mul3A_222 = arith.mulf %mul3A_221, %max3A_219 : vector<16xf32>
          %lt3A_223 = arith.cmpf olt, %sub3A_217, %mul3A_222 : vector<16xf32>
          %exp3A_224 = math.exp %sub3A_217 : vector<16xf32>
          %select_n3A_225 = arith.select %lt3A_223, %broadcast_in_dim3A_5, %exp3A_224 : vector<16xi1>, vector<16xf32>
          %gt3A_226 = arith.cmpf ogt, %gather3A_216, %select_n3A_209 : vector<16xf32>
          %add3A_227 = arith.addf %add3A_208, %select_n3A_225 : vector<16xf32>
          %select_n3A_228 = arith.select %gt3A_226, %gather3A_216, %select_n3A_209 : vector<16xi1>, vector<16xf32>
          %broadcast_in_dim3A_229 = vector.broadcast %scan3A_213 : i32 to vector<16xi32>
          %select_n3A_230 = arith.select %gt3A_226, %broadcast_in_dim3A_229, %select_n3A_211 : vector<16xi1>, vector<16xi32>
          %scan3A_231 = arith.constant 3 : i32
          %scan3A_232 = arith.addi %scan3A_180, %scan3A_231 : i32
          %add3A_233 = vector.broadcast %scan3A_232 : i32 to vector<16xi32>
          %add3A_234 = arith.addi %add3A_44, %add3A_233 : vector<16xi32>
          %gather3A_235 = tpu.vector_load_idx %arg5[%add3A_234] : memref<66560xf32, #tpu.memory_space<vmem>>[vector<16xi32>], vector<16xf32>,
          %sub3A_236 = arith.subf %gather3A_235, %scan3A_137#1 : vector<16xf32>
          %abs3A_237 = math.absf %gather3A_235 : vector<16xf32>
          %max3A_238 = arith.maximumf %abs3A_237, %scan3A_137#1 : vector<16xf32>
          %mul3A_239 = arith.constant -4.000000e-01 : f32
          %mul3A_240 = vector.broadcast %mul3A_239 : f32 to vector<16xf32>
          %mul3A_241 = arith.mulf %mul3A_240, %max3A_238 : vector<16xf32>
          %lt3A_242 = arith.cmpf olt, %sub3A_236, %mul3A_241 : vector<16xf32>
          %exp3A_243 = math.exp %sub3A_236 : vector<16xf32>
          %select_n3A_244 = arith.select %lt3A_242, %broadcast_in_dim3A_5, %exp3A_243 : vector<16xi1>, vector<16xf32>
          %gt3A_245 = arith.cmpf ogt, %gather3A_235, %select_n3A_228 : vector<16xf32>
          %add3A_246 = arith.addf %add3A_227, %select_n3A_244 : vector<16xf32>
          %select_n3A_247 = arith.select %gt3A_245, %gather3A_235, %select_n3A_228 : vector<16xi1>, vector<16xf32>
          %broadcast_in_dim3A_248 = vector.broadcast %scan3A_232 : i32 to vector<16xi32>
          %select_n3A_249 = arith.select %gt3A_245, %broadcast_in_dim3A_248, %select_n3A_230 : vector<16xi1>, vector<16xi32>
          %scan3A_250 = arith.constant 4 : i32
          %scan3A_251 = arith.addi %scan3A_180, %scan3A_250 : i32
          %add3A_252 = vector.broadcast %scan3A_251 : i32 to vector<16xi32>
          %add3A_253 = arith.addi %add3A_44, %add3A_252 : vector<16xi32>
          %gather3A_254 = tpu.vector_load_idx %arg5[%add3A_253] : memref<66560xf32, #tpu.memory_space<vmem>>[vector<16xi32>], vector<16xf32>,
          %sub3A_255 = arith.subf %gather3A_254, %scan3A_137#1 : vector<16xf32>
          %abs3A_256 = math.absf %gather3A_254 : vector<16xf32>
          %max3A_257 = arith.maximumf %abs3A_256, %scan3A_137#1 : vector<16xf32>
          %mul3A_258 = arith.constant -4.000000e-01 : f32
          %mul3A_259 = vector.broadcast %mul3A_258 : f32 to vector<16xf32>
          %mul3A_260 = arith.mulf %mul3A_259, %max3A_257 : vector<16xf32>
          %lt3A_261 = arith.cmpf olt, %sub3A_255, %mul3A_260 : vector<16xf32>
          %exp3A_262 = math.exp %sub3A_255 : vector<16xf32>
          %select_n3A_263 = arith.select %lt3A_261, %broadcast_in_dim3A_5, %exp3A_262 : vector<16xi1>, vector<16xf32>
          %gt3A_264 = arith.cmpf ogt, %gather3A_254, %select_n3A_247 : vector<16xf32>
          %add3A_265 = arith.addf %add3A_246, %select_n3A_263 : vector<16xf32>
          %select_n3A_266 = arith.select %gt3A_264, %gather3A_254, %select_n3A_247 : vector<16xi1>, vector<16xf32>
          %broadcast_in_dim3A_267 = vector.broadcast %scan3A_251 : i32 to vector<16xi32>
          %select_n3A_268 = arith.select %gt3A_264, %broadcast_in_dim3A_267, %select_n3A_249 : vector<16xi1>, vector<16xi32>
          %scan3A_269 = arith.constant 5 : i32
          %scan3A_270 = arith.addi %scan3A_180, %scan3A_269 : i32
          %add3A_271 = vector.broadcast %scan3A_270 : i32 to vector<16xi32>
          %add3A_272 = arith.addi %add3A_44, %add3A_271 : vector<16xi32>
          %gather3A_273 = tpu.vector_load_idx %arg5[%add3A_272] : memref<66560xf32, #tpu.memory_space<vmem>>[vector<16xi32>], vector<16xf32>,
          %sub3A_274 = arith.subf %gather3A_273, %scan3A_137#1 : vector<16xf32>
          %abs3A_275 = math.absf %gather3A_273 : vector<16xf32>
          %max3A_276 = arith.maximumf %abs3A_275, %scan3A_137#1 : vector<16xf32>
          %mul3A_277 = arith.constant -4.000000e-01 : f32
          %mul3A_278 = vector.broadcast %mul3A_277 : f32 to vector<16xf32>
          %mul3A_279 = arith.mulf %mul3A_278, %max3A_276 : vector<16xf32>
          %lt3A_280 = arith.cmpf olt, %sub3A_274, %mul3A_279 : vector<16xf32>
          %exp3A_281 = math.exp %sub3A_274 : vector<16xf32>
          %select_n3A_282 = arith.select %lt3A_280, %broadcast_in_dim3A_5, %exp3A_281 : vector<16xi1>, vector<16xf32>
          %gt3A_283 = arith.cmpf ogt, %gather3A_273, %select_n3A_266 : vector<16xf32>
          %add3A_284 = arith.addf %add3A_265, %select_n3A_282 : vector<16xf32>
          %select_n3A_285 = arith.select %gt3A_283, %gather3A_273, %select_n3A_266 : vector<16xi1>, vector<16xf32>
          %broadcast_in_dim3A_286 = vector.broadcast %scan3A_270 : i32 to vector<16xi32>
          %select_n3A_287 = arith.select %gt3A_283, %broadcast_in_dim3A_286, %select_n3A_268 : vector<16xi1>, vector<16xi32>
          %scan3A_288 = arith.constant 6 : i32
          %scan3A_289 = arith.addi %scan3A_180, %scan3A_288 : i32
          %add3A_290 = vector.broadcast %scan3A_289 : i32 to vector<16xi32>
          %add3A_291 = arith.addi %add3A_44, %add3A_290 : vector<16xi32>
          %gather3A_292 = tpu.vector_load_idx %arg5[%add3A_291] : memref<66560xf32, #tpu.memory_space<vmem>>[vector<16xi32>], vector<16xf32>,
          %sub3A_293 = arith.subf %gather3A_292, %scan3A_137#1 : vector<16xf32>
          %abs3A_294 = math.absf %gather3A_292 : vector<16xf32>
          %max3A_295 = arith.maximumf %abs3A_294, %scan3A_137#1 : vector<16xf32>
          %mul3A_296 = arith.constant -4.000000e-01 : f32
          %mul3A_297 = vector.broadcast %mul3A_296 : f32 to vector<16xf32>
          %mul3A_298 = arith.mulf %mul3A_297, %max3A_295 : vector<16xf32>
          %lt3A_299 = arith.cmpf olt, %sub3A_293, %mul3A_298 : vector<16xf32>
          %exp3A_300 = math.exp %sub3A_293 : vector<16xf32>
          %select_n3A_301 = arith.select %lt3A_299, %broadcast_in_dim3A_5, %exp3A_300 : vector<16xi1>, vector<16xf32>
          %gt3A_302 = arith.cmpf ogt, %gather3A_292, %select_n3A_285 : vector<16xf32>
          %add3A_303 = arith.addf %add3A_284, %select_n3A_301 : vector<16xf32>
          %select_n3A_304 = arith.select %gt3A_302, %gather3A_292, %select_n3A_285 : vector<16xi1>, vector<16xf32>
          %broadcast_in_dim3A_305 = vector.broadcast %scan3A_289 : i32 to vector<16xi32>
          %select_n3A_306 = arith.select %gt3A_302, %broadcast_in_dim3A_305, %select_n3A_287 : vector<16xi1>, vector<16xi32>
          %scan3A_307 = arith.constant 7 : i32
          %scan3A_308 = arith.addi %scan3A_180, %scan3A_307 : i32
          %add3A_309 = vector.broadcast %scan3A_308 : i32 to vector<16xi32>
          %add3A_310 = arith.addi %add3A_44, %add3A_309 : vector<16xi32>
          %gather3A_311 = tpu.vector_load_idx %arg5[%add3A_310] : memref<66560xf32, #tpu.memory_space<vmem>>[vector<16xi32>], vector<16xf32>,
          %sub3A_312 = arith.subf %gather3A_311, %scan3A_137#1 : vector<16xf32>
          %abs3A_313 = math.absf %gather3A_311 : vector<16xf32>
          %max3A_314 = arith.maximumf %abs3A_313, %scan3A_137#1 : vector<16xf32>
          %mul3A_315 = arith.constant -4.000000e-01 : f32
          %mul3A_316 = vector.broadcast %mul3A_315 : f32 to vector<16xf32>
          %mul3A_317 = arith.mulf %mul3A_316, %max3A_314 : vector<16xf32>
          %lt3A_318 = arith.cmpf olt, %sub3A_312, %mul3A_317 : vector<16xf32>
          %exp3A_319 = math.exp %sub3A_312 : vector<16xf32>
          %select_n3A_320 = arith.select %lt3A_318, %broadcast_in_dim3A_5, %exp3A_319 : vector<16xi1>, vector<16xf32>
          %gt3A_321 = arith.cmpf ogt, %gather3A_311, %select_n3A_304 : vector<16xf32>
          %add3A_322 = arith.addf %add3A_303, %select_n3A_320 : vector<16xf32>
          %select_n3A_323 = arith.select %gt3A_321, %gather3A_311, %select_n3A_304 : vector<16xi1>, vector<16xf32>
          %broadcast_in_dim3A_324 = vector.broadcast %scan3A_308 : i32 to vector<16xi32>
          %select_n3A_325 = arith.select %gt3A_321, %broadcast_in_dim3A_324, %select_n3A_306 : vector<16xi1>, vector<16xi32>
          scf.yield %add3A_322, %select_n3A_323, %select_n3A_325 : vector<16xf32>, vector<16xf32>, vector<16xi32>
        }
        %scan3A_154 = arith.constant 64 : i32
        %mul3A_155 = arith.constant 16 : i32
        %mul3A_156 = arith.muli %add3A_34, %mul3A_155 : i32
        %add3A_157 = vector.broadcast %mul3A_156 : i32 to vector<16xi32>
        %add3A_158 = arith.addi %add3A_157, %iota3A : vector<16xi32>
        %broadcast_in_dim3A_159 = arith.constant 6 : i32
        %broadcast_in_dim3A_160 = vector.broadcast %broadcast_in_dim3A_159 : i32 to vector<16xi32>
        tpu.vector_store_idx %arg7[%add3A_158, %broadcast_in_dim3A_160], %scan3A_137#2 : memref<128x8xi32, #tpu.memory_space<vmem>>[vector<16xi32>, vector<16xi32>], vector<16xi32>,
        %div3A_161 = arith.constant 1.000000e+00 : f32
        %div3A_162 = vector.broadcast %div3A_161 : f32 to vector<16xf32>
        %div3A_163 = arith.divf %div3A_162, %scan3A_153#0 : vector<16xf32>
        tpu.vector_store_idx %arg8[%add3A_158, %broadcast_in_dim3A_160], %div3A_163 : memref<128x8xf32, #tpu.memory_space<vmem>>[vector<16xi32>, vector<16xi32>], vector<16xf32>,
        %add3A_164 = arith.addi %add3A_44, %scan3A_153#2 : vector<16xi32>
        tpu.vector_store_idx %arg5[%add3A_164], %broadcast_in_dim3A_3 : memref<66560xf32, #tpu.memory_space<vmem>>[vector<16xi32>], vector<16xf32>,
        %scan3A_165 = arith.constant 0 : i32
        %scan3A_166 = arith.constant 64 : i32
        %scan3A_167 = arith.addi %scan3A_165, %scan3A_166 : i32
        %scan3A_168 = arith.constant 8 : i32
        %scan3A_169:3 = scf.for %scan3A_180 = %scan3A_165 to %scan3A_167 step %scan3A_168 iter_args(%scan3A_181 = %broadcast_in_dim3A_52, %scan3A_182 = %broadcast_in_dim3A_3, %scan3A_183 = %broadcast_in_dim3A_7) -> (vector<16xf32>, vector<16xf32>, vector<16xi32>)  : i32 {
          %add3A_184 = vector.broadcast %scan3A_180 : i32 to vector<16xi32>
          %add3A_185 = arith.addi %add3A_44, %add3A_184 : vector<16xi32>
          %gather3A = tpu.vector_load_idx %arg5[%add3A_185] : memref<66560xf32, #tpu.memory_space<vmem>>[vector<16xi32>], vector<16xf32>,
          %sub3A = arith.subf %gather3A, %scan3A_153#1 : vector<16xf32>
          %abs3A = math.absf %gather3A : vector<16xf32>
          %max3A = arith.maximumf %abs3A, %scan3A_153#1 : vector<16xf32>
          %mul3A_186 = arith.constant -4.000000e-01 : f32
          %mul3A_187 = vector.broadcast %mul3A_186 : f32 to vector<16xf32>
          %mul3A_188 = arith.mulf %mul3A_187, %max3A : vector<16xf32>
          %lt3A = arith.cmpf olt, %sub3A, %mul3A_188 : vector<16xf32>
          %exp3A = math.exp %sub3A : vector<16xf32>
          %select_n3A = arith.select %lt3A, %broadcast_in_dim3A_5, %exp3A : vector<16xi1>, vector<16xf32>
          %gt3A = arith.cmpf ogt, %gather3A, %scan3A_182 : vector<16xf32>
          %add3A_189 = arith.addf %scan3A_181, %select_n3A : vector<16xf32>
          %select_n3A_190 = arith.select %gt3A, %gather3A, %scan3A_182 : vector<16xi1>, vector<16xf32>
          %broadcast_in_dim3A_191 = vector.broadcast %scan3A_180 : i32 to vector<16xi32>
          %select_n3A_192 = arith.select %gt3A, %broadcast_in_dim3A_191, %scan3A_183 : vector<16xi1>, vector<16xi32>
          %scan3A_193 = arith.constant 1 : i32
          %scan3A_194 = arith.addi %scan3A_180, %scan3A_193 : i32
          %add3A_195 = vector.broadcast %scan3A_194 : i32 to vector<16xi32>
          %add3A_196 = arith.addi %add3A_44, %add3A_195 : vector<16xi32>
          %gather3A_197 = tpu.vector_load_idx %arg5[%add3A_196] : memref<66560xf32, #tpu.memory_space<vmem>>[vector<16xi32>], vector<16xf32>,
          %sub3A_198 = arith.subf %gather3A_197, %scan3A_153#1 : vector<16xf32>
          %abs3A_199 = math.absf %gather3A_197 : vector<16xf32>
          %max3A_200 = arith.maximumf %abs3A_199, %scan3A_153#1 : vector<16xf32>
          %mul3A_201 = arith.constant -4.000000e-01 : f32
          %mul3A_202 = vector.broadcast %mul3A_201 : f32 to vector<16xf32>
          %mul3A_203 = arith.mulf %mul3A_202, %max3A_200 : vector<16xf32>
          %lt3A_204 = arith.cmpf olt, %sub3A_198, %mul3A_203 : vector<16xf32>
          %exp3A_205 = math.exp %sub3A_198 : vector<16xf32>
          %select_n3A_206 = arith.select %lt3A_204, %broadcast_in_dim3A_5, %exp3A_205 : vector<16xi1>, vector<16xf32>
          %gt3A_207 = arith.cmpf ogt, %gather3A_197, %select_n3A_190 : vector<16xf32>
          %add3A_208 = arith.addf %add3A_189, %select_n3A_206 : vector<16xf32>
          %select_n3A_209 = arith.select %gt3A_207, %gather3A_197, %select_n3A_190 : vector<16xi1>, vector<16xf32>
          %broadcast_in_dim3A_210 = vector.broadcast %scan3A_194 : i32 to vector<16xi32>
          %select_n3A_211 = arith.select %gt3A_207, %broadcast_in_dim3A_210, %select_n3A_192 : vector<16xi1>, vector<16xi32>
          %scan3A_212 = arith.constant 2 : i32
          %scan3A_213 = arith.addi %scan3A_180, %scan3A_212 : i32
          %add3A_214 = vector.broadcast %scan3A_213 : i32 to vector<16xi32>
          %add3A_215 = arith.addi %add3A_44, %add3A_214 : vector<16xi32>
          %gather3A_216 = tpu.vector_load_idx %arg5[%add3A_215] : memref<66560xf32, #tpu.memory_space<vmem>>[vector<16xi32>], vector<16xf32>,
          %sub3A_217 = arith.subf %gather3A_216, %scan3A_153#1 : vector<16xf32>
          %abs3A_218 = math.absf %gather3A_216 : vector<16xf32>
          %max3A_219 = arith.maximumf %abs3A_218, %scan3A_153#1 : vector<16xf32>
          %mul3A_220 = arith.constant -4.000000e-01 : f32
          %mul3A_221 = vector.broadcast %mul3A_220 : f32 to vector<16xf32>
          %mul3A_222 = arith.mulf %mul3A_221, %max3A_219 : vector<16xf32>
          %lt3A_223 = arith.cmpf olt, %sub3A_217, %mul3A_222 : vector<16xf32>
          %exp3A_224 = math.exp %sub3A_217 : vector<16xf32>
          %select_n3A_225 = arith.select %lt3A_223, %broadcast_in_dim3A_5, %exp3A_224 : vector<16xi1>, vector<16xf32>
          %gt3A_226 = arith.cmpf ogt, %gather3A_216, %select_n3A_209 : vector<16xf32>
          %add3A_227 = arith.addf %add3A_208, %select_n3A_225 : vector<16xf32>
          %select_n3A_228 = arith.select %gt3A_226, %gather3A_216, %select_n3A_209 : vector<16xi1>, vector<16xf32>
          %broadcast_in_dim3A_229 = vector.broadcast %scan3A_213 : i32 to vector<16xi32>
          %select_n3A_230 = arith.select %gt3A_226, %broadcast_in_dim3A_229, %select_n3A_211 : vector<16xi1>, vector<16xi32>
          %scan3A_231 = arith.constant 3 : i32
          %scan3A_232 = arith.addi %scan3A_180, %scan3A_231 : i32
          %add3A_233 = vector.broadcast %scan3A_232 : i32 to vector<16xi32>
          %add3A_234 = arith.addi %add3A_44, %add3A_233 : vector<16xi32>
          %gather3A_235 = tpu.vector_load_idx %arg5[%add3A_234] : memref<66560xf32, #tpu.memory_space<vmem>>[vector<16xi32>], vector<16xf32>,
          %sub3A_236 = arith.subf %gather3A_235, %scan3A_153#1 : vector<16xf32>
          %abs3A_237 = math.absf %gather3A_235 : vector<16xf32>
          %max3A_238 = arith.maximumf %abs3A_237, %scan3A_153#1 : vector<16xf32>
          %mul3A_239 = arith.constant -4.000000e-01 : f32
          %mul3A_240 = vector.broadcast %mul3A_239 : f32 to vector<16xf32>
          %mul3A_241 = arith.mulf %mul3A_240, %max3A_238 : vector<16xf32>
          %lt3A_242 = arith.cmpf olt, %sub3A_236, %mul3A_241 : vector<16xf32>
          %exp3A_243 = math.exp %sub3A_236 : vector<16xf32>
          %select_n3A_244 = arith.select %lt3A_242, %broadcast_in_dim3A_5, %exp3A_243 : vector<16xi1>, vector<16xf32>
          %gt3A_245 = arith.cmpf ogt, %gather3A_235, %select_n3A_228 : vector<16xf32>
          %add3A_246 = arith.addf %add3A_227, %select_n3A_244 : vector<16xf32>
          %select_n3A_247 = arith.select %gt3A_245, %gather3A_235, %select_n3A_228 : vector<16xi1>, vector<16xf32>
          %broadcast_in_dim3A_248 = vector.broadcast %scan3A_232 : i32 to vector<16xi32>
          %select_n3A_249 = arith.select %gt3A_245, %broadcast_in_dim3A_248, %select_n3A_230 : vector<16xi1>, vector<16xi32>
          %scan3A_250 = arith.constant 4 : i32
          %scan3A_251 = arith.addi %scan3A_180, %scan3A_250 : i32
          %add3A_252 = vector.broadcast %scan3A_251 : i32 to vector<16xi32>
          %add3A_253 = arith.addi %add3A_44, %add3A_252 : vector<16xi32>
          %gather3A_254 = tpu.vector_load_idx %arg5[%add3A_253] : memref<66560xf32, #tpu.memory_space<vmem>>[vector<16xi32>], vector<16xf32>,
          %sub3A_255 = arith.subf %gather3A_254, %scan3A_153#1 : vector<16xf32>
          %abs3A_256 = math.absf %gather3A_254 : vector<16xf32>
          %max3A_257 = arith.maximumf %abs3A_256, %scan3A_153#1 : vector<16xf32>
          %mul3A_258 = arith.constant -4.000000e-01 : f32
          %mul3A_259 = vector.broadcast %mul3A_258 : f32 to vector<16xf32>
          %mul3A_260 = arith.mulf %mul3A_259, %max3A_257 : vector<16xf32>
          %lt3A_261 = arith.cmpf olt, %sub3A_255, %mul3A_260 : vector<16xf32>
          %exp3A_262 = math.exp %sub3A_255 : vector<16xf32>
          %select_n3A_263 = arith.select %lt3A_261, %broadcast_in_dim3A_5, %exp3A_262 : vector<16xi1>, vector<16xf32>
          %gt3A_264 = arith.cmpf ogt, %gather3A_254, %select_n3A_247 : vector<16xf32>
          %add3A_265 = arith.addf %add3A_246, %select_n3A_263 : vector<16xf32>
          %select_n3A_266 = arith.select %gt3A_264, %gather3A_254, %select_n3A_247 : vector<16xi1>, vector<16xf32>
          %broadcast_in_dim3A_267 = vector.broadcast %scan3A_251 : i32 to vector<16xi32>
          %select_n3A_268 = arith.select %gt3A_264, %broadcast_in_dim3A_267, %select_n3A_249 : vector<16xi1>, vector<16xi32>
          %scan3A_269 = arith.constant 5 : i32
          %scan3A_270 = arith.addi %scan3A_180, %scan3A_269 : i32
          %add3A_271 = vector.broadcast %scan3A_270 : i32 to vector<16xi32>
          %add3A_272 = arith.addi %add3A_44, %add3A_271 : vector<16xi32>
          %gather3A_273 = tpu.vector_load_idx %arg5[%add3A_272] : memref<66560xf32, #tpu.memory_space<vmem>>[vector<16xi32>], vector<16xf32>,
          %sub3A_274 = arith.subf %gather3A_273, %scan3A_153#1 : vector<16xf32>
          %abs3A_275 = math.absf %gather3A_273 : vector<16xf32>
          %max3A_276 = arith.maximumf %abs3A_275, %scan3A_153#1 : vector<16xf32>
          %mul3A_277 = arith.constant -4.000000e-01 : f32
          %mul3A_278 = vector.broadcast %mul3A_277 : f32 to vector<16xf32>
          %mul3A_279 = arith.mulf %mul3A_278, %max3A_276 : vector<16xf32>
          %lt3A_280 = arith.cmpf olt, %sub3A_274, %mul3A_279 : vector<16xf32>
          %exp3A_281 = math.exp %sub3A_274 : vector<16xf32>
          %select_n3A_282 = arith.select %lt3A_280, %broadcast_in_dim3A_5, %exp3A_281 : vector<16xi1>, vector<16xf32>
          %gt3A_283 = arith.cmpf ogt, %gather3A_273, %select_n3A_266 : vector<16xf32>
          %add3A_284 = arith.addf %add3A_265, %select_n3A_282 : vector<16xf32>
          %select_n3A_285 = arith.select %gt3A_283, %gather3A_273, %select_n3A_266 : vector<16xi1>, vector<16xf32>
          %broadcast_in_dim3A_286 = vector.broadcast %scan3A_270 : i32 to vector<16xi32>
          %select_n3A_287 = arith.select %gt3A_283, %broadcast_in_dim3A_286, %select_n3A_268 : vector<16xi1>, vector<16xi32>
          %scan3A_288 = arith.constant 6 : i32
          %scan3A_289 = arith.addi %scan3A_180, %scan3A_288 : i32
          %add3A_290 = vector.broadcast %scan3A_289 : i32 to vector<16xi32>
          %add3A_291 = arith.addi %add3A_44, %add3A_290 : vector<16xi32>
          %gather3A_292 = tpu.vector_load_idx %arg5[%add3A_291] : memref<66560xf32, #tpu.memory_space<vmem>>[vector<16xi32>], vector<16xf32>,
          %sub3A_293 = arith.subf %gather3A_292, %scan3A_153#1 : vector<16xf32>
          %abs3A_294 = math.absf %gather3A_292 : vector<16xf32>
          %max3A_295 = arith.maximumf %abs3A_294, %scan3A_153#1 : vector<16xf32>
          %mul3A_296 = arith.constant -4.000000e-01 : f32
          %mul3A_297 = vector.broadcast %mul3A_296 : f32 to vector<16xf32>
          %mul3A_298 = arith.mulf %mul3A_297, %max3A_295 : vector<16xf32>
          %lt3A_299 = arith.cmpf olt, %sub3A_293, %mul3A_298 : vector<16xf32>
          %exp3A_300 = math.exp %sub3A_293 : vector<16xf32>
          %select_n3A_301 = arith.select %lt3A_299, %broadcast_in_dim3A_5, %exp3A_300 : vector<16xi1>, vector<16xf32>
          %gt3A_302 = arith.cmpf ogt, %gather3A_292, %select_n3A_285 : vector<16xf32>
          %add3A_303 = arith.addf %add3A_284, %select_n3A_301 : vector<16xf32>
          %select_n3A_304 = arith.select %gt3A_302, %gather3A_292, %select_n3A_285 : vector<16xi1>, vector<16xf32>
          %broadcast_in_dim3A_305 = vector.broadcast %scan3A_289 : i32 to vector<16xi32>
          %select_n3A_306 = arith.select %gt3A_302, %broadcast_in_dim3A_305, %select_n3A_287 : vector<16xi1>, vector<16xi32>
          %scan3A_307 = arith.constant 7 : i32
          %scan3A_308 = arith.addi %scan3A_180, %scan3A_307 : i32
          %add3A_309 = vector.broadcast %scan3A_308 : i32 to vector<16xi32>
          %add3A_310 = arith.addi %add3A_44, %add3A_309 : vector<16xi32>
          %gather3A_311 = tpu.vector_load_idx %arg5[%add3A_310] : memref<66560xf32, #tpu.memory_space<vmem>>[vector<16xi32>], vector<16xf32>,
          %sub3A_312 = arith.subf %gather3A_311, %scan3A_153#1 : vector<16xf32>
          %abs3A_313 = math.absf %gather3A_311 : vector<16xf32>
          %max3A_314 = arith.maximumf %abs3A_313, %scan3A_153#1 : vector<16xf32>
          %mul3A_315 = arith.constant -4.000000e-01 : f32
          %mul3A_316 = vector.broadcast %mul3A_315 : f32 to vector<16xf32>
          %mul3A_317 = arith.mulf %mul3A_316, %max3A_314 : vector<16xf32>
          %lt3A_318 = arith.cmpf olt, %sub3A_312, %mul3A_317 : vector<16xf32>
          %exp3A_319 = math.exp %sub3A_312 : vector<16xf32>
          %select_n3A_320 = arith.select %lt3A_318, %broadcast_in_dim3A_5, %exp3A_319 : vector<16xi1>, vector<16xf32>
          %gt3A_321 = arith.cmpf ogt, %gather3A_311, %select_n3A_304 : vector<16xf32>
          %add3A_322 = arith.addf %add3A_303, %select_n3A_320 : vector<16xf32>
          %select_n3A_323 = arith.select %gt3A_321, %gather3A_311, %select_n3A_304 : vector<16xi1>, vector<16xf32>
          %broadcast_in_dim3A_324 = vector.broadcast %scan3A_308 : i32 to vector<16xi32>
          %select_n3A_325 = arith.select %gt3A_321, %broadcast_in_dim3A_324, %select_n3A_306 : vector<16xi1>, vector<16xi32>
          scf.yield %add3A_322, %select_n3A_323, %select_n3A_325 : vector<16xf32>, vector<16xf32>, vector<16xi32>
        }
        %scan3A_170 = arith.constant 64 : i32
        %mul3A_171 = arith.constant 16 : i32
        %mul3A_172 = arith.muli %add3A_34, %mul3A_171 : i32
        %add3A_173 = vector.broadcast %mul3A_172 : i32 to vector<16xi32>
        %add3A_174 = arith.addi %add3A_173, %iota3A : vector<16xi32>
        %broadcast_in_dim3A_175 = arith.constant 7 : i32
        %broadcast_in_dim3A_176 = vector.broadcast %broadcast_in_dim3A_175 : i32 to vector<16xi32>
        tpu.vector_store_idx %arg7[%add3A_174, %broadcast_in_dim3A_176], %scan3A_153#2 : memref<128x8xi32, #tpu.memory_space<vmem>>[vector<16xi32>, vector<16xi32>], vector<16xi32>,
        %div3A_177 = arith.constant 1.000000e+00 : f32
        %div3A_178 = vector.broadcast %div3A_177 : f32 to vector<16xf32>
        %div3A_179 = arith.divf %div3A_178, %scan3A_169#0 : vector<16xf32>
        tpu.vector_store_idx %arg8[%add3A_174, %broadcast_in_dim3A_176], %div3A_179 : memref<128x8xf32, #tpu.memory_space<vmem>>[vector<16xi32>, vector<16xi32>], vector<16xf32>,
      }
      %scan3A_26 = arith.constant 8 : i32
      %mul3A_27 = arith.constant 128 : i32
      %mul3A_28 = arith.muli %add3A_21, %mul3A_27 : i32
      %add3A_29 = arith.addi %mul3A_2, %mul3A_28 : i32
      "tpu.region"() ({
        %run_scoped3A = tpu.sem_alloc : memref<!tpu.dma_semaphore, #tpu.memory_space<semaphore_mem>>
        %dma_start3A = arith.constant 0 : i32
        %dma_start3A_30 = tpu.memref_slice %arg3[%add3A_29, %dma_start3A] : memref<32768x8xi32, #tpu.memory_space<hbm>> -> memref<128x8xi32, #tpu.memory_space<hbm>>
        %dma_start3A_31 = arith.constant 0 : i32
        %dma_start3A_32 = tpu.memref_slice %arg3[%add3A_29, %dma_start3A_31] : memref<32768x8xi32, #tpu.memory_space<hbm>> -> memref<128x8xi32, #tpu.memory_space<hbm>>
        tpu.enqueue_dma source(%arg7 : memref<128x8xi32, #tpu.memory_space<vmem>>) target(%dma_start3A_32 : memref<128x8xi32, #tpu.memory_space<hbm>>) target_semaphore(%run_scoped3A : memref<!tpu.dma_semaphore, #tpu.memory_space<semaphore_mem>>)
        %dma_wait3A = arith.constant 0 : i32
        %dma_wait3A_33 = tpu.memref_slice %arg3[%add3A_29, %dma_wait3A] : memref<32768x8xi32, #tpu.memory_space<hbm>> -> memref<128x8xi32, #tpu.memory_space<hbm>>
        %dma_wait3A_34 = arith.constant 0 : i32
        %dma_wait3A_35 = tpu.memref_slice %arg3[%add3A_29, %dma_wait3A_34] : memref<32768x8xi32, #tpu.memory_space<hbm>> -> memref<128x8xi32, #tpu.memory_space<hbm>>
        tpu.wait_dma2 semaphore(%run_scoped3A : memref<!tpu.dma_semaphore, #tpu.memory_space<semaphore_mem>>) src(%arg7 : memref<128x8xi32, #tpu.memory_space<vmem>>) dst(%dma_wait3A_35 : memref<128x8xi32, #tpu.memory_space<hbm>>)
        tpu.yield
      }) : () -> ()
      "tpu.region"() ({
        %run_scoped3A = tpu.sem_alloc : memref<!tpu.dma_semaphore, #tpu.memory_space<semaphore_mem>>
        %dma_start3A = arith.constant 0 : i32
        %dma_start3A_30 = tpu.memref_slice %arg4[%add3A_29, %dma_start3A] : memref<32768x8xf32, #tpu.memory_space<hbm>> -> memref<128x8xf32, #tpu.memory_space<hbm>>
        %dma_start3A_31 = arith.constant 0 : i32
        %dma_start3A_32 = tpu.memref_slice %arg4[%add3A_29, %dma_start3A_31] : memref<32768x8xf32, #tpu.memory_space<hbm>> -> memref<128x8xf32, #tpu.memory_space<hbm>>
        tpu.enqueue_dma source(%arg8 : memref<128x8xf32, #tpu.memory_space<vmem>>) target(%dma_start3A_32 : memref<128x8xf32, #tpu.memory_space<hbm>>) target_semaphore(%run_scoped3A : memref<!tpu.dma_semaphore, #tpu.memory_space<semaphore_mem>>)
        %dma_wait3A = arith.constant 0 : i32
        %dma_wait3A_33 = tpu.memref_slice %arg4[%add3A_29, %dma_wait3A] : memref<32768x8xf32, #tpu.memory_space<hbm>> -> memref<128x8xf32, #tpu.memory_space<hbm>>
        %dma_wait3A_34 = arith.constant 0 : i32
        %dma_wait3A_35 = tpu.memref_slice %arg4[%add3A_29, %dma_wait3A_34] : memref<32768x8xf32, #tpu.memory_space<hbm>> -> memref<128x8xf32, #tpu.memory_space<hbm>>
        tpu.wait_dma2 semaphore(%run_scoped3A : memref<!tpu.dma_semaphore, #tpu.memory_space<semaphore_mem>>) src(%arg8 : memref<128x8xf32, #tpu.memory_space<vmem>>) dst(%dma_wait3A_35 : memref<128x8xf32, #tpu.memory_space<hbm>>)
        tpu.yield
      }) : () -> ()
    }
    %scan3A_16 = arith.constant 8 : i32
    return
  }
}

</mosaic_0001>

<sc_bundles>
// kernel: kernel.3.cloned.1.call-start
scs
__scs_entry_jumppad:
0x0: {  	(pc) =	sbr.rel $0x88, $3  }
0x1: {  	(tag) =	ssettag $0x0;
	lr =	simm.s32 $0x1  }
0x2: {  	[smem:$0x3FA0] =	sst lr;
	_ =	strace $0xD0000000  }
0x3: {  	_ = 	snop  }
0x4: {  	_ = 	snop  }
0x5: {  	_ = 	snop  }
0x6: {  	_ = 	snop  }
0x7: {  	_ = 	snop  }
__scs_overlays_trampoline_lowered:
0x8: {  	[smem:$0x3FAF] =	sst s0  }
0x9: {  	[smem:$0x3FB0] =	sst s1  }
0xa: {  	[smem:$0x3FB1] =	sst s2  }
0xb: {  	[smem:$0x3FB2] =	sst s3  }
0xc: {  	[smem:$0x3FB3] =	sst s4  }
0xd: {  	[smem:$0x3FB4] =	sst s5  }
0xe: {  	[smem:$0x3FB5] =	sst s6  }
0xf: {  	[smem:$0x3FB6] =	sst s7  }
0x10: {  	[smem:$0x3FB7] =	sst s8  }
0x11: {  	[smem:$0x3FB8] =	sst s9;
	s0 =	simm.s32 @!p0 $0x0  }
0x12: {  	s1 =	sld [smem:$0x3F9E];
	s0 =	simm.s32 @p0 $0x1  }
0x13: {  	[smem:$0x3FB9] =	sst s0;
	s0 =	simm.s32 @!p1 $0x0  }
0x14: {  	s2 =	sld [smem:$0x3F9D];
	s0 =	simm.s32 @p1 $0x1  }
0x15: {  	[smem:$0x3FBA] =	sst s0;
	s0 =	simm.s32 @!p2 $0x0  }
0x16: {  	s3 =	sld [smem:$0x3FDB];
	s0 =	simm.s32 @p2 $0x1  }
0x17: {  	s4 =	simm.s32 $0x1BF5;
	[smem:$0x3FBC] =	sst s0  }
0x18: {  	s0 =	sld [smem:$0x3F9F];
	_ =	swait.ge [sflag:s4], $0x0  }
0x19: {  	s7 =	sld [smem:$0x3FA0]  }
0x1a: {  	s8 =	sadd.s32 $0xFFFFE003, lr  }
0x1b: {  	s9 =	sadd.s32 $0xFFFFFEF7, lr;
	s5 =	simm.s32 $0xFFFFFFFF;
	p2 =	slt.u32 s8, $0xFFFFF086  }
0x1c: {  	p1 =	slt.u32 s9, $0xF7A;
	s5 =	simm.s32 @!p2 $0x0  }
0x1d: {  	s5 =	simm.s32 @p1 $0x1;
	p0 =	seq.s32 s7, s2  }
0x1e: {  	s7 =	smul.u32 @!p0 $0xF7A, s2;
	p2 =	seq.s32 @!p0 s5, $0x0  }
0x1f: {  	s9 =	smul.u32 $0xF7A, s1;
	s8 =	simm.s32 @!p0 $0x1BF5;
	p2 =	por !p2, p0  }
0x20: {  	[sflag:s8] =	ssyncset.s32 @!p0 $0xFFFFF086;
	s6 =	sadd.s32 @!p0 s3, s7;
	s7 =	simm.s32 @!p0 $0x108  }
0x21: {  	s3 =	sadd.s32 s3, s9;
	s6 =	sadd.s32 @!p0 $0x88, s6;
	s7 =	simm.s32 @p2 $0x1082  }
0x22: {  	[simem:s7], [sflag:s8] =	dma.local @!p0 [hbm:s6], $0xF7A  }
0x23: {  	s9 =	sor.u32 $0xD0000000, s2;
	s6 =	simm.s32 $0x108;
	_ =	swait.ge @!p0 [sflag:s8], $0x0  }
0x24: {  	s3 =	sadd.s32 $0x88, s3;
	s6 =	simm.s32 @!p1 $0x1082;
	[sflag:s4] =	ssyncset.s32 $0xFFFFF086  }
0x25: {  	[simem:s6], [sflag:s4] =	dma.local [hbm:s3], $0xF7A  }
0x26: {  	[smem:$0x3FA0] =	sst s1;
	(tag) =	ssettag s2;
	_ =	strace s9  }
0x27: {  	s1 =	sld [smem:$0x3FB0]  }
0x28: {  	s2 =	sld [smem:$0x3FB1]  }
0x29: {  	s4 =	sld [smem:$0x3FB3]  }
0x2a: {  	p0 =	seq.s32 s5, $0x0;
	s5 =	sld [smem:$0x3FB4]  }
0x2b: {  	s6 =	sld [smem:$0x3FB5]  }
0x2c: {  	s7 =	sld [smem:$0x3FB6]  }
0x2d: {  	s3 =	simm.s32 $0x108;
	s8 =	sld [smem:$0x3FB7]  }
0x2e: {  	s3 =	simm.s32 @!p0 $0x1082;
	s9 =	sld [smem:$0x3FB8]  }
0x2f: {  	lr =	sadd.s32 s0, s3;
	s0 =	sld [smem:$0x3FAF]  }
0x30: {  	s3 =	sld [smem:$0x3FB2]  }
0x31: {  	[smem:$0x3FBB] =	sst s10  }
0x32: {  	s10 =	sld [smem:$0x3FB9];
	_ =	sdelay $0x3  }
0x33: {  	p0 =	seq.s32 s10, $0x1;
	s10 =	sld [smem:$0x3FBB];
	_ =	sdelay $0x3  }
0x34: {  	[smem:$0x3FBB] =	sst s10  }
0x35: {  	s10 =	sld [smem:$0x3FBA];
	_ =	sdelay $0x3  }
0x36: {  	p1 =	seq.s32 s10, $0x1;
	s10 =	sld [smem:$0x3FBB];
	_ =	sdelay $0x3  }
0x37: {  	[smem:$0x3FBB] =	sst s10  }
0x38: {  	s10 =	sld [smem:$0x3FBC]  }
0x39: {  	_ = 	snop;
	(pc) =	sbr.ind lr, $3  }
0x3a: {  	_ = 	snop  }
0x3b: {  	_ = 	snop  }
0x3c: {  	p2 =	seq.s32 s10, $0x1;
	s10 =	sld [smem:$0x3FBB]  }
0x3d: {  	_ =	shalt  }
0x3e: {  	_ =	shalt  }
0x3f: {  	_ =	shalt  }
0x40: {  	_ =	shalt  }
0x41: {  	_ =	shalt  }
0x42: {  	_ =	shalt  }
0x43: {  	_ =	shalt  }
0x44: {  	_ =	shalt  }
0x45: {  	_ =	shalt  }
0x46: {  	_ =	shalt  }
0x47: {  	_ =	shalt  }
0x48: {  	_ =	shalt  }
0x49: {  	_ =	shalt  }
0x4a: {  	_ =	shalt  }
0x4b: {  	_ =	shalt  }
0x4c: {  	_ =	shalt  }
0x4d: {  	_ =	shalt  }
0x4e: {  	_ =	shalt  }
0x4f: {  	_ =	shalt  }
0x50: {  	_ =	shalt  }
0x51: {  	_ =	shalt  }
0x52: {  	_ =	shalt  }
0x53: {  	_ =	shalt  }
0x54: {  	_ =	shalt  }
0x55: {  	_ =	shalt  }
0x56: {  	_ =	shalt  }
0x57: {  	_ =	shalt  }
0x58: {  	_ =	shalt  }
0x59: {  	_ =	shalt  }
0x5a: {  	_ =	shalt  }
0x5b: {  	_ =	shalt  }
0x5c: {  	_ =	shalt  }
0x5d: {  	_ =	shalt  }
0x5e: {  	_ =	shalt  }
0x5f: {  	_ =	shalt  }
0x60: {  	_ =	shalt  }
0x61: {  	_ =	shalt  }
0x62: {  	_ =	shalt  }
0x63: {  	_ =	shalt  }
0x64: {  	_ =	shalt  }
0x65: {  	_ =	shalt  }
0x66: {  	_ =	shalt  }
0x67: {  	_ =	shalt  }
0x68: {  	_ =	shalt  }
0x69: {  	_ =	shalt  }
0x6a: {  	_ =	shalt  }
0x6b: {  	_ =	shalt  }
0x6c: {  	_ =	shalt  }
0x6d: {  	_ =	shalt  }
0x6e: {  	_ =	shalt  }
0x6f: {  	_ =	shalt  }
0x70: {  	_ =	shalt  }
0x71: {  	_ =	shalt  }
0x72: {  	_ =	shalt  }
0x73: {  	_ =	shalt  }
0x74: {  	_ =	shalt  }
0x75: {  	_ =	shalt  }
0x76: {  	_ =	shalt  }
0x77: {  	_ =	shalt  }
0x78: {  	_ =	shalt  }
0x79: {  	_ =	shalt  }
0x7a: {  	_ =	shalt  }
0x7b: {  	_ =	shalt  }
0x7c: {  	_ =	shalt  }
0x7d: {  	_ =	shalt  }
0x7e: {  	_ =	shalt  }
0x7f: {  	_ =	shalt  }
0x80: {  	_ =	shalt  }
0x81: {  	_ =	shalt  }
0x82: {  	_ =	shalt  }
0x83: {  	_ =	shalt  }
0x84: {  	_ =	shalt  }
0x85: {  	_ =	shalt  }
0x86: {  	_ =	shalt  }
0x87: {  	_ =	shalt  }
.Lfunc_end0:
.L_simem_size_0:
called_computation_lowered:
.L_overlay_start_0:
0x88: {  	s2 =	sld [smem:$0x3FD9]  }
0x89: {  	s3 =	sld [smem:$0x3FFE];
	_ =	sdelay $0x1  }
0x8a: {  	s1 =	srdreg.scid  }
0x8b: {  	s0 =	sand.u32 $0x1, s1  }
0x8c: {  	s16 =	sshll.u32 s0, $0xA;
	s2 =	sadd.s32 s3, s2  }
0x8d: {  	s2 =	sadd.s32 s2, s16  }
0x8e: {  	[smem:$0x3FC7] =	sst s2  }
0x8f: {  	_ = 	snop  }
0x90: {  	(tm) =	ssettm $0x1  }
0x91: {  	s17 =	sld [smem:$0x3FFB];
	_ =	sdelay $0x3  }
0x92: {  	_ =	strace s17  }
0x93: {  	s2 =	sld [smem:$0x3FFC];
	_ =	sdelay $0x3  }
0x94: {  	_ =	strace s2  }
0x95: {  	s2 =	sld [smem:$0x3FFD];
	_ =	sdelay $0x3  }
0x96: {  	_ =	strace s2  }
0x97: {  	_ =	strace $0x8FFFFFFF  }
0x98: {  	s18 =	sld [smem:$0x3FDB];
	_ =	sdelay $0x1  }
0x99: {  	s19 =	simm.s32 $_scs_section_size  }
0x9a: {  	s4 =	simm.s32 $_size__tile_overlayer_lowered;
	s5 =	simm.s32 $_tile_overlayer_lowered  }
0x9b: {  	s22 =	simm.s32 $0x1BFF;
	s21 =	sshll.u32 s5, $0x1;
	s2 =	sadd.s32 s19, s18  }
0x9c: {  	s6 =	simm.s32 $0x0;
	s20 =	sshll.u32 s4, $0x1;
	s4 =	sadd.s32 s21, s2  }
0x9d: {  	[timem:s6], [sflag:s22] =	dma.local [hbm:s4], s20  }
0x9e: {  	_ =	swait.ge [sflag:s22], s20  }
0x9f: {  	s3 =	ssub.s32 $0x0, s20;
	[sflag:s22] =	ssyncset.done $0x0  }
0xa0: {  	[sflag:s22] =	ssyncadd.s32 s3;
	_ =	sdelay $0x1  }
0xa1: {  	s23 =	simm.s32 $0x1B8B  }
0xa2: {  	_ =	swait.ge [sflag:s23], $0x1  }
0xa3: {  	[sflag:s23] =	ssyncset.done $0x0  }
0xa4: {  	s25 =	simm.s32 $0x1B8E;
	s24 =	sld [smem:$0x3FFE];
	[sflag:s23] =	ssyncadd.s32 $0xFFFFFFFF  }
0xa5: {  	s26 =	simm.s32 $execute0_lowered;
	[smem:$0x3FD2] =	sst s25  }
0xa6: {  	s4 =	sshll.u32 s26, $0x1;
	_ =	strace $0x80000046;
	[dreg:$0x1] =	wrdreg $0xFFFFFFFF  }
0xa7: {  	s28 =	simm.s32 $_size_execute0_lowered;
	s2 =	sadd.s32 s2, s4;
	[dreg:$0x0] =	wrdreg $0x0  }
0xa8: {  	s4 =	sshll.u32 s28, $0x1;
	[dreg:$0x2] =	wrdreg s2  }
0xa9: {  	[dreg:$0x3] =	wrdreg s4  }
0xaa: {  	[dreg:$0x4] =	wrdreg $0xC0  }
0xab: {  	_ =	task [dreg:s6], $0x5FFFF  }
0xac: {  	[dreg:$0x1] =	wrdreg $0xFFFFFFFF  }
0xad: {  	[dreg:$0x0] =	wrdreg $0x60  }
0xae: {  	[dreg:$0x2] =	wrdreg s24  }
0xaf: {  	[dreg:$0x3] =	wrdreg $0x9  }
0xb0: {  	_ =	task.clear_ibuf [dreg:s6], $0x4FFFF;
	_ =	strace $0x90000046  }
0xb1: {  	s29 =	simm.s32 $0x9;
	_ =	strace $0x80000048  }
0xb2: {  	_ =	swait.ge [sflag:s29], $0x1  }
0xb3: {  	[sflag:s29] =	ssyncadd.s32 $0xFFFFFFFF  }
0xb4: {  	_ =	strace $0x90000048  }
0xb5: {  	_ =	sfence  }
0xb6: {  	s30 =	sld [smem:$0x0];
	_ =	sdelay $0x2  }
0xb7: {  	s31 =	sshll.u32 s1, $0xD;
	s1 =	sshrl.u32 s1, $0x2  }
0xb8: {  	s3 =	sand.u32 $0x4000, s31;
	s1 =	sadd.s32 s1, s30  }
0xb9: {  	s0 =	sor.u32 s3, s0;
	s1 =	sshll.u32 s1, $0x11  }
0xba: {  	s0 =	sor.u32 s1, s0  }
0xbb: {  	s0 =	sadd.s32 $0x8F2B, s0  }
0xbc: {  	[sflag:s0] =	ssyncadd.remote.s32 $0x1  }
0xbd: {  	_ =	sfence.sel $0xFFFF  }
0xbe: {  	[dreg:$0x0] =	wrdreg $0xFFFFFFFF;
	(pc) =	sbr.abs _section_cstart, $3  }
0xbf: {  	[dreg:$0x1] =	wrdreg $0xFFFFFFFF  }
0xc0: {  	_ =	task.clear_ibuf [dreg:s6], $0x2FFFF;
	_ =	strace $0x9FFFFFFF  }
0xc1: {  	(tm) =	ssettm $0x7FFFFFFF  }
tec
execute0_lowered:
.L_overlay_start_1:
0x0: {  	(tag) =	ssettag $0x1  }
0x1: {  	s0 =	rddreg [dreg:$0x0];
	s1 =	simm.s32 $0x0  }
0x2: {  	s2 =	srdreg.scid;
	s4 =	stileid.u32;
	s9 =	simm.s32 $0x10400  }
0x3: {  	s10 =	simm.s32 $0x1;
	s11 =	simm.s32 $0x14400;
	s12 =	simm.s32 $0x18400  }
0x4: {  	s13 =	simm.s32 $0x0;
	[smem:$0x7FF] =	sst s1;
	s2 =	sand.u32 $0x1, s2  }
0x5: {  	s3 =	sadd.s32 $0xA00, s0;
	s5 =	sshll.u32 s4, $0xA;
	s7 =	ssub.s32 $0x2, s2  }
0x6: {  	s4 =	sadd.s32 $0x80A00, s0;
	s2 =	sshll.u32 s2, $0xE;
	s8 =	sshrl.u32 s7, $0x1  }
0x7: {  	v0 =	vlaneseq.u32;
	s6 =	sadd.s32 $0x100A00, s0;
	s5 =	sor.u32 s5, s2;
	s31 =	ssub.s32 s7, s8  }
0x8: {  	v3 =	vimm.f32 $-Inf;
	v1 =	vmul.u32 $0x41, v0;
	v2 =	vmul.u32 $0x80, v0;
	_ =	strace $0x80000047;
	s7 =	sshll.u32 s5, $0x4;
	s8 =	smax.u32 s31, $0x1  }
.LBB2_1:
0x9: {  	s15 =	simm.s32 $0xF3;
	s16 =	simm.s32 $0x0  }
.LBB2_2:
0xa: {  	s0 =	sshll.u32 s16, $0x7  }
0xb: {  	s0 =	sadd.s32 s5, s0  }
0xc: {  	s0 =	sshll.u32 s0, $0x4  }
0xd: {  	s0 =	sadd.s32 s3, s0  }
0xe: {  	[tilespmem:s9], [sflag:$0x1] =	stream.linear.gather [hbm4b:s0+s1], $0x4000, $0x38;
	[tilespmem:$0x1C400] =	vst v63  }
0xf: {  	_ =	swait.ge [sflag:s10], $0x4000  }
0x10: {  	[sflag:s10] =	ssyncset.done $0x0  }
0x11: {  	s14 =	simm.s32 $0x10500;
	s2 =	sadd.s32 $0xFFFFFF0D, s15;
	[sflag:s10] =	ssyncadd.s32 $0xFFFFC000  }
0x12: {  	s17 =	sadd.s32 $0xFFFFFF1D, s15;
	v5 =	vadd.s32 s2, v0;
	v4 =	vld [tilespmem:s14+$0xFFFFFF00]  }
0x13: {  	s18 =	sadd.s32 $0xFFFFFF2D, s15;
	v7 =	vadd.s32 s17, v0;
	v6 =	vld [tilespmem:s14+$0xFFFFFF10]  }
0x14: {  	s19 =	sadd.s32 $0xFFFFFF3D, s15;
	v9 =	vadd.s32 s18, v0;
	v8 =	vld [tilespmem:s14+$0xFFFFFF20]  }
0x15: {  	v11 =	vadd.s32 s19, v0;
	v10 =	vld [tilespmem:s14+$0xFFFFFF30];
	_ =	sdelay $0x1  }
0x16: {  	[tilespmem:v5+s1+$0x0] =	vst.idx.msk $0xffff, v4  }
0x17: {  	[tilespmem:v7+s1+$0x0] =	vst.idx.msk $0xffff, v6  }
0x18: {  	[tilespmem:v9+s1+$0x0] =	vst.idx.msk $0xffff, v8  }
0x19: {  	s20 =	sadd.s32 $0xFFFFFF4E, s15;
	[tilespmem:v11+s1+$0x0] =	vst.idx.msk $0xffff, v10  }
0x1a: {  	s21 =	sadd.s32 $0xFFFFFF5E, s15;
	v5 =	vadd.s32 s20, v0;
	v4 =	vld [tilespmem:s14+$0xFFFFFF80]  }
0x1b: {  	s22 =	sadd.s32 $0xFFFFFF6E, s15;
	v7 =	vadd.s32 s21, v0;
	v6 =	vld [tilespmem:s14+$0xFFFFFF90]  }
0x1c: {  	s23 =	sadd.s32 $0xFFFFFF7E, s15;
	v58 =	vadd.s32 s22, v0;
	v8 =	vld [tilespmem:s14+$0xFFFFFFA0]  }
0x1d: {  	v59 =	vadd.s32 s23, v0;
	v10 =	vld [tilespmem:s14+$0xFFFFFFB0];
	_ =	sdelay $0x1  }
0x1e: {  	[tilespmem:v5+s1+$0x0] =	vst.idx.msk $0xffff, v4  }
0x1f: {  	[tilespmem:v7+s1+$0x0] =	vst.idx.msk $0xffff, v6  }
0x20: {  	[tilespmem:v58+s1+$0x0] =	vst.idx.msk $0xffff, v8  }
0x21: {  	s24 =	sadd.s32 $0xFFFFFF8F, s15;
	[tilespmem:v59+s1+$0x0] =	vst.idx.msk $0xffff, v10  }
0x22: {  	s25 =	sadd.s32 $0xFFFFFF9F, s15;
	v5 =	vadd.s32 s24, v0;
	v4 =	vld [tilespmem:s14+$0x0]  }
0x23: {  	s26 =	sadd.s32 $0xFFFFFFAF, s15;
	v7 =	vadd.s32 s25, v0;
	v6 =	vld [tilespmem:s14+$0x10]  }
0x24: {  	s28 =	sadd.s32 $0xFFFFFFBF, s15;
	v60 =	vadd.s32 s26, v0;
	v8 =	vld [tilespmem:s14+$0x20]  }
0x25: {  	v61 =	vadd.s32 s28, v0;
	v10 =	vld [tilespmem:s14+$0x30];
	_ =	sdelay $0x1  }
0x26: {  	[tilespmem:v5+s1+$0x0] =	vst.idx.msk $0xffff, v4  }
0x27: {  	[tilespmem:v7+s1+$0x0] =	vst.idx.msk $0xffff, v6  }
0x28: {  	[tilespmem:v60+s1+$0x0] =	vst.idx.msk $0xffff, v8  }
0x29: {  	s29 =	sadd.s32 $0xFFFFFFD0, s15;
	[tilespmem:v61+s1+$0x0] =	vst.idx.msk $0xffff, v10  }
0x2a: {  	v6 =	vadd.s32 s29, v0;
	v5 =	vld [tilespmem:s14+$0x80];
	_ =	sdelay $0x1  }
0x2b: {  	s30 =	sadd.s32 $0xFFFFFFE0, s15  }
0x2c: {  	s31 =	sadd.s32 $0xFFFFFFF0, s15;
	v62 =	vadd.s32 s30, v0;
	v7 =	vld [tilespmem:s14+$0x90]  }
0x2d: {  	v63 =	vadd.s32 s31, v0;
	v9 =	vld [tilespmem:s14+$0xA0]  }
0x2e: {  	v4 =	vld [tilespmem:s14+$0xB0];
	[tilespmem:v6+s1+$0x0] =	vst.idx.msk $0xffff, v5;
	v5 =	vadd.s32 s15, v0;
	_ =	sdelay $0x2  }
0x2f: {  	[tilespmem:v62+s1+$0x0] =	vst.idx.msk $0xffff, v7  }
0x30: {  	s18 =	simm.s32 $0x4;
	s17 =	sadd.s32 $0x104, s15;
	[tilespmem:v63+s1+$0x0] =	vst.idx.msk $0xffff, v9  }
.LBB2_3:
0x31: {  	s18 =	sadd.s32 $0x4, s18;
	s0 =	sadd.s32 $0xFFFFFF0D, s17;
	[tilespmem:v5+s1+$0x0] =	vst.idx.msk $0xffff, v4;
	s14 =	sadd.s32 $0x200, s14  }
0x32: {  	p0 =	slt.u32 s18, $0x7C;
	v4 =	vld [tilespmem:s14+$0xFFFFFF00];
	v5 =	vadd.s32 s0, v0;
	s0 =	sadd.s32 $0xFFFFFF1D, s17  }
0x33: {  	v6 =	vld [tilespmem:s14+$0xFFFFFF10];
	v7 =	vadd.s32 s0, v0;
	s0 =	sadd.s32 $0xFFFFFF2D, s17  }
0x34: {  	v8 =	vld [tilespmem:s14+$0xFFFFFF20];
	v9 =	vadd.s32 s0, v0;
	s0 =	sadd.s32 $0xFFFFFF3D, s17  }
0x35: {  	v10 =	vld [tilespmem:s14+$0xFFFFFF30];
	v11 =	vadd.s32 s0, v0;
	_ =	sdelay $0x1  }
0x36: {  	[tilespmem:v5+s1+$0x0] =	vst.idx.msk $0xffff, v4  }
0x37: {  	[tilespmem:v7+s1+$0x0] =	vst.idx.msk $0xffff, v6  }
0x38: {  	[tilespmem:v9+s1+$0x0] =	vst.idx.msk $0xffff, v8  }
0x39: {  	s0 =	sadd.s32 $0xFFFFFF4E, s17;
	[tilespmem:v11+s1+$0x0] =	vst.idx.msk $0xffff, v10  }
0x3a: {  	v5 =	vadd.s32 s0, v0;
	s0 =	sadd.s32 $0xFFFFFF5E, s17;
	v4 =	vld [tilespmem:s14+$0xFFFFFF80]  }
0x3b: {  	v7 =	vadd.s32 s0, v0;
	s0 =	sadd.s32 $0xFFFFFF6E, s17;
	v6 =	vld [tilespmem:s14+$0xFFFFFF90]  }
0x3c: {  	v9 =	vadd.s32 s0, v0;
	s0 =	sadd.s32 $0xFFFFFF7E, s17;
	v8 =	vld [tilespmem:s14+$0xFFFFFFA0]  }
0x3d: {  	v11 =	vadd.s32 s0, v0;
	v10 =	vld [tilespmem:s14+$0xFFFFFFB0];
	_ =	sdelay $0x1  }
0x3e: {  	[tilespmem:v5+s1+$0x0] =	vst.idx.msk $0xffff, v4  }
0x3f: {  	[tilespmem:v7+s1+$0x0] =	vst.idx.msk $0xffff, v6  }
0x40: {  	[tilespmem:v9+s1+$0x0] =	vst.idx.msk $0xffff, v8  }
0x41: {  	s0 =	sadd.s32 $0xFFFFFF8F, s17;
	[tilespmem:v11+s1+$0x0] =	vst.idx.msk $0xffff, v10  }
0x42: {  	v5 =	vadd.s32 s0, v0;
	s0 =	sadd.s32 $0xFFFFFF9F, s17;
	v4 =	vld [tilespmem:s14+$0x0]  }
0x43: {  	v7 =	vadd.s32 s0, v0;
	s0 =	sadd.s32 $0xFFFFFFAF, s17;
	v6 =	vld [tilespmem:s14+$0x10]  }
0x44: {  	v9 =	vadd.s32 s0, v0;
	s0 =	sadd.s32 $0xFFFFFFBF, s17;
	v8 =	vld [tilespmem:s14+$0x20]  }
0x45: {  	v11 =	vadd.s32 s0, v0;
	v10 =	vld [tilespmem:s14+$0x30];
	_ =	sdelay $0x1  }
0x46: {  	[tilespmem:v5+s1+$0x0] =	vst.idx.msk $0xffff, v4  }
0x47: {  	[tilespmem:v7+s1+$0x0] =	vst.idx.msk $0xffff, v6  }
0x48: {  	[tilespmem:v9+s1+$0x0] =	vst.idx.msk $0xffff, v8  }
0x49: {  	s0 =	sadd.s32 $0xFFFFFFD0, s17;
	[tilespmem:v11+s1+$0x0] =	vst.idx.msk $0xffff, v10  }
0x4a: {  	v7 =	vadd.s32 s0, v0;
	s0 =	sadd.s32 $0xFFFFFFE0, s17;
	v6 =	vld [tilespmem:s14+$0x80]  }
0x4b: {  	v9 =	vadd.s32 s0, v0;
	s0 =	sadd.s32 $0xFFFFFFF0, s17;
	v8 =	vld [tilespmem:s14+$0x90]  }
0x4c: {  	v11 =	vadd.s32 s0, v0;
	v10 =	vld [tilespmem:s14+$0xA0]  }
.Ltmp0:
0x4d: {  	v5 =	vadd.s32 s17, v0;
	v4 =	vld [tilespmem:s14+$0xB0];
	(pc) =	sbr.rel @p0 .LBB2_3-.Ltmp0, $4  }
0x4e: {  	_ = 	snop  }
0x4f: {  	[tilespmem:v7+s1+$0x0] =	vst.idx.msk $0xffff, v6  }
0x50: {  	[tilespmem:v9+s1+$0x0] =	vst.idx.msk $0xffff, v8  }
0x51: {  	s17 =	sadd.s32 $0x104, s17;
	[tilespmem:v11+s1+$0x0] =	vst.idx.msk $0xffff, v10  }
0x52: {  	_ =	sdelay $0x3  }
0x53: {  	s0 =	sadd.s32 $0xFFFFFF0D, s17;
	[tilespmem:v5+s1+$0x0] =	vst.idx.msk $0xffff, v4;
	s2 =	sadd.s32 $0x200, s14  }
0x54: {  	s14 =	sadd.s32 $0xFFFFFF1D, s17;
	v4 =	vld [tilespmem:s2+$0xFFFFFF00];
	v5 =	vadd.s32 s0, v0  }
0x55: {  	s18 =	sadd.s32 $0xFFFFFF2D, s17;
	v6 =	vld [tilespmem:s2+$0xFFFFFF10];
	v7 =	vadd.s32 s14, v0  }
0x56: {  	s19 =	sadd.s32 $0xFFFFFF3D, s17;
	v8 =	vld [tilespmem:s2+$0xFFFFFF20];
	v9 =	vadd.s32 s18, v0  }
0x57: {  	v10 =	vld [tilespmem:s2+$0xFFFFFF30];
	v11 =	vadd.s32 s19, v0;
	_ =	sdelay $0x1  }
0x58: {  	[tilespmem:v5+s1+$0x0] =	vst.idx.msk $0xffff, v4  }
0x59: {  	[tilespmem:v7+s1+$0x0] =	vst.idx.msk $0xffff, v6  }
0x5a: {  	[tilespmem:v9+s1+$0x0] =	vst.idx.msk $0xffff, v8  }
0x5b: {  	s20 =	sadd.s32 $0xFFFFFF4E, s17;
	[tilespmem:v11+s1+$0x0] =	vst.idx.msk $0xffff, v10  }
0x5c: {  	s21 =	sadd.s32 $0xFFFFFF5E, s17;
	v5 =	vadd.s32 s20, v0;
	v4 =	vld [tilespmem:s2+$0xFFFFFF80]  }
0x5d: {  	s22 =	sadd.s32 $0xFFFFFF6E, s17;
	v55 =	vadd.s32 s21, v0;
	v6 =	vld [tilespmem:s2+$0xFFFFFF90]  }
0x5e: {  	s23 =	sadd.s32 $0xFFFFFF7E, s17;
	v56 =	vadd.s32 s22, v0;
	v8 =	vld [tilespmem:s2+$0xFFFFFFA0]  }
0x5f: {  	v57 =	vadd.s32 s23, v0;
	v10 =	vld [tilespmem:s2+$0xFFFFFFB0];
	_ =	sdelay $0x1  }
0x60: {  	[tilespmem:v5+s1+$0x0] =	vst.idx.msk $0xffff, v4  }
0x61: {  	[tilespmem:v55+s1+$0x0] =	vst.idx.msk $0xffff, v6  }
0x62: {  	[tilespmem:v56+s1+$0x0] =	vst.idx.msk $0xffff, v8  }
0x63: {  	s24 =	sadd.s32 $0xFFFFFF8F, s17;
	[tilespmem:v57+s1+$0x0] =	vst.idx.msk $0xffff, v10  }
0x64: {  	s25 =	sadd.s32 $0xFFFFFF9F, s17;
	v5 =	vadd.s32 s24, v0;
	v4 =	vld [tilespmem:s2+$0x0]  }
0x65: {  	s26 =	sadd.s32 $0xFFFFFFAF, s17;
	v58 =	vadd.s32 s25, v0;
	v6 =	vld [tilespmem:s2+$0x10]  }
0x66: {  	s28 =	sadd.s32 $0xFFFFFFBF, s17;
	v59 =	vadd.s32 s26, v0;
	v8 =	vld [tilespmem:s2+$0x20]  }
0x67: {  	v60 =	vadd.s32 s28, v0;
	v10 =	vld [tilespmem:s2+$0x30];
	_ =	sdelay $0x1  }
0x68: {  	[tilespmem:v5+s1+$0x0] =	vst.idx.msk $0xffff, v4  }
0x69: {  	[tilespmem:v58+s1+$0x0] =	vst.idx.msk $0xffff, v6  }
0x6a: {  	[tilespmem:v59+s1+$0x0] =	vst.idx.msk $0xffff, v8  }
0x6b: {  	s29 =	sadd.s32 $0xFFFFFFD0, s17;
	[tilespmem:v60+s1+$0x0] =	vst.idx.msk $0xffff, v10  }
0x6c: {  	s30 =	sadd.s32 $0xFFFFFFE0, s17;
	v5 =	vadd.s32 s29, v0;
	v4 =	vld [tilespmem:s2+$0x80]  }
0x6d: {  	s31 =	sadd.s32 $0xFFFFFFF0, s17;
	v61 =	vadd.s32 s30, v0;
	v6 =	vld [tilespmem:s2+$0x90]  }
0x6e: {  	s16 =	sadd.s32 $0x1, s16;
	v62 =	vadd.s32 s31, v0;
	v8 =	vld [tilespmem:s2+$0xA0]  }
0x6f: {  	v63 =	vadd.s32 s17, v0;
	p0 =	sne.s32 s16, $0x8;
	v10 =	vld [tilespmem:s2+$0xB0]  }
.Ltmp1:
0x70: {  	_ = 	snop;
	(pc) =	sbr.rel @p0 .LBB2_2-.Ltmp1, $4  }
0x71: {  	[tilespmem:v5+s1+$0x0] =	vst.idx.msk $0xffff, v4  }
0x72: {  	[tilespmem:v61+s1+$0x0] =	vst.idx.msk $0xffff, v6  }
0x73: {  	[tilespmem:v62+s1+$0x0] =	vst.idx.msk $0xffff, v8  }
0x74: {  	s15 =	sadd.s32 $0x2080, s15;
	s14 =	simm.s32 $0x0;
	[tilespmem:v63+s1+$0x0] =	vst.idx.msk $0xffff, v10  }
.LBB2_5:
0x75: {  	s15 =	sshll.u32 s14, $0x3;
	s16 =	simm.s32 $0x0  }
.LBB2_6:
0x76: {  	s0 =	sadd.s32 s15, s16  }
0x77: {  	s0 =	smul.u32 $0x410, s0;
	_ =	sdelay $0x1  }
0x78: {  	s31 =	simm.s32 $0x0;
	v4 =	vadd.s32 s0, v1  }
0x79: {  	v5 =	vadd.s32 s31, v4;
	_ =	sdelay $0x1  }
0x7a: {  	s2 =	simm.s32 $0x1  }
0x7b: {  	v6 =	vadd.s32 s2, v4  }
0x7c: {  	s23 =	simm.s32 $0x2  }
0x7d: {  	v7 =	vadd.s32 s23, v4;
	v5 =	vld.idx.msk [tilespmem:v5+s1+$0x0], $0xffff  }
0x7e: {  	s19 =	simm.s32 $0x3  }
0x7f: {  	v8 =	vadd.s32 s19, v4  }
0x80: {  	s18 =	simm.s32 $0x4;
	v6 =	vld.idx.msk [tilespmem:v6+s1+$0x0], $0xffff  }
0x81: {  	v9 =	vimm.f32 $-Inf;
	v10 =	vadd.s32 s18, v4  }
0x82: {  	s20 =	simm.s32 $0x5;
	v12 =	vld.idx.msk [tilespmem:v7+s1+$0x0], $0xffff;
	vm0 =	vgt.f32 v5, v9  }
0x83: {  	s21 =	simm.s32 $0x6;
	v7 =	vadd.s32 s20, v4;
	v11 =	vsel vm0, v5, v9;
	v5 =	vimm.s32 $0x0  }
0x84: {  	v9 =	vadd.s32 s21, v4;
	v13 =	vsel vm0, s31, v5;
	v5 =	vld.idx.msk [tilespmem:v8+s1+$0x0], $0xffff  }
0x85: {  	s22 =	simm.s32 $0x7;
	vm1 =	vgt.f32 v6, v11  }
0x86: {  	v8 =	vsel vm1, v6, v11;
	v6 =	vld.idx.msk [tilespmem:v10+s1+$0x0], $0xffff;
	v11 =	vadd.s32 s22, v4  }
0x87: {  	s17 =	simm.s32 $0x8;
	v13 =	vsel vm1, s2, v13;
	vm15 =	vgt.f32 v12, v8  }
0x88: {  	s0 =	simm.s32 $0x10;
	v7 =	vld.idx.msk [tilespmem:v7+s1+$0x0], $0xffff;
	v10 =	vadd.s32 s17, v4;
	v12 =	vsel vm15, v12, v8;
	v8 =	vsel vm15, s23, v13  }
.LBB2_7:
0x89: {  	p0 =	slt.u32 s0, $0x38;
	s2 =	sadd.s32 $0x1, s17;
	vm0 =	vgt.f32 v5, v12;
	v9 =	vld.idx.msk [tilespmem:v9+s1+$0x0], $0xffff  }
0x8a: {  	v13 =	vadd.s32 s2, v4;
	v5 =	vsel vm0, v5, v12;
	v8 =	vsel vm0, s19, v8  }
0x8b: {  	s23 =	sadd.s32 $0x2, s17;
	vm0 =	vgt.f32 v6, v5;
	v11 =	vld.idx.msk [tilespmem:v11+s1+$0x0], $0xffff  }
0x8c: {  	v12 =	vadd.s32 s23, v4;
	v5 =	vsel vm0, v6, v5;
	v6 =	vsel vm0, s18, v8  }
0x8d: {  	s19 =	sadd.s32 $0x3, s17;
	v8 =	vld.idx.msk [tilespmem:v10+s1+$0x0], $0xffff;
	vm0 =	vgt.f32 v7, v5  }
0x8e: {  	v10 =	vadd.s32 s19, v4;
	v5 =	vsel vm0, v7, v5;
	v6 =	vsel vm0, s20, v6  }
0x8f: {  	s18 =	sadd.s32 $0x4, s17;
	v7 =	vld.idx.msk [tilespmem:v13+s1+$0x0], $0xffff;
	vm0 =	vgt.f32 v9, v5  }
0x90: {  	v13 =	vadd.s32 s18, v4;
	v5 =	vsel vm0, v9, v5;
	v6 =	vsel vm0, s21, v6  }
0x91: {  	s20 =	sadd.s32 $0x5, s17;
	v12 =	vld.idx.msk [tilespmem:v12+s1+$0x0], $0xffff;
	vm0 =	vgt.f32 v11, v5  }
0x92: {  	v14 =	vadd.s32 s20, v4;
	v9 =	vsel vm0, v11, v5;
	v6 =	vsel vm0, s22, v6  }
0x93: {  	s21 =	sadd.s32 $0x6, s17;
	vm0 =	vgt.f32 v8, v9;
	v5 =	vld.idx.msk [tilespmem:v10+s1+$0x0], $0xffff  }
.Ltmp2:
0x94: {  	v8 =	vsel vm0, v8, v9;
	v10 =	vsel vm0, s17, v6;
	v9 =	vadd.s32 s21, v4;
	(pc) =	sbr.rel @p0 .LBB2_7-.Ltmp2, $4  }
0x95: {  	s22 =	sadd.s32 $0x7, s17;
	s17 =	smov.u32 s0;
	vm0 =	vgt.f32 v7, v8;
	v6 =	vld.idx.msk [tilespmem:v13+s1+$0x0], $0xffff  }
0x96: {  	v11 =	vadd.s32 s22, v4;
	v8 =	vsel vm0, v7, v8;
	v13 =	vsel vm0, s2, v10  }
0x97: {  	vm0 =	vgt.f32 v12, v8;
	v7 =	vld.idx.msk [tilespmem:v14+s1+$0x0], $0xffff  }
0x98: {  	s0 =	sadd.s32 $0x8, s0;
	v10 =	vadd.s32 s17, v4;
	v12 =	vsel vm0, v12, v8;
	v8 =	vsel vm0, s23, v13  }
0x99: {  	_ =	sdelay $0x2  }
0x9a: {  	vm0 =	vgt.f32 v5, v12  }
0x9b: {  	s0 =	sadd.s32 $0x1, s17;
	v9 =	vld.idx.msk [tilespmem:v9+s1+$0x0], $0xffff;
	v5 =	vsel vm0, v5, v12  }
0x9c: {  	v12 =	vadd.s32 s0, v4;
	vm1 =	vgt.f32 v6, v5  }
0x9d: {  	s2 =	sadd.s32 $0x2, s17;
	v11 =	vld.idx.msk [tilespmem:v11+s1+$0x0], $0xffff;
	v5 =	vsel vm1, v6, v5  }
0x9e: {  	v6 =	vadd.s32 s2, v4;
	vm2 =	vgt.f32 v7, v5  }
0x9f: {  	v10 =	vld.idx.msk [tilespmem:v10+s1+$0x0], $0xffff;
	s23 =	sadd.s32 $0x3, s17;
	v5 =	vsel vm2, v7, v5  }
0xa0: {  	v7 =	vadd.s32 s23, v4;
	vm3 =	vgt.f32 v9, v5  }
0xa1: {  	s24 =	sadd.s32 $0x4, s17;
	v12 =	vld.idx.msk [tilespmem:v12+s1+$0x0], $0xffff;
	v5 =	vsel vm3, v9, v5  }
0xa2: {  	v9 =	vadd.s32 s24, v4;
	vm4 =	vgt.f32 v11, v5  }
0xa3: {  	s25 =	sadd.s32 $0x5, s17;
	v6 =	vld.idx.msk [tilespmem:v6+s1+$0x0], $0xffff;
	v5 =	vsel vm4, v11, v5  }
0xa4: {  	v11 =	vadd.s32 s25, v4;
	vm5 =	vgt.f32 v10, v5  }
0xa5: {  	s26 =	sadd.s32 $0x6, s17;
	v7 =	vld.idx.msk [tilespmem:v7+s1+$0x0], $0xffff;
	v5 =	vsel vm5, v10, v5  }
0xa6: {  	v10 =	vadd.s32 s26, v4;
	vm6 =	vgt.f32 v12, v5  }
0xa7: {  	s31 =	sadd.s32 $0x7, s17;
	v8 =	vsel vm0, s19, v8;
	v9 =	vld.idx.msk [tilespmem:v9+s1+$0x0], $0xffff;
	v5 =	vsel vm6, v12, v5  }
0xa8: {  	v8 =	vsel vm1, s18, v8;
	v12 =	vadd.s32 s31, v4;
	vm0 =	vgt.f32 v6, v5  }
0xa9: {  	v8 =	vsel vm2, s20, v8;
	v11 =	vld.idx.msk [tilespmem:v11+s1+$0x0], $0xffff;
	v5 =	vsel vm0, v6, v5  }
0xaa: {  	v6 =	vsel vm3, s21, v8;
	vm1 =	vgt.f32 v7, v5  }
0xab: {  	v6 =	vsel vm4, s22, v6;
	v8 =	vld.idx.msk [tilespmem:v10+s1+$0x0], $0xffff;
	v5 =	vsel vm1, v7, v5  }
0xac: {  	v6 =	vsel vm5, s17, v6;
	vm2 =	vgt.f32 v9, v5  }
0xad: {  	v6 =	vsel vm6, s0, v6;
	v10 =	vld.idx.msk [tilespmem:v12+s1+$0x0], $0xffff;
	v5 =	vsel vm2, v9, v5  }
0xae: {  	v6 =	vsel vm0, s2, v6;
	vm0 =	vgt.f32 v11, v5  }
0xaf: {  	v6 =	vsel vm1, s23, v6;
	v5 =	vsel vm0, v11, v5  }
0xb0: {  	v6 =	vsel vm2, s24, v6;
	vm1 =	vgt.f32 v8, v5  }
0xb1: {  	v6 =	vsel vm0, s25, v6;
	v5 =	vsel vm1, v8, v5  }
0xb2: {  	v6 =	vsel vm1, s26, v6;
	vm0 =	vgt.f32 v10, v5  }
0xb3: {  	v6 =	vsel vm0, s31, v6  }
0xb4: {  	s31 =	simm.s32 $0x0;
	v7 =	vadd.s32 v4, v6  }
0xb5: {  	s17 =	simm.s32 $0x7;
	v8 =	vadd.s32 s31, v4  }
0xb6: {  	s19 =	simm.s32 $0x6;
	v9 =	vadd.s32 s17, v4  }
0xb7: {  	s28 =	simm.s32 $0x5;
	v11 =	vadd.s32 s19, v4  }
0xb8: {  	v13 =	vimm.f32 $-Inf;
	s30 =	simm.s32 $0x3;
	v12 =	vadd.s32 s28, v4  }
0xb9: {  	v15 =	vadd.s32 s30, v4;
	s2 =	simm.s32 $0x1;
	[tilespmem:v7+s31+$0x0] =	vst.idx.msk $0xffff, v13  }
0xba: {  	s29 =	simm.s32 $0x4;
	v18 =	vadd.s32 s2, v4;
	v16 =	vld.idx.msk [tilespmem:v8+s1+$0x0], $0xffff  }
0xbb: {  	v14 =	vadd.s32 s29, v4;
	v7 =	vld.idx.msk [tilespmem:v9+s1+$0x0], $0xffff  }
0xbc: {  	s0 =	simm.s32 $0x2;
	v9 =	vld.idx.msk [tilespmem:v11+s1+$0x0], $0xffff  }
0xbd: {  	v17 =	vadd.s32 s0, v4;
	v8 =	vld.idx.msk [tilespmem:v12+s1+$0x0], $0xffff  }
0xbe: {  	s18 =	simm.s32 $0xF;
	v21 =	vld.idx.msk [tilespmem:v15+s1+$0x0], $0xffff  }
0xbf: {  	v22 =	vimm.f32 $1.000000000e+00;
	v23 =	vimm.s32 $0x0;
	v27 =	vadd.s32 s18, v4;
	s20 =	simm.s32 $0xE;
	s23 =	simm.s32 $0x8;
	v18 =	vld.idx.msk [tilespmem:v18+s1+$0x0], $0xffff  }
0xc0: {  	v26 =	vadd.s32 s20, v4;
	s21 =	simm.s32 $0xC;
	s22 =	simm.s32 $0xB;
	v25 =	vadd.s32 s23, v4;
	s25 =	simm.s32 $0xD;
	v5 =	vsel vm0, v10, v5;
	v19 =	vld.idx.msk [tilespmem:v14+s1+$0x0], $0xffff  }
0xc1: {  	s24 =	simm.s32 $0xA;
	v10 =	vadd.s32 s22, v4;
	v12 =	vadd.s32 s21, v4;
	v14 =	vadd.s32 s25, v4  }
0xc2: {  	v24 =	vld.idx.msk [tilespmem:v17+s1+$0x0], $0xffff;
	v11 =	vadd.s32 s24, v4;
	v28 =	vsub.f32 v16, v5;
	v17 =	vand.u32 $0x7FFFFFFF, v16  }
0xc3: {  	v20 =	vand.u32 $0x7FFFFFFF, v8;
	v29 =	vand.u32 $0x7FFFFFFF, v9;
	v30 =	vand.u32 $0x7FFFFFFF, v7  }
0xc4: {  	v31 =	vand.u32 $0x7FFFFFFF, v21;
	v39 =	vsub.f32 v18, v5;
	v38 =	vmul.f32 $1.442695020e+00, v28  }
0xc5: {  	v32 =	vand.u32 $0x7FFFFFFF, v19;
	v15 =	vsub.f32 v7, v5;
	v33 =	vand.u32 $0x7FFFFFFF, v18  }
0xc6: {  	v35 =	vsub.f32 v9, v5;
	v57 =	vmul.f32 $1.442695020e+00, v39;
	(erf) = vpow2.f32 v38  }
0xc7: {  	v34 =	vand.u32 $0x7FFFFFFF, v24;
	v36 =	vsub.f32 v24, v5;
	v37 =	vsub.f32 v21, v5  }
0xc8: {  	v60 =	vsub.f32 v19, v5;
	v42 =	vsub.f32 v8, v5;
	(erf) = vpow2.f32 v57  }
0xc9: {  	v17 =	vmax.f32 v17, v5;
	v30 =	vmax.f32 v30, v5;
	v20 =	vmax.f32 v20, v5  }
0xca: {  	v29 =	vmax.f32 v29, v5;
	v58 =	vmul.f32 $-4.000000060e-01, v20;
	v20 =	vmul.f32 $1.442695020e+00, v36  }
0xcb: {  	v31 =	vmax.f32 v31, v5;
	v40 =	vmul.f32 $-4.000000060e-01, v17;
	v17 =	vmul.f32 $-4.000000060e-01, v30  }
0xcc: {  	v33 =	vmax.f32 v33, v5;
	v41 =	vmul.f32 $1.442695020e+00, v37;
	(erf) = vpow2.f32 v20  }
0xcd: {  	v32 =	vmax.f32 v32, v5;
	v59 =	vmul.f32 $-4.000000060e-01, v31;
	v33 =	vmul.f32 $-4.000000060e-01, v33  }
0xce: {  	v34 =	vmax.f32 v34, v5;
	v44 =	vmul.f32 $1.442695020e+00, v60;
	(erf) = vpow2.f32 v41  }
0xcf: {  	v62 =	vmul.f32 $1.442695020e+00, v42;
	vm0 =	vlt.f32 v28, v40;
	vm1 =	vlt.f32 v39, v33;
	v63 =	vpop (erf)  }
0xd0: {  	(erf) = vpow2.f32 v44;
	v30 =	vsel vm0, $0x0, v63;
	vm0 =	vgt.f32 v16, v13  }
0xd1: {  	v22 =	vadd.f32 v30, v22;
	v13 =	vsel vm0, v16, v13;
	v16 =	vsel vm0, s31, v23;
	v23 =	vpop (erf)  }
0xd2: {  	v34 =	vmul.f32 $-4.000000060e-01, v34;
	v61 =	vmul.f32 $1.442695020e+00, v35;
	v23 =	vsel vm1, $0x0, v23  }
0xd3: {  	v43 =	vmul.f32 $1.442695020e+00, v15;
	(erf) = vpow2.f32 v62;
	v22 =	vadd.f32 v23, v22  }
0xd4: {  	vm2 =	vlt.f32 v36, v34;
	(erf) = vpow2.f32 v61;
	vm0 =	vgt.f32 v18, v13  }
0xd5: {  	vm3 =	vlt.f32 v37, v59;
	(erf) = vpow2.f32 v43;
	v13 =	vsel vm0, v18, v13;
	v18 =	vpop (erf)  }
0xd6: {  	v16 =	vsel vm0, s2, v16;
	v18 =	vsel vm2, $0x0, v18;
	vm0 =	vgt.f32 v24, v13  }
0xd7: {  	v18 =	vadd.f32 v18, v22;
	v13 =	vsel vm0, v24, v13;
	v16 =	vsel vm0, s0, v16;
	v22 =	vpop (erf)  }
0xd8: {  	v32 =	vmul.f32 $-4.000000060e-01, v32;
	vm0 =	vgt.f32 v21, v13;
	v22 =	vsel vm3, $0x0, v22  }
0xd9: {  	s26 =	simm.s32 $0x9;
	v29 =	vmul.f32 $-4.000000060e-01, v29;
	v18 =	vadd.f32 v22, v18;
	v22 =	vsel vm0, s30, v16  }
0xda: {  	v20 =	vadd.s32 s26, v4;
	vm1 =	vlt.f32 v60, v32;
	v21 =	vsel vm0, v21, v13;
	v16 =	vpop (erf)  }
0xdb: {  	v13 =	vld.idx.msk [tilespmem:v25+s1+$0x0], $0xffff;
	vm0 =	vgt.f32 v19, v21;
	v23 =	vsel vm1, $0x0, v16;
	vm1 =	vlt.f32 v42, v58  }
0xdc: {  	v16 =	vld.idx.msk [tilespmem:v27+s1+$0x0], $0xffff;
	v21 =	vsel vm0, v19, v21;
	v19 =	vsel vm0, s29, v22;
	v23 =	vadd.f32 v23, v18;
	v22 =	vpop (erf)  }
0xdd: {  	s29 =	simm.s32 $0x10;
	vm0 =	vlt.f32 v35, v29;
	v18 =	vld.idx.msk [tilespmem:v26+s1+$0x0], $0xffff;
	v22 =	vsel vm1, $0x0, v22;
	vm1 =	vgt.f32 v8, v21  }
.LBB2_9:
0xde: {  	p0 =	slt.u32 s29, $0x38;
	v22 =	vadd.f32 v22, v23;
	v23 =	vsel vm1, v8, v21;
	v8 =	vld.idx.msk [tilespmem:v14+s1+$0x0], $0xffff;
	v24 =	vsel vm1, s28, v19;
	v21 =	vpop (erf);
	s28 =	smov.u32 s25  }
0xdf: {  	vm1 =	vlt.f32 v15, v17;
	v19 =	vld.idx.msk [tilespmem:v12+s1+$0x0], $0xffff;
	v12 =	vsel vm0, $0x0, v21;
	vm0 =	vgt.f32 v9, v23  }
0xe0: {  	v21 =	vld.idx.msk [tilespmem:v10+s1+$0x0], $0xffff;
	v10 =	vadd.f32 v12, v22;
	v9 =	vsel vm0, v9, v23;
	v12 =	vsel vm0, s19, v24;
	v14 =	vpop (erf);
	s19 =	smov.u32 s20  }
0xe1: {  	v23 =	vld.idx.msk [tilespmem:v11+s1+$0x0], $0xffff;
	v11 =	vsel vm1, $0x0, v14;
	vm0 =	vgt.f32 v7, v9  }
0xe2: {  	s20 =	sadd.s32 $0x6, s29;
	v24 =	vld.idx.msk [tilespmem:v20+s1+$0x0], $0xffff;
	v25 =	vadd.f32 v11, v10;
	v26 =	vsel vm0, v7, v9;
	v27 =	vsel vm0, s17, v12;
	v7 =	vmovc v16;
	s17 =	smov.u32 s18;
	s18 =	sadd.s32 $0x7, s29  }
0xe3: {  	s31 =	sadd.s32 $0x3, s29;
	s30 =	sadd.s32 $0x4, s29;
	s25 =	sadd.s32 $0x5, s29;
	v22 =	vadd.s32 s20, v4;
	v16 =	vadd.s32 s29, v4;
	v28 =	vadd.s32 s18, v4;
	v9 =	vmovc v18  }
0xe4: {  	s0 =	sadd.s32 $0x2, s29;
	v14 =	vadd.s32 s25, v4;
	v10 =	vadd.s32 s31, v4;
	v12 =	vadd.s32 s30, v4  }
0xe5: {  	v17 =	vand.u32 $0x7FFFFFFF, v13;
	v11 =	vadd.s32 s0, v4;
	v18 =	vsub.f32 v13, v5  }
0xe6: {  	v20 =	vand.u32 $0x7FFFFFFF, v8;
	v30 =	vand.u32 $0x7FFFFFFF, v7;
	v29 =	vand.u32 $0x7FFFFFFF, v9  }
0xe7: {  	v15 =	vsub.f32 v7, v5;
	v32 =	vand.u32 $0x7FFFFFFF, v19;
	v31 =	vand.u32 $0x7FFFFFFF, v21  }
0xe8: {  	v35 =	vsub.f32 v9, v5;
	v34 =	vand.u32 $0x7FFFFFFF, v23;
	v33 =	vand.u32 $0x7FFFFFFF, v24  }
0xe9: {  	v17 =	vmax.f32 v17, v5;
	v37 =	vsub.f32 v21, v5;
	v36 =	vsub.f32 v23, v5  }
0xea: {  	v30 =	vmax.f32 v30, v5;
	v38 =	vmul.f32 $1.442695020e+00, v18;
	v39 =	vsub.f32 v24, v5  }
0xeb: {  	v40 =	vmul.f32 $-4.000000060e-01, v17;
	v29 =	vmax.f32 v29, v5;
	v17 =	vmul.f32 $-4.000000060e-01, v30  }
0xec: {  	v20 =	vmax.f32 v20, v5;
	v30 =	vmul.f32 $1.442695020e+00, v39;
	(erf) = vpow2.f32 v38  }
0xed: {  	v32 =	vmax.f32 v32, v5;
	v29 =	vmul.f32 $-4.000000060e-01, v29;
	v38 =	vmul.f32 $-4.000000060e-01, v20  }
0xee: {  	v31 =	vmax.f32 v31, v5;
	v20 =	vmul.f32 $1.442695020e+00, v36;
	(erf) = vpow2.f32 v30  }
0xef: {  	v32 =	vmul.f32 $-4.000000060e-01, v32;
	v30 =	vmul.f32 $-4.000000060e-01, v31;
	v31 =	vsub.f32 v19, v5  }
0xf0: {  	v34 =	vmax.f32 v34, v5;
	v41 =	vmul.f32 $1.442695020e+00, v37;
	(erf) = vpow2.f32 v20  }
0xf1: {  	v42 =	vsub.f32 v8, v5;
	v43 =	vmul.f32 $1.442695020e+00, v15;
	v34 =	vmul.f32 $-4.000000060e-01, v34  }
0xf2: {  	s2 =	sadd.s32 $0x1, s29;
	v33 =	vmax.f32 v33, v5;
	v44 =	vmul.f32 $1.442695020e+00, v31;
	(erf) = vpow2.f32 v41  }
0xf3: {  	v33 =	vmul.f32 $-4.000000060e-01, v33;
	v20 =	vadd.s32 s2, v4;
	v41 =	vmul.f32 $1.442695020e+00, v35  }
0xf4: {  	vm1 =	vlt.f32 v18, v40;
	v18 =	vmul.f32 $1.442695020e+00, v42;
	(erf) = vpow2.f32 v44  }
0xf5: {  	vm3 =	vlt.f32 v36, v34;
	vm2 =	vlt.f32 v39, v33;
	vm0 =	vlt.f32 v37, v30;
	v30 =	vpop (erf)  }
0xf6: {  	v30 =	vsel vm1, $0x0, v30;
	vm1 =	vgt.f32 v13, v26;
	(erf) = vpow2.f32 v18  }
0xf7: {  	v18 =	vadd.f32 v30, v25;
	v13 =	vsel vm1, v13, v26;
	v27 =	vsel vm1, s23, v27;
	v26 =	vpop (erf);
	s23 =	smov.u32 s29  }
0xf8: {  	v26 =	vsel vm2, $0x0, v26;
	vm1 =	vgt.f32 v24, v13;
	(erf) = vpow2.f32 v41  }
0xf9: {  	v18 =	vadd.f32 v26, v18;
	v13 =	vsel vm1, v24, v13;
	v26 =	vsel vm1, s26, v27;
	v25 =	vpop (erf);
	s26 =	smov.u32 s2  }
0xfa: {  	v25 =	vsel vm3, $0x0, v25;
	vm1 =	vgt.f32 v23, v13;
	(erf) = vpow2.f32 v43  }
0xfb: {  	v18 =	vadd.f32 v25, v18;
	v13 =	vsel vm1, v23, v13;
	v25 =	vsel vm1, s24, v26;
	v24 =	vpop (erf);
	s24 =	smov.u32 s0  }
.Ltmp3:
0xfc: {  	vm1 =	vlt.f32 v31, v32;
	v24 =	vsel vm0, $0x0, v24;
	vm0 =	vgt.f32 v21, v13;
	(pc) =	sbr.rel @p0 .LBB2_9-.Ltmp3, $4  }
0xfd: {  	v18 =	vadd.f32 v24, v18;
	v21 =	vsel vm0, v21, v13;
	v25 =	vsel vm0, s22, v25;
	v23 =	vpop (erf);
	s22 =	smov.u32 s31  }
0xfe: {  	v13 =	vld.idx.msk [tilespmem:v16+s1+$0x0], $0xffff;
	v23 =	vsel vm1, $0x0, v23;
	vm0 =	vgt.f32 v19, v21;
	vm1 =	vlt.f32 v42, v38  }
0xff: {  	v16 =	vld.idx.msk [tilespmem:v28+s1+$0x0], $0xffff;
	v23 =	vadd.f32 v23, v18;
	v21 =	vsel vm0, v19, v21;
	v19 =	vsel vm0, s21, v25;
	v24 =	vpop (erf);
	s21 =	smov.u32 s30  }
0x100: {  	s29 =	sadd.s32 $0x8, s29;
	vm0 =	vlt.f32 v35, v29;
	v18 =	vld.idx.msk [tilespmem:v22+s1+$0x0], $0xffff;
	v22 =	vsel vm1, $0x0, v24;
	vm1 =	vgt.f32 v8, v21  }
0x101: {  	_ =	sdelay $0x3  }
0x102: {  	v20 =	vld.idx.msk [tilespmem:v20+s1+$0x0], $0xffff  }
0x103: {  	v22 =	vadd.f32 v22, v23;
	v23 =	vpop (erf)  }
0x104: {  	v8 =	vsel vm1, v8, v21;
	vm2 =	vlt.f32 v15, v17;
	v21 =	vsel vm0, $0x0, v23  }
0x105: {  	v19 =	vsel vm1, s28, v19;
	vm0 =	vgt.f32 v9, v8;
	v15 =	vadd.f32 v21, v22;
	v17 =	vpop (erf)  }
0x106: {  	v11 =	vld.idx.msk [tilespmem:v11+s1+$0x0], $0xffff;
	v8 =	vsel vm0, v9, v8;
	v9 =	vsel vm2, $0x0, v17;
	v17 =	vsub.f32 v13, v5  }
0x107: {  	vm1 =	vgt.f32 v7, v8;
	v9 =	vadd.f32 v9, v15;
	v15 =	vsub.f32 v20, v5  }
0x108: {  	v7 =	vsel vm1, v7, v8;
	v8 =	vmul.f32 $1.442695020e+00, v17  }
0x109: {  	v25 =	vmul.f32 $1.442695020e+00, v15  }
0x10a: {  	v10 =	vld.idx.msk [tilespmem:v10+s1+$0x0], $0xffff;
	(erf) = vpow2.f32 v8  }
0x10b: {  	v24 =	vsub.f32 v11, v5;
	(erf) = vpow2.f32 v25;
	_ =	sdelay $0x1  }
0x10c: {  	v29 =	vmul.f32 $1.442695020e+00, v24  }
0x10d: {  	v12 =	vld.idx.msk [tilespmem:v12+s1+$0x0], $0xffff  }
0x10e: {  	v14 =	vld.idx.msk [tilespmem:v14+s1+$0x0], $0xffff;
	v21 =	vand.u32 $0x7FFFFFFF, v13;
	v28 =	vsub.f32 v10, v5;
	(erf) = vpow2.f32 v29  }
0x10f: {  	v21 =	vmax.f32 v21, v5;
	v30 =	vand.u32 $0x7FFFFFFF, v20  }
0x110: {  	v21 =	vmul.f32 $-4.000000060e-01, v21;
	v30 =	vmax.f32 v30, v5;
	v33 =	vmul.f32 $1.442695020e+00, v28  }
0x111: {  	v31 =	vand.u32 $0x7FFFFFFF, v11;
	v30 =	vmul.f32 $-4.000000060e-01, v30  }
0x112: {  	v32 =	vsub.f32 v12, v5;
	vm2 =	vlt.f32 v17, v21;
	(erf) = vpow2.f32 v33;
	v17 =	vpop (erf)  }
0x113: {  	v34 =	vsub.f32 v14, v5;
	v17 =	vsel vm2, $0x0, v17;
	vm2 =	vlt.f32 v15, v30;
	v15 =	vpop (erf)  }
0x114: {  	v31 =	vmax.f32 v31, v5;
	v35 =	vmul.f32 $1.442695020e+00, v32;
	v15 =	vsel vm2, $0x0, v15  }
0x115: {  	v47 =	vsub.f32 v18, v5;
	v31 =	vmul.f32 $-4.000000060e-01, v31;
	v9 =	vadd.f32 v17, v9  }
0x116: {  	v26 =	vand.u32 $0x7FFFFFFF, v10;
	v48 =	vmul.f32 $1.442695020e+00, v34;
	(erf) = vpow2.f32 v35  }
0x117: {  	v21 =	vmul.f32 $1.442695020e+00, v47;
	vm2 =	vlt.f32 v24, v31;
	v9 =	vadd.f32 v15, v9;
	v15 =	vpop (erf)  }
0x118: {  	v26 =	vmax.f32 v26, v5;
	(erf) = vpow2.f32 v48;
	v15 =	vsel vm2, $0x0, v15  }
0x119: {  	v25 =	vsub.f32 v16, v5;
	(erf) = vpow2.f32 v21;
	v21 =	vmul.f32 $-4.000000060e-01, v26  }
0x11a: {  	v27 =	vand.u32 $0x7FFFFFFF, v12  }
0x11b: {  	v17 =	vmul.f32 $1.442695020e+00, v25;
	vm2 =	vlt.f32 v28, v21;
	v9 =	vadd.f32 v15, v9;
	v15 =	vpop (erf)  }
0x11c: {  	v24 =	vmax.f32 v27, v5;
	v15 =	vsel vm2, $0x0, v15  }
0x11d: {  	v22 =	vand.u32 $0x7FFFFFFF, v14;
	(erf) = vpow2.f32 v17;
	v17 =	vmul.f32 $-4.000000060e-01, v24  }
0x11e: {  	v23 =	vand.u32 $0x7FFFFFFF, v18;
	v22 =	vmax.f32 v22, v5  }
0x11f: {  	vm3 =	vlt.f32 v32, v17;
	vm2 =	vgt.f32 v13, v7;
	v9 =	vadd.f32 v15, v9;
	v15 =	vpop (erf)  }
0x120: {  	v8 =	vand.u32 $0x7FFFFFFF, v16;
	v7 =	vsel vm2, v13, v7;
	v13 =	vsel vm3, $0x0, v15  }
0x121: {  	v8 =	vmax.f32 v8, v5;
	v21 =	vmul.f32 $-4.000000060e-01, v22;
	v9 =	vadd.f32 v13, v9  }
0x122: {  	v8 =	vmul.f32 $-4.000000060e-01, v8;
	v5 =	vmax.f32 v23, v5  }
0x123: {  	v5 =	vmul.f32 $-4.000000060e-01, v5;
	vm4 =	vlt.f32 v34, v21;
	vm3 =	vgt.f32 v20, v7;
	v13 =	vpop (erf)  }
0x124: {  	v7 =	vsel vm3, v20, v7;
	v13 =	vsel vm4, $0x0, v13  }
0x125: {  	vm5 =	vlt.f32 v47, v5;
	vm14 =	vgt.f32 v11, v7;
	v5 =	vadd.f32 v13, v9;
	v9 =	vpop (erf)  }
0x126: {  	vm15 =	vlt.f32 v25, v8;
	v7 =	vsel vm14, v11, v7;
	v9 =	vsel vm5, $0x0, v9  }
0x127: {  	v13 =	vsel vm0, s19, v19;
	vm0 =	vgt.f32 v10, v7;
	v8 =	vpop (erf);
	v5 =	vadd.f32 v9, v5  }
0x128: {  	v7 =	vsel vm0, v10, v7;
	v9 =	vsel vm1, s17, v13;
	v8 =	vsel vm15, $0x0, v8  }
0x129: {  	vm1 =	vgt.f32 v12, v7;
	v9 =	vsel vm2, s23, v9;
	v5 =	vadd.f32 v8, v5  }
0x12a: {  	v7 =	vsel vm1, v12, v7;
	v8 =	vsel vm3, s26, v9  }
0x12b: {  	vm2 =	vgt.f32 v14, v7;
	v8 =	vsel vm14, s24, v8;
	(erf) = vrcp.f32 v5  }
0x12c: {  	s0 =	sshll.u32 s16, $0x4;
	v7 =	vsel vm2, v14, v7;
	v5 =	vsel vm0, s22, v8  }
0x12d: {  	vm0 =	vgt.f32 v18, v7;
	v8 =	vmov s0;
	v5 =	vsel vm1, s21, v5  }
0x12e: {  	v11 =	vsel vm0, v18, v7;
	v7 =	vshll.u32 v8, $0x7;
	v5 =	vsel vm2, s25, v5  }
0x12f: {  	v8 =	vsel vm0, s20, v5;
	vm0 =	vgt.f32 v16, v11;
	v5 =	vor.u32 v2, v7  }
0x130: {  	v7 =	vsel vm0, s18, v8  }
0x131: {  	s0 =	simm.s32 $0x0;
	v8 =	vadd.s32 v4, v7  }
0x132: {  	s17 =	simm.s32 $0x7;
	v9 =	vadd.s32 s0, v4  }
0x133: {  	v10 =	vadd.s32 s17, v4;
	s18 =	simm.s32 $0x6  }
0x134: {  	s29 =	simm.s32 $0x4;
	v12 =	vadd.s32 s18, v4;
	[tilespmem:v5+s11+$0x0] =	vst.idx.msk $0xffff, v6;
	v6 =	vpop (erf)  }
0x135: {  	s30 =	simm.s32 $0x3;
	v13 =	vadd.s32 s29, v4;
	v14 =	vimm.f32 $-Inf;
	[tilespmem:v5+s12+$0x0] =	vst.idx.msk $0xffff, v6  }
0x136: {  	s2 =	simm.s32 $0x1;
	v15 =	vadd.s32 s30, v4;
	[tilespmem:v8+s0+$0x0] =	vst.idx.msk $0xffff, v14  }
0x137: {  	s31 =	simm.s32 $0x2;
	v19 =	vadd.s32 s2, v4;
	v17 =	vld.idx.msk [tilespmem:v9+s1+$0x0], $0xffff  }
0x138: {  	s28 =	simm.s32 $0x5;
	v18 =	vadd.s32 s31, v4;
	v8 =	vld.idx.msk [tilespmem:v10+s1+$0x0], $0xffff  }
0x139: {  	v6 =	vadd.s32 s28, v4;
	v10 =	vld.idx.msk [tilespmem:v12+s1+$0x0], $0xffff  }
0x13a: {  	v20 =	vld.idx.msk [tilespmem:v13+s1+$0x0], $0xffff  }
0x13b: {  	s19 =	simm.s32 $0xF;
	v22 =	vld.idx.msk [tilespmem:v15+s1+$0x0], $0xffff  }
0x13c: {  	v23 =	vimm.f32 $1.000000000e+00;
	v24 =	vimm.s32 $0x0;
	v49 =	vadd.s32 s19, v4;
	s23 =	simm.s32 $0x8;
	s21 =	simm.s32 $0xC;
	s20 =	simm.s32 $0xE;
	v19 =	vld.idx.msk [tilespmem:v19+s1+$0x0], $0xffff  }
0x13d: {  	v26 =	vadd.s32 s23, v4;
	s24 =	simm.s32 $0xA;
	s25 =	simm.s32 $0xD;
	v27 =	vadd.s32 s20, v4;
	v25 =	vld.idx.msk [tilespmem:v18+s1+$0x0], $0xffff;
	v13 =	vadd.s32 s21, v4  }
0x13e: {  	s22 =	simm.s32 $0xB;
	v15 =	vadd.s32 s25, v4;
	v12 =	vadd.s32 s24, v4;
	v9 =	vld.idx.msk [tilespmem:v6+s1+$0x0], $0xffff;
	v6 =	vsel vm0, v16, v11  }
0x13f: {  	v11 =	vadd.s32 s22, v4;
	v50 =	vsub.f32 v17, v6;
	v18 =	vand.u32 $0x7FFFFFFF, v17  }
0x140: {  	v51 =	vand.u32 $0x7FFFFFFF, v10;
	v52 =	vand.u32 $0x7FFFFFFF, v8;
	v53 =	vand.u32 $0x7FFFFFFF, v22  }
0x141: {  	v54 =	vand.u32 $0x7FFFFFFF, v20;
	v40 =	vsub.f32 v19, v6;
	v39 =	vmul.f32 $1.442695020e+00, v50  }
0x142: {  	v16 =	vsub.f32 v8, v6;
	v55 =	vand.u32 $0x7FFFFFFF, v19;
	v36 =	vsub.f32 v10, v6  }
0x143: {  	v37 =	vsub.f32 v25, v6;
	v57 =	vmul.f32 $1.442695020e+00, v40;
	(erf) = vpow2.f32 v39  }
0x144: {  	v56 =	vand.u32 $0x7FFFFFFF, v25;
	v38 =	vsub.f32 v22, v6;
	v60 =	vsub.f32 v20, v6  }
0x145: {  	v18 =	vmax.f32 v18, v6;
	v21 =	vand.u32 $0x7FFFFFFF, v9;
	(erf) = vpow2.f32 v57  }
0x146: {  	v31 =	vmax.f32 v52, v6;
	v30 =	vmax.f32 v51, v6;
	v21 =	vmax.f32 v21, v6  }
0x147: {  	v33 =	vmax.f32 v54, v6;
	v58 =	vmul.f32 $-4.000000060e-01, v21;
	v21 =	vmul.f32 $1.442695020e+00, v37  }
0x148: {  	v32 =	vmax.f32 v53, v6;
	v41 =	vmul.f32 $-4.000000060e-01, v18;
	v18 =	vmul.f32 $-4.000000060e-01, v31  }
0x149: {  	v34 =	vmax.f32 v55, v6;
	v42 =	vmul.f32 $1.442695020e+00, v38;
	(erf) = vpow2.f32 v21  }
0x14a: {  	v59 =	vmul.f32 $-4.000000060e-01, v32;
	v34 =	vmul.f32 $-4.000000060e-01, v34;
	v43 =	vsub.f32 v9, v6  }
0x14b: {  	v35 =	vmax.f32 v56, v6;
	v45 =	vmul.f32 $1.442695020e+00, v60;
	(erf) = vpow2.f32 v42  }
0x14c: {  	vm0 =	vlt.f32 v50, v41;
	vm1 =	vlt.f32 v40, v34;
	v62 =	vmul.f32 $1.442695020e+00, v43;
	v63 =	vpop (erf)  }
0x14d: {  	(erf) = vpow2.f32 v45;
	v31 =	vsel vm0, $0x0, v63;
	vm0 =	vgt.f32 v17, v14  }
0x14e: {  	v23 =	vadd.f32 v31, v23;
	v14 =	vsel vm0, v17, v14;
	v17 =	vsel vm0, s0, v24;
	v24 =	vpop (erf)  }
0x14f: {  	v35 =	vmul.f32 $-4.000000060e-01, v35;
	v61 =	vmul.f32 $1.442695020e+00, v36;
	v24 =	vsel vm1, $0x0, v24  }
0x150: {  	v44 =	vmul.f32 $1.442695020e+00, v16;
	(erf) = vpow2.f32 v62;
	v23 =	vadd.f32 v24, v23  }
0x151: {  	vm2 =	vlt.f32 v37, v35;
	(erf) = vpow2.f32 v61;
	vm0 =	vgt.f32 v19, v14  }
0x152: {  	vm3 =	vlt.f32 v38, v59;
	(erf) = vpow2.f32 v44;
	v14 =	vsel vm0, v19, v14;
	v19 =	vpop (erf)  }
0x153: {  	v17 =	vsel vm0, s2, v17;
	v19 =	vsel vm2, $0x0, v19;
	vm0 =	vgt.f32 v25, v14  }
0x154: {  	v19 =	vadd.f32 v19, v23;
	v14 =	vsel vm0, v25, v14;
	v17 =	vsel vm0, s31, v17;
	v23 =	vpop (erf)  }
0x155: {  	v33 =	vmul.f32 $-4.000000060e-01, v33;
	vm0 =	vgt.f32 v22, v14;
	v23 =	vsel vm3, $0x0, v23  }
0x156: {  	s26 =	simm.s32 $0x9;
	v30 =	vmul.f32 $-4.000000060e-01, v30;
	v19 =	vadd.f32 v23, v19;
	v23 =	vsel vm0, s30, v17  }
0x157: {  	v21 =	vadd.s32 s26, v4;
	vm1 =	vlt.f32 v60, v33;
	v22 =	vsel vm0, v22, v14;
	v17 =	vpop (erf)  }
0x158: {  	v14 =	vld.idx.msk [tilespmem:v26+s1+$0x0], $0xffff;
	vm0 =	vgt.f32 v20, v22;
	v24 =	vsel vm1, $0x0, v17;
	vm1 =	vlt.f32 v43, v58  }
0x159: {  	v17 =	vld.idx.msk [tilespmem:v49+s1+$0x0], $0xffff;
	v22 =	vsel vm0, v20, v22;
	v20 =	vsel vm0, s29, v23;
	v24 =	vadd.f32 v24, v19;
	v23 =	vpop (erf)  }
0x15a: {  	s29 =	simm.s32 $0x10;
	vm0 =	vlt.f32 v36, v30;
	v19 =	vld.idx.msk [tilespmem:v27+s1+$0x0], $0xffff;
	v23 =	vsel vm1, $0x0, v23;
	vm1 =	vgt.f32 v9, v22  }
.LBB2_11:
0x15b: {  	p0 =	slt.u32 s29, $0x38;
	v23 =	vadd.f32 v23, v24;
	v24 =	vsel vm1, v9, v22;
	v9 =	vld.idx.msk [tilespmem:v15+s1+$0x0], $0xffff;
	v25 =	vsel vm1, s28, v20;
	v22 =	vpop (erf);
	s28 =	smov.u32 s25  }
0x15c: {  	vm1 =	vlt.f32 v16, v18;
	v20 =	vld.idx.msk [tilespmem:v13+s1+$0x0], $0xffff;
	v13 =	vsel vm0, $0x0, v22;
	vm0 =	vgt.f32 v10, v24  }
0x15d: {  	v22 =	vld.idx.msk [tilespmem:v11+s1+$0x0], $0xffff;
	v11 =	vadd.f32 v13, v23;
	v10 =	vsel vm0, v10, v24;
	v13 =	vsel vm0, s18, v25;
	v15 =	vpop (erf);
	s18 =	smov.u32 s20  }
0x15e: {  	v24 =	vld.idx.msk [tilespmem:v12+s1+$0x0], $0xffff;
	v12 =	vsel vm1, $0x0, v15;
	vm0 =	vgt.f32 v8, v10  }
0x15f: {  	s20 =	sadd.s32 $0x6, s29;
	v25 =	vld.idx.msk [tilespmem:v21+s1+$0x0], $0xffff;
	v26 =	vadd.f32 v12, v11;
	v27 =	vsel vm0, v8, v10;
	v28 =	vsel vm0, s17, v13;
	v8 =	vmovc v17;
	s17 =	smov.u32 s19;
	s19 =	sadd.s32 $0x7, s29  }
0x160: {  	s31 =	sadd.s32 $0x3, s29;
	s30 =	sadd.s32 $0x4, s29;
	s25 =	sadd.s32 $0x5, s29;
	v23 =	vadd.s32 s20, v4;
	v17 =	vadd.s32 s29, v4;
	v29 =	vadd.s32 s19, v4;
	v10 =	vmovc v19  }
0x161: {  	s0 =	sadd.s32 $0x2, s29;
	v15 =	vadd.s32 s25, v4;
	v11 =	vadd.s32 s31, v4;
	v13 =	vadd.s32 s30, v4  }
0x162: {  	v18 =	vand.u32 $0x7FFFFFFF, v14;
	v12 =	vadd.s32 s0, v4;
	v19 =	vsub.f32 v14, v6  }
0x163: {  	v21 =	vand.u32 $0x7FFFFFFF, v9;
	v31 =	vand.u32 $0x7FFFFFFF, v8;
	v30 =	vand.u32 $0x7FFFFFFF, v10  }
0x164: {  	v16 =	vsub.f32 v8, v6;
	v33 =	vand.u32 $0x7FFFFFFF, v20;
	v32 =	vand.u32 $0x7FFFFFFF, v22  }
0x165: {  	v36 =	vsub.f32 v10, v6;
	v35 =	vand.u32 $0x7FFFFFFF, v24;
	v34 =	vand.u32 $0x7FFFFFFF, v25  }
0x166: {  	v18 =	vmax.f32 v18, v6;
	v38 =	vsub.f32 v22, v6;
	v37 =	vsub.f32 v24, v6  }
0x167: {  	v31 =	vmax.f32 v31, v6;
	v39 =	vmul.f32 $1.442695020e+00, v19;
	v40 =	vsub.f32 v25, v6  }
0x168: {  	v41 =	vmul.f32 $-4.000000060e-01, v18;
	v30 =	vmax.f32 v30, v6;
	v18 =	vmul.f32 $-4.000000060e-01, v31  }
0x169: {  	v21 =	vmax.f32 v21, v6;
	v31 =	vmul.f32 $1.442695020e+00, v40;
	(erf) = vpow2.f32 v39  }
0x16a: {  	v33 =	vmax.f32 v33, v6;
	v30 =	vmul.f32 $-4.000000060e-01, v30;
	v39 =	vmul.f32 $-4.000000060e-01, v21  }
0x16b: {  	v32 =	vmax.f32 v32, v6;
	v21 =	vmul.f32 $1.442695020e+00, v37;
	(erf) = vpow2.f32 v31  }
0x16c: {  	v33 =	vmul.f32 $-4.000000060e-01, v33;
	v31 =	vmul.f32 $-4.000000060e-01, v32;
	v32 =	vsub.f32 v20, v6  }
0x16d: {  	v35 =	vmax.f32 v35, v6;
	v42 =	vmul.f32 $1.442695020e+00, v38;
	(erf) = vpow2.f32 v21  }
0x16e: {  	v43 =	vsub.f32 v9, v6;
	v44 =	vmul.f32 $1.442695020e+00, v16;
	v35 =	vmul.f32 $-4.000000060e-01, v35  }
0x16f: {  	s2 =	sadd.s32 $0x1, s29;
	v34 =	vmax.f32 v34, v6;
	v45 =	vmul.f32 $1.442695020e+00, v32;
	(erf) = vpow2.f32 v42  }
0x170: {  	v34 =	vmul.f32 $-4.000000060e-01, v34;
	v21 =	vadd.s32 s2, v4;
	v42 =	vmul.f32 $1.442695020e+00, v36  }
0x171: {  	vm1 =	vlt.f32 v19, v41;
	v19 =	vmul.f32 $1.442695020e+00, v43;
	(erf) = vpow2.f32 v45  }
0x172: {  	vm3 =	vlt.f32 v37, v35;
	vm2 =	vlt.f32 v40, v34;
	vm0 =	vlt.f32 v38, v31;
	v31 =	vpop (erf)  }
0x173: {  	v31 =	vsel vm1, $0x0, v31;
	vm1 =	vgt.f32 v14, v27;
	(erf) = vpow2.f32 v19  }
0x174: {  	v19 =	vadd.f32 v31, v26;
	v14 =	vsel vm1, v14, v27;
	v28 =	vsel vm1, s23, v28;
	v27 =	vpop (erf);
	s23 =	smov.u32 s29  }
0x175: {  	v27 =	vsel vm2, $0x0, v27;
	vm1 =	vgt.f32 v25, v14;
	(erf) = vpow2.f32 v42  }
0x176: {  	v19 =	vadd.f32 v27, v19;
	v14 =	vsel vm1, v25, v14;
	v27 =	vsel vm1, s26, v28;
	v26 =	vpop (erf);
	s26 =	smov.u32 s2  }
0x177: {  	v26 =	vsel vm3, $0x0, v26;
	vm1 =	vgt.f32 v24, v14;
	(erf) = vpow2.f32 v44  }
0x178: {  	v19 =	vadd.f32 v26, v19;
	v14 =	vsel vm1, v24, v14;
	v26 =	vsel vm1, s24, v27;
	v25 =	vpop (erf);
	s24 =	smov.u32 s0  }
.Ltmp4:
0x179: {  	vm1 =	vlt.f32 v32, v33;
	v25 =	vsel vm0, $0x0, v25;
	vm0 =	vgt.f32 v22, v14;
	(pc) =	sbr.rel @p0 .LBB2_11-.Ltmp4, $4  }
0x17a: {  	v19 =	vadd.f32 v25, v19;
	v22 =	vsel vm0, v22, v14;
	v26 =	vsel vm0, s22, v26;
	v24 =	vpop (erf);
	s22 =	smov.u32 s31  }
0x17b: {  	v14 =	vld.idx.msk [tilespmem:v17+s1+$0x0], $0xffff;
	v24 =	vsel vm1, $0x0, v24;
	vm0 =	vgt.f32 v20, v22;
	vm1 =	vlt.f32 v43, v39  }
0x17c: {  	v17 =	vld.idx.msk [tilespmem:v29+s1+$0x0], $0xffff;
	v24 =	vadd.f32 v24, v19;
	v22 =	vsel vm0, v20, v22;
	v20 =	vsel vm0, s21, v26;
	v25 =	vpop (erf);
	s21 =	smov.u32 s30  }
0x17d: {  	s29 =	sadd.s32 $0x8, s29;
	vm0 =	vlt.f32 v36, v30;
	v19 =	vld.idx.msk [tilespmem:v23+s1+$0x0], $0xffff;
	v23 =	vsel vm1, $0x0, v25;
	vm1 =	vgt.f32 v9, v22  }
0x17e: {  	_ =	sdelay $0x3  }
0x17f: {  	v21 =	vld.idx.msk [tilespmem:v21+s1+$0x0], $0xffff  }
0x180: {  	v23 =	vadd.f32 v23, v24;
	v24 =	vpop (erf)  }
0x181: {  	v9 =	vsel vm1, v9, v22;
	vm2 =	vlt.f32 v16, v18;
	v22 =	vsel vm0, $0x0, v24  }
0x182: {  	v20 =	vsel vm1, s28, v20;
	vm0 =	vgt.f32 v10, v9;
	v16 =	vadd.f32 v22, v23;
	v18 =	vpop (erf)  }
0x183: {  	v12 =	vld.idx.msk [tilespmem:v12+s1+$0x0], $0xffff;
	v9 =	vsel vm0, v10, v9;
	v10 =	vsel vm2, $0x0, v18;
	v18 =	vsub.f32 v14, v6  }
0x184: {  	vm1 =	vgt.f32 v8, v9;
	v10 =	vadd.f32 v10, v16;
	v16 =	vsub.f32 v21, v6  }
0x185: {  	v8 =	vsel vm1, v8, v9;
	v9 =	vmul.f32 $1.442695020e+00, v18  }
0x186: {  	v26 =	vmul.f32 $1.442695020e+00, v16  }
0x187: {  	v11 =	vld.idx.msk [tilespmem:v11+s1+$0x0], $0xffff;
	(erf) = vpow2.f32 v9  }
0x188: {  	v25 =	vsub.f32 v12, v6;
	(erf) = vpow2.f32 v26;
	_ =	sdelay $0x1  }
0x189: {  	v30 =	vmul.f32 $1.442695020e+00, v25  }
0x18a: {  	v13 =	vld.idx.msk [tilespmem:v13+s1+$0x0], $0xffff  }
0x18b: {  	v15 =	vld.idx.msk [tilespmem:v15+s1+$0x0], $0xffff;
	v22 =	vand.u32 $0x7FFFFFFF, v14;
	v29 =	vsub.f32 v11, v6;
	(erf) = vpow2.f32 v30  }
0x18c: {  	v22 =	vmax.f32 v22, v6;
	v31 =	vand.u32 $0x7FFFFFFF, v21  }
0x18d: {  	v22 =	vmul.f32 $-4.000000060e-01, v22;
	v31 =	vmax.f32 v31, v6;
	v34 =	vmul.f32 $1.442695020e+00, v29  }
0x18e: {  	v32 =	vand.u32 $0x7FFFFFFF, v12;
	v31 =	vmul.f32 $-4.000000060e-01, v31  }
0x18f: {  	v33 =	vsub.f32 v13, v6;
	vm2 =	vlt.f32 v18, v22;
	(erf) = vpow2.f32 v34;
	v18 =	vpop (erf)  }
0x190: {  	v35 =	vsub.f32 v15, v6;
	v18 =	vsel vm2, $0x0, v18;
	vm2 =	vlt.f32 v16, v31;
	v16 =	vpop (erf)  }
0x191: {  	v32 =	vmax.f32 v32, v6;
	v36 =	vmul.f32 $1.442695020e+00, v33;
	v16 =	vsel vm2, $0x0, v16  }
0x192: {  	v46 =	vsub.f32 v19, v6;
	v32 =	vmul.f32 $-4.000000060e-01, v32;
	v10 =	vadd.f32 v18, v10  }
0x193: {  	v27 =	vand.u32 $0x7FFFFFFF, v11;
	v47 =	vmul.f32 $1.442695020e+00, v35;
	(erf) = vpow2.f32 v36  }
0x194: {  	v22 =	vmul.f32 $1.442695020e+00, v46;
	vm2 =	vlt.f32 v25, v32;
	v10 =	vadd.f32 v16, v10;
	v16 =	vpop (erf)  }
0x195: {  	v27 =	vmax.f32 v27, v6;
	(erf) = vpow2.f32 v47;
	v16 =	vsel vm2, $0x0, v16  }
0x196: {  	v26 =	vsub.f32 v17, v6;
	(erf) = vpow2.f32 v22;
	v22 =	vmul.f32 $-4.000000060e-01, v27  }
0x197: {  	v28 =	vand.u32 $0x7FFFFFFF, v13  }
0x198: {  	v18 =	vmul.f32 $1.442695020e+00, v26;
	vm2 =	vlt.f32 v29, v22;
	v10 =	vadd.f32 v16, v10;
	v16 =	vpop (erf)  }
0x199: {  	v25 =	vmax.f32 v28, v6;
	v16 =	vsel vm2, $0x0, v16  }
0x19a: {  	v23 =	vand.u32 $0x7FFFFFFF, v15;
	(erf) = vpow2.f32 v18;
	v18 =	vmul.f32 $-4.000000060e-01, v25  }
0x19b: {  	v24 =	vand.u32 $0x7FFFFFFF, v19;
	v23 =	vmax.f32 v23, v6  }
0x19c: {  	vm3 =	vlt.f32 v33, v18;
	vm2 =	vgt.f32 v14, v8;
	v10 =	vadd.f32 v16, v10;
	v16 =	vpop (erf)  }
0x19d: {  	v9 =	vand.u32 $0x7FFFFFFF, v17;
	v8 =	vsel vm2, v14, v8;
	v14 =	vsel vm3, $0x0, v16  }
0x19e: {  	v9 =	vmax.f32 v9, v6;
	v22 =	vmul.f32 $-4.000000060e-01, v23;
	v10 =	vadd.f32 v14, v10  }
0x19f: {  	v9 =	vmul.f32 $-4.000000060e-01, v9;
	v6 =	vmax.f32 v24, v6  }
0x1a0: {  	v6 =	vmul.f32 $-4.000000060e-01, v6;
	vm4 =	vlt.f32 v35, v22;
	vm3 =	vgt.f32 v21, v8;
	v14 =	vpop (erf)  }
0x1a1: {  	v8 =	vsel vm3, v21, v8;
	v14 =	vsel vm4, $0x0, v14  }
0x1a2: {  	vm5 =	vlt.f32 v46, v6;
	vm14 =	vgt.f32 v12, v8;
	v6 =	vadd.f32 v14, v10;
	v10 =	vpop (erf)  }
0x1a3: {  	vm15 =	vlt.f32 v26, v9;
	v8 =	vsel vm14, v12, v8;
	v10 =	vsel vm5, $0x0, v10  }
0x1a4: {  	v14 =	vsel vm0, s18, v20;
	vm0 =	vgt.f32 v11, v8;
	v9 =	vpop (erf);
	v6 =	vadd.f32 v10, v6  }
0x1a5: {  	v8 =	vsel vm0, v11, v8;
	v10 =	vsel vm1, s17, v14;
	v9 =	vsel vm15, $0x0, v9  }
0x1a6: {  	vm1 =	vgt.f32 v13, v8;
	v10 =	vsel vm2, s23, v10;
	v6 =	vadd.f32 v9, v6  }
0x1a7: {  	v8 =	vsel vm1, v13, v8;
	v9 =	vsel vm3, s26, v10  }
0x1a8: {  	vm2 =	vgt.f32 v15, v8;
	v9 =	vsel vm14, s24, v9;
	(erf) = vrcp.f32 v6  }
0x1a9: {  	v8 =	vsel vm2, v15, v8;
	v6 =	vsel vm0, s22, v9  }
0x1aa: {  	vm0 =	vgt.f32 v19, v8;
	v6 =	vsel vm1, s21, v6  }
0x1ab: {  	v11 =	vsel vm0, v19, v8;
	v6 =	vsel vm2, s25, v6  }
0x1ac: {  	v8 =	vor.u32 $0x1, v5;
	v6 =	vsel vm0, s20, v6;
	vm0 =	vgt.f32 v17, v11  }
0x1ad: {  	v6 =	vsel vm0, s19, v6  }
0x1ae: {  	s17 =	simm.s32 $0x7;
	v9 =	vadd.s32 v4, v6  }
0x1af: {  	v12 =	vadd.s32 s17, v4;
	_ =	sdelay $0x1  }
0x1b0: {  	s0 =	simm.s32 $0x0;
	[tilespmem:v8+s11+$0x0] =	vst.idx.msk $0xffff, v7;
	v7 =	vpop (erf)  }
0x1b1: {  	v14 =	vimm.f32 $-Inf;
	v10 =	vadd.s32 s0, v4;
	[tilespmem:v8+s12+$0x0] =	vst.idx.msk $0xffff, v7  }
0x1b2: {  	s2 =	simm.s32 $0x1;
	[tilespmem:v9+s0+$0x0] =	vst.idx.msk $0xffff, v14  }
0x1b3: {  	s18 =	simm.s32 $0x6;
	v8 =	vld.idx.msk [tilespmem:v12+s1+$0x0], $0xffff;
	v12 =	vadd.s32 s2, v4  }
0x1b4: {  	s28 =	simm.s32 $0x5;
	v13 =	vadd.s32 s18, v4  }
0x1b5: {  	s30 =	simm.s32 $0x3;
	v7 =	vadd.s32 s28, v4  }
0x1b6: {  	s31 =	simm.s32 $0x2;
	v16 =	vadd.s32 s30, v4;
	v19 =	vld.idx.msk [tilespmem:v10+s1+$0x0], $0xffff  }
0x1b7: {  	s29 =	simm.s32 $0x4;
	v18 =	vadd.s32 s31, v4  }
0x1b8: {  	v15 =	vadd.s32 s29, v4;
	v25 =	vld.idx.msk [tilespmem:v12+s1+$0x0], $0xffff  }
0x1b9: {  	v10 =	vld.idx.msk [tilespmem:v13+s1+$0x0], $0xffff  }
0x1ba: {  	v9 =	vld.idx.msk [tilespmem:v7+s1+$0x0], $0xffff;
	v7 =	vsel vm0, v17, v11  }
0x1bb: {  	v23 =	vimm.s32 $0x0;
	s23 =	simm.s32 $0x8;
	s20 =	simm.s32 $0xE;
	s19 =	simm.s32 $0xF;
	v22 =	vld.idx.msk [tilespmem:v16+s1+$0x0], $0xffff;
	v49 =	vsub.f32 v19, v7  }
0x1bc: {  	v26 =	vadd.s32 s23, v4;
	s21 =	simm.s32 $0xC;
	v27 =	vadd.s32 s20, v4;
	v48 =	vadd.s32 s19, v4;
	v24 =	vld.idx.msk [tilespmem:v18+s1+$0x0], $0xffff  }
0x1bd: {  	s22 =	simm.s32 $0xB;
	s25 =	simm.s32 $0xD;
	v20 =	vld.idx.msk [tilespmem:v15+s1+$0x0], $0xffff;
	v13 =	vadd.s32 s21, v4;
	v39 =	vmul.f32 $1.442695020e+00, v49;
	v40 =	vsub.f32 v25, v7  }
0x1be: {  	v15 =	vadd.s32 s25, v4;
	v17 =	vimm.f32 $1.000000000e+00;
	v11 =	vadd.s32 s22, v4  }
0x1bf: {  	v18 =	vand.u32 $0x7FFFFFFF, v19;
	(erf) = vpow2.f32 v39;
	v57 =	vmul.f32 $1.442695020e+00, v40  }
0x1c0: {  	v50 =	vand.u32 $0x7FFFFFFF, v10;
	v51 =	vand.u32 $0x7FFFFFFF, v8;
	v52 =	vand.u32 $0x7FFFFFFF, v22  }
0x1c1: {  	v37 =	vsub.f32 v24, v7;
	v21 =	vand.u32 $0x7FFFFFFF, v9;
	(erf) = vpow2.f32 v57  }
0x1c2: {  	v53 =	vand.u32 $0x7FFFFFFF, v20;
	v16 =	vsub.f32 v8, v7;
	v21 =	vmax.f32 v21, v7  }
0x1c3: {  	v56 =	vsub.f32 v10, v7;
	v58 =	vmul.f32 $-4.000000060e-01, v21;
	v21 =	vmul.f32 $1.442695020e+00, v37  }
0x1c4: {  	v55 =	vand.u32 $0x7FFFFFFF, v24;
	v38 =	vsub.f32 v22, v7;
	v60 =	vsub.f32 v20, v7  }
0x1c5: {  	v18 =	vmax.f32 v18, v7;
	v31 =	vmax.f32 v51, v7;
	(erf) = vpow2.f32 v21  }
0x1c6: {  	v30 =	vmax.f32 v50, v7;
	v41 =	vmul.f32 $-4.000000060e-01, v18;
	v54 =	vand.u32 $0x7FFFFFFF, v25  }
0x1c7: {  	v35 =	vmax.f32 v55, v7;
	v42 =	vmul.f32 $1.442695020e+00, v38;
	v34 =	vmax.f32 v54, v7  }
0x1c8: {  	v18 =	vmul.f32 $-4.000000060e-01, v31;
	vm0 =	vlt.f32 v49, v41;
	v34 =	vmul.f32 $-4.000000060e-01, v34;
	v63 =	vpop (erf)  }
0x1c9: {  	(erf) = vpow2.f32 v42;
	v31 =	vsel vm0, $0x0, v63;
	vm0 =	vgt.f32 v19, v14  }
0x1ca: {  	vm1 =	vlt.f32 v40, v34;
	v14 =	vsel vm0, v19, v14;
	v19 =	vsel vm0, s0, v23;
	v23 =	vpop (erf)  }
0x1cb: {  	v45 =	vmul.f32 $1.442695020e+00, v60;
	v43 =	vsub.f32 v9, v7;
	v23 =	vsel vm1, $0x0, v23  }
0x1cc: {  	v33 =	vmax.f32 v53, v7;
	v35 =	vmul.f32 $-4.000000060e-01, v35;
	v17 =	vadd.f32 v31, v17  }
0x1cd: {  	v32 =	vmax.f32 v52, v7;
	v62 =	vmul.f32 $1.442695020e+00, v43;
	(erf) = vpow2.f32 v45  }
0x1ce: {  	v59 =	vmul.f32 $-4.000000060e-01, v32;
	vm2 =	vlt.f32 v37, v35;
	v17 =	vadd.f32 v23, v17;
	v23 =	vpop (erf)  }
0x1cf: {  	v61 =	vmul.f32 $1.442695020e+00, v56;
	(erf) = vpow2.f32 v62;
	v23 =	vsel vm2, $0x0, v23  }
0x1d0: {  	v33 =	vmul.f32 $-4.000000060e-01, v33;
	v44 =	vmul.f32 $1.442695020e+00, v16;
	vm0 =	vgt.f32 v25, v14  }
0x1d1: {  	vm3 =	vlt.f32 v38, v59;
	v14 =	vsel vm0, v25, v14;
	(erf) = vpow2.f32 v61  }
0x1d2: {  	v19 =	vsel vm0, s2, v19;
	vm0 =	vgt.f32 v24, v14;
	v17 =	vadd.f32 v23, v17;
	v23 =	vpop (erf)  }
0x1d3: {  	(erf) = vpow2.f32 v44;
	v14 =	vsel vm0, v24, v14;
	v23 =	vsel vm3, $0x0, v23  }
0x1d4: {  	s24 =	simm.s32 $0xA;
	v19 =	vsel vm0, s31, v19;
	vm0 =	vgt.f32 v22, v14;
	v23 =	vadd.f32 v23, v17  }
0x1d5: {  	v12 =	vadd.s32 s24, v4;
	v30 =	vmul.f32 $-4.000000060e-01, v30;
	v22 =	vsel vm0, v22, v14  }
0x1d6: {  	s26 =	simm.s32 $0x9;
	vm1 =	vlt.f32 v60, v33;
	v19 =	vsel vm0, s30, v19;
	vm0 =	vgt.f32 v20, v22;
	v17 =	vpop (erf)  }
0x1d7: {  	v21 =	vadd.s32 s26, v4;
	v14 =	vld.idx.msk [tilespmem:v26+s1+$0x0], $0xffff;
	v22 =	vsel vm0, v20, v22;
	v24 =	vsel vm1, $0x0, v17  }
0x1d8: {  	v20 =	vsel vm0, s29, v19;
	v19 =	vld.idx.msk [tilespmem:v27+s1+$0x0], $0xffff;
	vm1 =	vlt.f32 v43, v58;
	v24 =	vadd.f32 v24, v23;
	v23 =	vpop (erf)  }
0x1d9: {  	s29 =	simm.s32 $0x10;
	vm0 =	vlt.f32 v56, v30;
	v17 =	vld.idx.msk [tilespmem:v48+s1+$0x0], $0xffff;
	v23 =	vsel vm1, $0x0, v23;
	vm1 =	vgt.f32 v9, v22  }
.LBB2_13:
0x1da: {  	p0 =	slt.u32 s29, $0x38;
	v23 =	vadd.f32 v23, v24;
	v24 =	vsel vm1, v9, v22;
	v9 =	vld.idx.msk [tilespmem:v15+s1+$0x0], $0xffff;
	v25 =	vsel vm1, s28, v20;
	v22 =	vpop (erf);
	s28 =	smov.u32 s25  }
0x1db: {  	vm1 =	vlt.f32 v16, v18;
	v20 =	vld.idx.msk [tilespmem:v13+s1+$0x0], $0xffff;
	v13 =	vsel vm0, $0x0, v22;
	vm0 =	vgt.f32 v10, v24  }
0x1dc: {  	v22 =	vld.idx.msk [tilespmem:v11+s1+$0x0], $0xffff;
	v11 =	vadd.f32 v13, v23;
	v10 =	vsel vm0, v10, v24;
	v13 =	vsel vm0, s18, v25;
	v15 =	vpop (erf);
	s18 =	smov.u32 s20  }
0x1dd: {  	v24 =	vld.idx.msk [tilespmem:v12+s1+$0x0], $0xffff;
	v12 =	vsel vm1, $0x0, v15;
	vm0 =	vgt.f32 v8, v10  }
0x1de: {  	s20 =	sadd.s32 $0x6, s29;
	v25 =	vld.idx.msk [tilespmem:v21+s1+$0x0], $0xffff;
	v26 =	vadd.f32 v12, v11;
	v27 =	vsel vm0, v8, v10;
	v28 =	vsel vm0, s17, v13;
	v8 =	vmovc v17;
	s17 =	smov.u32 s19;
	s19 =	sadd.s32 $0x7, s29  }
0x1df: {  	s31 =	sadd.s32 $0x3, s29;
	s30 =	sadd.s32 $0x4, s29;
	s25 =	sadd.s32 $0x5, s29;
	v23 =	vadd.s32 s20, v4;
	v17 =	vadd.s32 s29, v4;
	v29 =	vadd.s32 s19, v4;
	v10 =	vmovc v19  }
0x1e0: {  	s0 =	sadd.s32 $0x2, s29;
	v15 =	vadd.s32 s25, v4;
	v11 =	vadd.s32 s31, v4;
	v13 =	vadd.s32 s30, v4  }
0x1e1: {  	v18 =	vand.u32 $0x7FFFFFFF, v14;
	v12 =	vadd.s32 s0, v4;
	v19 =	vsub.f32 v14, v7  }
0x1e2: {  	v21 =	vand.u32 $0x7FFFFFFF, v9;
	v31 =	vand.u32 $0x7FFFFFFF, v8;
	v30 =	vand.u32 $0x7FFFFFFF, v10  }
0x1e3: {  	v16 =	vsub.f32 v8, v7;
	v33 =	vand.u32 $0x7FFFFFFF, v20;
	v32 =	vand.u32 $0x7FFFFFFF, v22  }
0x1e4: {  	v36 =	vsub.f32 v10, v7;
	v35 =	vand.u32 $0x7FFFFFFF, v24;
	v34 =	vand.u32 $0x7FFFFFFF, v25  }
0x1e5: {  	v18 =	vmax.f32 v18, v7;
	v38 =	vsub.f32 v22, v7;
	v37 =	vsub.f32 v24, v7  }
0x1e6: {  	v31 =	vmax.f32 v31, v7;
	v39 =	vmul.f32 $1.442695020e+00, v19;
	v40 =	vsub.f32 v25, v7  }
0x1e7: {  	v41 =	vmul.f32 $-4.000000060e-01, v18;
	v30 =	vmax.f32 v30, v7;
	v18 =	vmul.f32 $-4.000000060e-01, v31  }
0x1e8: {  	v21 =	vmax.f32 v21, v7;
	v31 =	vmul.f32 $1.442695020e+00, v40;
	(erf) = vpow2.f32 v39  }
0x1e9: {  	v33 =	vmax.f32 v33, v7;
	v30 =	vmul.f32 $-4.000000060e-01, v30;
	v39 =	vmul.f32 $-4.000000060e-01, v21  }
0x1ea: {  	v32 =	vmax.f32 v32, v7;
	v21 =	vmul.f32 $1.442695020e+00, v37;
	(erf) = vpow2.f32 v31  }
0x1eb: {  	v33 =	vmul.f32 $-4.000000060e-01, v33;
	v31 =	vmul.f32 $-4.000000060e-01, v32;
	v32 =	vsub.f32 v20, v7  }
0x1ec: {  	v35 =	vmax.f32 v35, v7;
	v42 =	vmul.f32 $1.442695020e+00, v38;
	(erf) = vpow2.f32 v21  }
0x1ed: {  	v43 =	vsub.f32 v9, v7;
	v44 =	vmul.f32 $1.442695020e+00, v16;
	v35 =	vmul.f32 $-4.000000060e-01, v35  }
0x1ee: {  	s2 =	sadd.s32 $0x1, s29;
	v34 =	vmax.f32 v34, v7;
	v45 =	vmul.f32 $1.442695020e+00, v32;
	(erf) = vpow2.f32 v42  }
0x1ef: {  	v34 =	vmul.f32 $-4.000000060e-01, v34;
	v21 =	vadd.s32 s2, v4;
	v42 =	vmul.f32 $1.442695020e+00, v36  }
0x1f0: {  	vm1 =	vlt.f32 v19, v41;
	v19 =	vmul.f32 $1.442695020e+00, v43;
	(erf) = vpow2.f32 v45  }
0x1f1: {  	vm3 =	vlt.f32 v37, v35;
	vm2 =	vlt.f32 v40, v34;
	vm0 =	vlt.f32 v38, v31;
	v31 =	vpop (erf)  }
0x1f2: {  	v31 =	vsel vm1, $0x0, v31;
	vm1 =	vgt.f32 v14, v27;
	(erf) = vpow2.f32 v19  }
0x1f3: {  	v19 =	vadd.f32 v31, v26;
	v14 =	vsel vm1, v14, v27;
	v28 =	vsel vm1, s23, v28;
	v27 =	vpop (erf);
	s23 =	smov.u32 s29  }
0x1f4: {  	v27 =	vsel vm2, $0x0, v27;
	vm1 =	vgt.f32 v25, v14;
	(erf) = vpow2.f32 v42  }
0x1f5: {  	v19 =	vadd.f32 v27, v19;
	v14 =	vsel vm1, v25, v14;
	v27 =	vsel vm1, s26, v28;
	v26 =	vpop (erf);
	s26 =	smov.u32 s2  }
0x1f6: {  	v26 =	vsel vm3, $0x0, v26;
	vm1 =	vgt.f32 v24, v14;
	(erf) = vpow2.f32 v44  }
0x1f7: {  	v19 =	vadd.f32 v26, v19;
	v14 =	vsel vm1, v24, v14;
	v26 =	vsel vm1, s24, v27;
	v25 =	vpop (erf);
	s24 =	smov.u32 s0  }
.Ltmp5:
0x1f8: {  	vm1 =	vlt.f32 v32, v33;
	v25 =	vsel vm0, $0x0, v25;
	vm0 =	vgt.f32 v22, v14;
	(pc) =	sbr.rel @p0 .LBB2_13-.Ltmp5, $4  }
0x1f9: {  	v19 =	vadd.f32 v25, v19;
	v22 =	vsel vm0, v22, v14;
	v26 =	vsel vm0, s22, v26;
	v24 =	vpop (erf);
	s22 =	smov.u32 s31  }
0x1fa: {  	v14 =	vld.idx.msk [tilespmem:v17+s1+$0x0], $0xffff;
	v24 =	vsel vm1, $0x0, v24;
	vm0 =	vgt.f32 v20, v22;
	vm1 =	vlt.f32 v43, v39  }
0x1fb: {  	v17 =	vld.idx.msk [tilespmem:v29+s1+$0x0], $0xffff;
	v24 =	vadd.f32 v24, v19;
	v22 =	vsel vm0, v20, v22;
	v20 =	vsel vm0, s21, v26;
	v25 =	vpop (erf);
	s21 =	smov.u32 s30  }
0x1fc: {  	s29 =	sadd.s32 $0x8, s29;
	vm0 =	vlt.f32 v36, v30;
	v19 =	vld.idx.msk [tilespmem:v23+s1+$0x0], $0xffff;
	v23 =	vsel vm1, $0x0, v25;
	vm1 =	vgt.f32 v9, v22  }
0x1fd: {  	_ =	sdelay $0x3  }
0x1fe: {  	v21 =	vld.idx.msk [tilespmem:v21+s1+$0x0], $0xffff  }
0x1ff: {  	v23 =	vadd.f32 v23, v24;
	v24 =	vpop (erf)  }
0x200: {  	v9 =	vsel vm1, v9, v22;
	vm2 =	vlt.f32 v16, v18;
	v22 =	vsel vm0, $0x0, v24  }
0x201: {  	v20 =	vsel vm1, s28, v20;
	vm0 =	vgt.f32 v10, v9;
	v16 =	vadd.f32 v22, v23;
	v18 =	vpop (erf)  }
0x202: {  	v12 =	vld.idx.msk [tilespmem:v12+s1+$0x0], $0xffff;
	v9 =	vsel vm0, v10, v9;
	v10 =	vsel vm2, $0x0, v18;
	v18 =	vsub.f32 v14, v7  }
0x203: {  	vm1 =	vgt.f32 v8, v9;
	v10 =	vadd.f32 v10, v16;
	v16 =	vsub.f32 v21, v7  }
0x204: {  	v8 =	vsel vm1, v8, v9;
	v9 =	vmul.f32 $1.442695020e+00, v18  }
0x205: {  	v26 =	vmul.f32 $1.442695020e+00, v16  }
0x206: {  	v11 =	vld.idx.msk [tilespmem:v11+s1+$0x0], $0xffff;
	(erf) = vpow2.f32 v9  }
0x207: {  	v25 =	vsub.f32 v12, v7;
	(erf) = vpow2.f32 v26;
	_ =	sdelay $0x1  }
0x208: {  	v30 =	vmul.f32 $1.442695020e+00, v25  }
0x209: {  	v13 =	vld.idx.msk [tilespmem:v13+s1+$0x0], $0xffff  }
0x20a: {  	v15 =	vld.idx.msk [tilespmem:v15+s1+$0x0], $0xffff;
	v22 =	vand.u32 $0x7FFFFFFF, v14;
	v29 =	vsub.f32 v11, v7;
	(erf) = vpow2.f32 v30  }
0x20b: {  	v22 =	vmax.f32 v22, v7;
	v31 =	vand.u32 $0x7FFFFFFF, v21  }
0x20c: {  	v22 =	vmul.f32 $-4.000000060e-01, v22;
	v31 =	vmax.f32 v31, v7;
	v34 =	vmul.f32 $1.442695020e+00, v29  }
0x20d: {  	v32 =	vand.u32 $0x7FFFFFFF, v12;
	v31 =	vmul.f32 $-4.000000060e-01, v31  }
0x20e: {  	v33 =	vsub.f32 v13, v7;
	vm2 =	vlt.f32 v18, v22;
	(erf) = vpow2.f32 v34;
	v18 =	vpop (erf)  }
0x20f: {  	v35 =	vsub.f32 v15, v7;
	v18 =	vsel vm2, $0x0, v18;
	vm2 =	vlt.f32 v16, v31;
	v16 =	vpop (erf)  }
0x210: {  	v32 =	vmax.f32 v32, v7;
	v36 =	vmul.f32 $1.442695020e+00, v33;
	v16 =	vsel vm2, $0x0, v16  }
0x211: {  	v46 =	vsub.f32 v19, v7;
	v32 =	vmul.f32 $-4.000000060e-01, v32;
	v10 =	vadd.f32 v18, v10  }
0x212: {  	v27 =	vand.u32 $0x7FFFFFFF, v11;
	v47 =	vmul.f32 $1.442695020e+00, v35;
	(erf) = vpow2.f32 v36  }
0x213: {  	v22 =	vmul.f32 $1.442695020e+00, v46;
	vm2 =	vlt.f32 v25, v32;
	v10 =	vadd.f32 v16, v10;
	v16 =	vpop (erf)  }
0x214: {  	v27 =	vmax.f32 v27, v7;
	(erf) = vpow2.f32 v47;
	v16 =	vsel vm2, $0x0, v16  }
0x215: {  	v26 =	vsub.f32 v17, v7;
	(erf) = vpow2.f32 v22;
	v22 =	vmul.f32 $-4.000000060e-01, v27  }
0x216: {  	v28 =	vand.u32 $0x7FFFFFFF, v13  }
0x217: {  	v18 =	vmul.f32 $1.442695020e+00, v26;
	vm2 =	vlt.f32 v29, v22;
	v10 =	vadd.f32 v16, v10;
	v16 =	vpop (erf)  }
0x218: {  	v25 =	vmax.f32 v28, v7;
	v16 =	vsel vm2, $0x0, v16  }
0x219: {  	v23 =	vand.u32 $0x7FFFFFFF, v15;
	(erf) = vpow2.f32 v18;
	v18 =	vmul.f32 $-4.000000060e-01, v25  }
0x21a: {  	v24 =	vand.u32 $0x7FFFFFFF, v19;
	v23 =	vmax.f32 v23, v7  }
0x21b: {  	vm3 =	vlt.f32 v33, v18;
	vm2 =	vgt.f32 v14, v8;
	v10 =	vadd.f32 v16, v10;
	v16 =	vpop (erf)  }
0x21c: {  	v9 =	vand.u32 $0x7FFFFFFF, v17;
	v8 =	vsel vm2, v14, v8;
	v14 =	vsel vm3, $0x0, v16  }
0x21d: {  	v9 =	vmax.f32 v9, v7;
	v22 =	vmul.f32 $-4.000000060e-01, v23;
	v10 =	vadd.f32 v14, v10  }
0x21e: {  	v9 =	vmul.f32 $-4.000000060e-01, v9;
	v7 =	vmax.f32 v24, v7  }
0x21f: {  	v7 =	vmul.f32 $-4.000000060e-01, v7;
	vm4 =	vlt.f32 v35, v22;
	vm3 =	vgt.f32 v21, v8;
	v14 =	vpop (erf)  }
0x220: {  	v8 =	vsel vm3, v21, v8;
	v14 =	vsel vm4, $0x0, v14  }
0x221: {  	vm5 =	vlt.f32 v46, v7;
	vm14 =	vgt.f32 v12, v8;
	v7 =	vadd.f32 v14, v10;
	v10 =	vpop (erf)  }
0x222: {  	vm15 =	vlt.f32 v26, v9;
	v8 =	vsel vm14, v12, v8;
	v10 =	vsel vm5, $0x0, v10  }
0x223: {  	v14 =	vsel vm0, s18, v20;
	vm0 =	vgt.f32 v11, v8;
	v9 =	vpop (erf);
	v7 =	vadd.f32 v10, v7  }
0x224: {  	v8 =	vsel vm0, v11, v8;
	v10 =	vsel vm1, s17, v14;
	v9 =	vsel vm15, $0x0, v9  }
0x225: {  	vm1 =	vgt.f32 v13, v8;
	v10 =	vsel vm2, s23, v10;
	v7 =	vadd.f32 v9, v7  }
0x226: {  	v8 =	vsel vm1, v13, v8;
	v9 =	vsel vm3, s26, v10  }
0x227: {  	vm2 =	vgt.f32 v15, v8;
	v9 =	vsel vm14, s24, v9;
	(erf) = vrcp.f32 v7  }
0x228: {  	v8 =	vsel vm2, v15, v8;
	v7 =	vsel vm0, s22, v9  }
0x229: {  	vm0 =	vgt.f32 v19, v8;
	v7 =	vsel vm1, s21, v7  }
0x22a: {  	v11 =	vsel vm0, v19, v8;
	v7 =	vsel vm2, s25, v7  }
0x22b: {  	v8 =	vor.u32 $0x2, v5;
	v7 =	vsel vm0, s20, v7;
	vm0 =	vgt.f32 v17, v11  }
0x22c: {  	v7 =	vsel vm0, s19, v7  }
0x22d: {  	s17 =	simm.s32 $0x7;
	v9 =	vadd.s32 v4, v7  }
0x22e: {  	v12 =	vadd.s32 s17, v4;
	_ =	sdelay $0x1  }
0x22f: {  	s0 =	simm.s32 $0x0;
	[tilespmem:v8+s11+$0x0] =	vst.idx.msk $0xffff, v6;
	v6 =	vpop (erf)  }
0x230: {  	v14 =	vimm.f32 $-Inf;
	v10 =	vadd.s32 s0, v4;
	[tilespmem:v8+s12+$0x0] =	vst.idx.msk $0xffff, v6  }
0x231: {  	s2 =	simm.s32 $0x1;
	[tilespmem:v9+s0+$0x0] =	vst.idx.msk $0xffff, v14  }
0x232: {  	s18 =	simm.s32 $0x6;
	v8 =	vld.idx.msk [tilespmem:v12+s1+$0x0], $0xffff;
	v12 =	vadd.s32 s2, v4  }
0x233: {  	s28 =	simm.s32 $0x5;
	v13 =	vadd.s32 s18, v4  }
0x234: {  	s30 =	simm.s32 $0x3;
	v6 =	vadd.s32 s28, v4  }
0x235: {  	s31 =	simm.s32 $0x2;
	v16 =	vadd.s32 s30, v4;
	v19 =	vld.idx.msk [tilespmem:v10+s1+$0x0], $0xffff  }
0x236: {  	s29 =	simm.s32 $0x4;
	v18 =	vadd.s32 s31, v4  }
0x237: {  	v15 =	vadd.s32 s29, v4;
	v25 =	vld.idx.msk [tilespmem:v12+s1+$0x0], $0xffff  }
0x238: {  	v10 =	vld.idx.msk [tilespmem:v13+s1+$0x0], $0xffff  }
0x239: {  	v9 =	vld.idx.msk [tilespmem:v6+s1+$0x0], $0xffff;
	v6 =	vsel vm0, v17, v11  }
0x23a: {  	v23 =	vimm.s32 $0x0;
	s23 =	simm.s32 $0x8;
	s20 =	simm.s32 $0xE;
	s19 =	simm.s32 $0xF;
	v22 =	vld.idx.msk [tilespmem:v16+s1+$0x0], $0xffff;
	v49 =	vsub.f32 v19, v6  }
0x23b: {  	v26 =	vadd.s32 s23, v4;
	s21 =	simm.s32 $0xC;
	v27 =	vadd.s32 s20, v4;
	v48 =	vadd.s32 s19, v4;
	v24 =	vld.idx.msk [tilespmem:v18+s1+$0x0], $0xffff  }
0x23c: {  	s22 =	simm.s32 $0xB;
	s25 =	simm.s32 $0xD;
	v20 =	vld.idx.msk [tilespmem:v15+s1+$0x0], $0xffff;
	v13 =	vadd.s32 s21, v4;
	v39 =	vmul.f32 $1.442695020e+00, v49;
	v40 =	vsub.f32 v25, v6  }
0x23d: {  	v15 =	vadd.s32 s25, v4;
	v17 =	vimm.f32 $1.000000000e+00;
	v11 =	vadd.s32 s22, v4  }
0x23e: {  	v18 =	vand.u32 $0x7FFFFFFF, v19;
	(erf) = vpow2.f32 v39;
	v57 =	vmul.f32 $1.442695020e+00, v40  }
0x23f: {  	v50 =	vand.u32 $0x7FFFFFFF, v10;
	v51 =	vand.u32 $0x7FFFFFFF, v8;
	v52 =	vand.u32 $0x7FFFFFFF, v22  }
0x240: {  	v37 =	vsub.f32 v24, v6;
	v21 =	vand.u32 $0x7FFFFFFF, v9;
	(erf) = vpow2.f32 v57  }
0x241: {  	v53 =	vand.u32 $0x7FFFFFFF, v20;
	v16 =	vsub.f32 v8, v6;
	v21 =	vmax.f32 v21, v6  }
0x242: {  	v56 =	vsub.f32 v10, v6;
	v58 =	vmul.f32 $-4.000000060e-01, v21;
	v21 =	vmul.f32 $1.442695020e+00, v37  }
0x243: {  	v55 =	vand.u32 $0x7FFFFFFF, v24;
	v38 =	vsub.f32 v22, v6;
	v60 =	vsub.f32 v20, v6  }
0x244: {  	v18 =	vmax.f32 v18, v6;
	v31 =	vmax.f32 v51, v6;
	(erf) = vpow2.f32 v21  }
0x245: {  	v30 =	vmax.f32 v50, v6;
	v41 =	vmul.f32 $-4.000000060e-01, v18;
	v54 =	vand.u32 $0x7FFFFFFF, v25  }
0x246: {  	v35 =	vmax.f32 v55, v6;
	v42 =	vmul.f32 $1.442695020e+00, v38;
	v34 =	vmax.f32 v54, v6  }
0x247: {  	v18 =	vmul.f32 $-4.000000060e-01, v31;
	vm0 =	vlt.f32 v49, v41;
	v34 =	vmul.f32 $-4.000000060e-01, v34;
	v63 =	vpop (erf)  }
0x248: {  	(erf) = vpow2.f32 v42;
	v31 =	vsel vm0, $0x0, v63;
	vm0 =	vgt.f32 v19, v14  }
0x249: {  	vm1 =	vlt.f32 v40, v34;
	v14 =	vsel vm0, v19, v14;
	v19 =	vsel vm0, s0, v23;
	v23 =	vpop (erf)  }
0x24a: {  	v45 =	vmul.f32 $1.442695020e+00, v60;
	v43 =	vsub.f32 v9, v6;
	v23 =	vsel vm1, $0x0, v23  }
0x24b: {  	v33 =	vmax.f32 v53, v6;
	v35 =	vmul.f32 $-4.000000060e-01, v35;
	v17 =	vadd.f32 v31, v17  }
0x24c: {  	v32 =	vmax.f32 v52, v6;
	v62 =	vmul.f32 $1.442695020e+00, v43;
	(erf) = vpow2.f32 v45  }
0x24d: {  	v59 =	vmul.f32 $-4.000000060e-01, v32;
	vm2 =	vlt.f32 v37, v35;
	v17 =	vadd.f32 v23, v17;
	v23 =	vpop (erf)  }
0x24e: {  	v61 =	vmul.f32 $1.442695020e+00, v56;
	(erf) = vpow2.f32 v62;
	v23 =	vsel vm2, $0x0, v23  }
0x24f: {  	v33 =	vmul.f32 $-4.000000060e-01, v33;
	v44 =	vmul.f32 $1.442695020e+00, v16;
	vm0 =	vgt.f32 v25, v14  }
0x250: {  	vm3 =	vlt.f32 v38, v59;
	v14 =	vsel vm0, v25, v14;
	(erf) = vpow2.f32 v61  }
0x251: {  	v19 =	vsel vm0, s2, v19;
	vm0 =	vgt.f32 v24, v14;
	v17 =	vadd.f32 v23, v17;
	v23 =	vpop (erf)  }
0x252: {  	(erf) = vpow2.f32 v44;
	v14 =	vsel vm0, v24, v14;
	v23 =	vsel vm3, $0x0, v23  }
0x253: {  	s24 =	simm.s32 $0xA;
	v19 =	vsel vm0, s31, v19;
	vm0 =	vgt.f32 v22, v14;
	v23 =	vadd.f32 v23, v17  }
0x254: {  	v12 =	vadd.s32 s24, v4;
	v30 =	vmul.f32 $-4.000000060e-01, v30;
	v22 =	vsel vm0, v22, v14  }
0x255: {  	s26 =	simm.s32 $0x9;
	vm1 =	vlt.f32 v60, v33;
	v19 =	vsel vm0, s30, v19;
	vm0 =	vgt.f32 v20, v22;
	v17 =	vpop (erf)  }
0x256: {  	v21 =	vadd.s32 s26, v4;
	v14 =	vld.idx.msk [tilespmem:v26+s1+$0x0], $0xffff;
	v22 =	vsel vm0, v20, v22;
	v24 =	vsel vm1, $0x0, v17  }
0x257: {  	v20 =	vsel vm0, s29, v19;
	v19 =	vld.idx.msk [tilespmem:v27+s1+$0x0], $0xffff;
	vm1 =	vlt.f32 v43, v58;
	v24 =	vadd.f32 v24, v23;
	v23 =	vpop (erf)  }
0x258: {  	s29 =	simm.s32 $0x10;
	vm0 =	vlt.f32 v56, v30;
	v17 =	vld.idx.msk [tilespmem:v48+s1+$0x0], $0xffff;
	v23 =	vsel vm1, $0x0, v23;
	vm1 =	vgt.f32 v9, v22  }
.LBB2_15:
0x259: {  	p0 =	slt.u32 s29, $0x38;
	v23 =	vadd.f32 v23, v24;
	v24 =	vsel vm1, v9, v22;
	v9 =	vld.idx.msk [tilespmem:v15+s1+$0x0], $0xffff;
	v25 =	vsel vm1, s28, v20;
	v22 =	vpop (erf);
	s28 =	smov.u32 s25  }
0x25a: {  	vm1 =	vlt.f32 v16, v18;
	v20 =	vld.idx.msk [tilespmem:v13+s1+$0x0], $0xffff;
	v13 =	vsel vm0, $0x0, v22;
	vm0 =	vgt.f32 v10, v24  }
0x25b: {  	v22 =	vld.idx.msk [tilespmem:v11+s1+$0x0], $0xffff;
	v11 =	vadd.f32 v13, v23;
	v10 =	vsel vm0, v10, v24;
	v13 =	vsel vm0, s18, v25;
	v15 =	vpop (erf);
	s18 =	smov.u32 s20  }
0x25c: {  	v24 =	vld.idx.msk [tilespmem:v12+s1+$0x0], $0xffff;
	v12 =	vsel vm1, $0x0, v15;
	vm0 =	vgt.f32 v8, v10  }
0x25d: {  	s20 =	sadd.s32 $0x6, s29;
	v25 =	vld.idx.msk [tilespmem:v21+s1+$0x0], $0xffff;
	v26 =	vadd.f32 v12, v11;
	v27 =	vsel vm0, v8, v10;
	v28 =	vsel vm0, s17, v13;
	v8 =	vmovc v17;
	s17 =	smov.u32 s19;
	s19 =	sadd.s32 $0x7, s29  }
0x25e: {  	s31 =	sadd.s32 $0x3, s29;
	s30 =	sadd.s32 $0x4, s29;
	s25 =	sadd.s32 $0x5, s29;
	v23 =	vadd.s32 s20, v4;
	v17 =	vadd.s32 s29, v4;
	v29 =	vadd.s32 s19, v4;
	v10 =	vmovc v19  }
0x25f: {  	s0 =	sadd.s32 $0x2, s29;
	v15 =	vadd.s32 s25, v4;
	v11 =	vadd.s32 s31, v4;
	v13 =	vadd.s32 s30, v4  }
0x260: {  	v18 =	vand.u32 $0x7FFFFFFF, v14;
	v12 =	vadd.s32 s0, v4;
	v19 =	vsub.f32 v14, v6  }
0x261: {  	v21 =	vand.u32 $0x7FFFFFFF, v9;
	v31 =	vand.u32 $0x7FFFFFFF, v8;
	v30 =	vand.u32 $0x7FFFFFFF, v10  }
0x262: {  	v16 =	vsub.f32 v8, v6;
	v33 =	vand.u32 $0x7FFFFFFF, v20;
	v32 =	vand.u32 $0x7FFFFFFF, v22  }
0x263: {  	v36 =	vsub.f32 v10, v6;
	v35 =	vand.u32 $0x7FFFFFFF, v24;
	v34 =	vand.u32 $0x7FFFFFFF, v25  }
0x264: {  	v18 =	vmax.f32 v18, v6;
	v38 =	vsub.f32 v22, v6;
	v37 =	vsub.f32 v24, v6  }
0x265: {  	v31 =	vmax.f32 v31, v6;
	v39 =	vmul.f32 $1.442695020e+00, v19;
	v40 =	vsub.f32 v25, v6  }
0x266: {  	v41 =	vmul.f32 $-4.000000060e-01, v18;
	v30 =	vmax.f32 v30, v6;
	v18 =	vmul.f32 $-4.000000060e-01, v31  }
0x267: {  	v21 =	vmax.f32 v21, v6;
	v31 =	vmul.f32 $1.442695020e+00, v40;
	(erf) = vpow2.f32 v39  }
0x268: {  	v33 =	vmax.f32 v33, v6;
	v30 =	vmul.f32 $-4.000000060e-01, v30;
	v39 =	vmul.f32 $-4.000000060e-01, v21  }
0x269: {  	v32 =	vmax.f32 v32, v6;
	v21 =	vmul.f32 $1.442695020e+00, v37;
	(erf) = vpow2.f32 v31  }
0x26a: {  	v33 =	vmul.f32 $-4.000000060e-01, v33;
	v31 =	vmul.f32 $-4.000000060e-01, v32;
	v32 =	vsub.f32 v20, v6  }
0x26b: {  	v35 =	vmax.f32 v35, v6;
	v42 =	vmul.f32 $1.442695020e+00, v38;
	(erf) = vpow2.f32 v21  }
0x26c: {  	v43 =	vsub.f32 v9, v6;
	v44 =	vmul.f32 $1.442695020e+00, v16;
	v35 =	vmul.f32 $-4.000000060e-01, v35  }
0x26d: {  	s2 =	sadd.s32 $0x1, s29;
	v34 =	vmax.f32 v34, v6;
	v45 =	vmul.f32 $1.442695020e+00, v32;
	(erf) = vpow2.f32 v42  }
0x26e: {  	v34 =	vmul.f32 $-4.000000060e-01, v34;
	v21 =	vadd.s32 s2, v4;
	v42 =	vmul.f32 $1.442695020e+00, v36  }
0x26f: {  	vm1 =	vlt.f32 v19, v41;
	v19 =	vmul.f32 $1.442695020e+00, v43;
	(erf) = vpow2.f32 v45  }
0x270: {  	vm3 =	vlt.f32 v37, v35;
	vm2 =	vlt.f32 v40, v34;
	vm0 =	vlt.f32 v38, v31;
	v31 =	vpop (erf)  }
0x271: {  	v31 =	vsel vm1, $0x0, v31;
	vm1 =	vgt.f32 v14, v27;
	(erf) = vpow2.f32 v19  }
0x272: {  	v19 =	vadd.f32 v31, v26;
	v14 =	vsel vm1, v14, v27;
	v28 =	vsel vm1, s23, v28;
	v27 =	vpop (erf);
	s23 =	smov.u32 s29  }
0x273: {  	v27 =	vsel vm2, $0x0, v27;
	vm1 =	vgt.f32 v25, v14;
	(erf) = vpow2.f32 v42  }
0x274: {  	v19 =	vadd.f32 v27, v19;
	v14 =	vsel vm1, v25, v14;
	v27 =	vsel vm1, s26, v28;
	v26 =	vpop (erf);
	s26 =	smov.u32 s2  }
0x275: {  	v26 =	vsel vm3, $0x0, v26;
	vm1 =	vgt.f32 v24, v14;
	(erf) = vpow2.f32 v44  }
0x276: {  	v19 =	vadd.f32 v26, v19;
	v14 =	vsel vm1, v24, v14;
	v26 =	vsel vm1, s24, v27;
	v25 =	vpop (erf);
	s24 =	smov.u32 s0  }
.Ltmp6:
0x277: {  	vm1 =	vlt.f32 v32, v33;
	v25 =	vsel vm0, $0x0, v25;
	vm0 =	vgt.f32 v22, v14;
	(pc) =	sbr.rel @p0 .LBB2_15-.Ltmp6, $4  }
0x278: {  	v19 =	vadd.f32 v25, v19;
	v22 =	vsel vm0, v22, v14;
	v26 =	vsel vm0, s22, v26;
	v24 =	vpop (erf);
	s22 =	smov.u32 s31  }
0x279: {  	v14 =	vld.idx.msk [tilespmem:v17+s1+$0x0], $0xffff;
	v24 =	vsel vm1, $0x0, v24;
	vm0 =	vgt.f32 v20, v22;
	vm1 =	vlt.f32 v43, v39  }
0x27a: {  	v17 =	vld.idx.msk [tilespmem:v29+s1+$0x0], $0xffff;
	v24 =	vadd.f32 v24, v19;
	v22 =	vsel vm0, v20, v22;
	v20 =	vsel vm0, s21, v26;
	v25 =	vpop (erf);
	s21 =	smov.u32 s30  }
0x27b: {  	s29 =	sadd.s32 $0x8, s29;
	vm0 =	vlt.f32 v36, v30;
	v19 =	vld.idx.msk [tilespmem:v23+s1+$0x0], $0xffff;
	v23 =	vsel vm1, $0x0, v25;
	vm1 =	vgt.f32 v9, v22  }
0x27c: {  	_ =	sdelay $0x3  }
0x27d: {  	v21 =	vld.idx.msk [tilespmem:v21+s1+$0x0], $0xffff  }
0x27e: {  	v23 =	vadd.f32 v23, v24;
	v24 =	vpop (erf)  }
0x27f: {  	v9 =	vsel vm1, v9, v22;
	vm2 =	vlt.f32 v16, v18;
	v22 =	vsel vm0, $0x0, v24  }
0x280: {  	v20 =	vsel vm1, s28, v20;
	vm0 =	vgt.f32 v10, v9;
	v16 =	vadd.f32 v22, v23;
	v18 =	vpop (erf)  }
0x281: {  	v12 =	vld.idx.msk [tilespmem:v12+s1+$0x0], $0xffff;
	v9 =	vsel vm0, v10, v9;
	v10 =	vsel vm2, $0x0, v18;
	v18 =	vsub.f32 v14, v6  }
0x282: {  	vm1 =	vgt.f32 v8, v9;
	v10 =	vadd.f32 v10, v16;
	v16 =	vsub.f32 v21, v6  }
0x283: {  	v8 =	vsel vm1, v8, v9;
	v9 =	vmul.f32 $1.442695020e+00, v18  }
0x284: {  	v26 =	vmul.f32 $1.442695020e+00, v16  }
0x285: {  	v11 =	vld.idx.msk [tilespmem:v11+s1+$0x0], $0xffff;
	(erf) = vpow2.f32 v9  }
0x286: {  	v25 =	vsub.f32 v12, v6;
	(erf) = vpow2.f32 v26;
	_ =	sdelay $0x1  }
0x287: {  	v30 =	vmul.f32 $1.442695020e+00, v25  }
0x288: {  	v13 =	vld.idx.msk [tilespmem:v13+s1+$0x0], $0xffff  }
0x289: {  	v15 =	vld.idx.msk [tilespmem:v15+s1+$0x0], $0xffff;
	v22 =	vand.u32 $0x7FFFFFFF, v14;
	v29 =	vsub.f32 v11, v6;
	(erf) = vpow2.f32 v30  }
0x28a: {  	v22 =	vmax.f32 v22, v6;
	v31 =	vand.u32 $0x7FFFFFFF, v21  }
0x28b: {  	v22 =	vmul.f32 $-4.000000060e-01, v22;
	v31 =	vmax.f32 v31, v6;
	v34 =	vmul.f32 $1.442695020e+00, v29  }
0x28c: {  	v32 =	vand.u32 $0x7FFFFFFF, v12;
	v31 =	vmul.f32 $-4.000000060e-01, v31  }
0x28d: {  	v33 =	vsub.f32 v13, v6;
	vm2 =	vlt.f32 v18, v22;
	(erf) = vpow2.f32 v34;
	v18 =	vpop (erf)  }
0x28e: {  	v35 =	vsub.f32 v15, v6;
	v18 =	vsel vm2, $0x0, v18;
	vm2 =	vlt.f32 v16, v31;
	v16 =	vpop (erf)  }
0x28f: {  	v32 =	vmax.f32 v32, v6;
	v36 =	vmul.f32 $1.442695020e+00, v33;
	v16 =	vsel vm2, $0x0, v16  }
0x290: {  	v46 =	vsub.f32 v19, v6;
	v32 =	vmul.f32 $-4.000000060e-01, v32;
	v10 =	vadd.f32 v18, v10  }
0x291: {  	v27 =	vand.u32 $0x7FFFFFFF, v11;
	v47 =	vmul.f32 $1.442695020e+00, v35;
	(erf) = vpow2.f32 v36  }
0x292: {  	v22 =	vmul.f32 $1.442695020e+00, v46;
	vm2 =	vlt.f32 v25, v32;
	v10 =	vadd.f32 v16, v10;
	v16 =	vpop (erf)  }
0x293: {  	v27 =	vmax.f32 v27, v6;
	(erf) = vpow2.f32 v47;
	v16 =	vsel vm2, $0x0, v16  }
0x294: {  	v26 =	vsub.f32 v17, v6;
	(erf) = vpow2.f32 v22;
	v22 =	vmul.f32 $-4.000000060e-01, v27  }
0x295: {  	v28 =	vand.u32 $0x7FFFFFFF, v13  }
0x296: {  	v18 =	vmul.f32 $1.442695020e+00, v26;
	vm2 =	vlt.f32 v29, v22;
	v10 =	vadd.f32 v16, v10;
	v16 =	vpop (erf)  }
0x297: {  	v25 =	vmax.f32 v28, v6;
	v16 =	vsel vm2, $0x0, v16  }
0x298: {  	v23 =	vand.u32 $0x7FFFFFFF, v15;
	(erf) = vpow2.f32 v18;
	v18 =	vmul.f32 $-4.000000060e-01, v25  }
0x299: {  	v24 =	vand.u32 $0x7FFFFFFF, v19;
	v23 =	vmax.f32 v23, v6  }
0x29a: {  	vm3 =	vlt.f32 v33, v18;
	vm2 =	vgt.f32 v14, v8;
	v10 =	vadd.f32 v16, v10;
	v16 =	vpop (erf)  }
0x29b: {  	v9 =	vand.u32 $0x7FFFFFFF, v17;
	v8 =	vsel vm2, v14, v8;
	v14 =	vsel vm3, $0x0, v16  }
0x29c: {  	v9 =	vmax.f32 v9, v6;
	v22 =	vmul.f32 $-4.000000060e-01, v23;
	v10 =	vadd.f32 v14, v10  }
0x29d: {  	v9 =	vmul.f32 $-4.000000060e-01, v9;
	v6 =	vmax.f32 v24, v6  }
0x29e: {  	v6 =	vmul.f32 $-4.000000060e-01, v6;
	vm4 =	vlt.f32 v35, v22;
	vm3 =	vgt.f32 v21, v8;
	v14 =	vpop (erf)  }
0x29f: {  	v8 =	vsel vm3, v21, v8;
	v14 =	vsel vm4, $0x0, v14  }
0x2a0: {  	vm5 =	vlt.f32 v46, v6;
	vm14 =	vgt.f32 v12, v8;
	v6 =	vadd.f32 v14, v10;
	v10 =	vpop (erf)  }
0x2a1: {  	vm15 =	vlt.f32 v26, v9;
	v8 =	vsel vm14, v12, v8;
	v10 =	vsel vm5, $0x0, v10  }
0x2a2: {  	v14 =	vsel vm0, s18, v20;
	vm0 =	vgt.f32 v11, v8;
	v9 =	vpop (erf);
	v6 =	vadd.f32 v10, v6  }
0x2a3: {  	v8 =	vsel vm0, v11, v8;
	v10 =	vsel vm1, s17, v14;
	v9 =	vsel vm15, $0x0, v9  }
0x2a4: {  	vm1 =	vgt.f32 v13, v8;
	v10 =	vsel vm2, s23, v10;
	v6 =	vadd.f32 v9, v6  }
0x2a5: {  	v8 =	vsel vm1, v13, v8;
	v9 =	vsel vm3, s26, v10  }
0x2a6: {  	vm2 =	vgt.f32 v15, v8;
	v9 =	vsel vm14, s24, v9;
	(erf) = vrcp.f32 v6  }
0x2a7: {  	v8 =	vsel vm2, v15, v8;
	v6 =	vsel vm0, s22, v9  }
0x2a8: {  	vm0 =	vgt.f32 v19, v8;
	v6 =	vsel vm1, s21, v6  }
0x2a9: {  	v11 =	vsel vm0, v19, v8;
	v6 =	vsel vm2, s25, v6  }
0x2aa: {  	v8 =	vor.u32 $0x3, v5;
	v6 =	vsel vm0, s20, v6;
	vm0 =	vgt.f32 v17, v11  }
0x2ab: {  	v6 =	vsel vm0, s19, v6  }
0x2ac: {  	s17 =	simm.s32 $0x7;
	v9 =	vadd.s32 v4, v6  }
0x2ad: {  	v12 =	vadd.s32 s17, v4;
	_ =	sdelay $0x1  }
0x2ae: {  	s0 =	simm.s32 $0x0;
	[tilespmem:v8+s11+$0x0] =	vst.idx.msk $0xffff, v7;
	v7 =	vpop (erf)  }
0x2af: {  	v14 =	vimm.f32 $-Inf;
	v10 =	vadd.s32 s0, v4;
	[tilespmem:v8+s12+$0x0] =	vst.idx.msk $0xffff, v7  }
0x2b0: {  	s2 =	simm.s32 $0x1;
	[tilespmem:v9+s0+$0x0] =	vst.idx.msk $0xffff, v14  }
0x2b1: {  	s18 =	simm.s32 $0x6;
	v8 =	vld.idx.msk [tilespmem:v12+s1+$0x0], $0xffff;
	v12 =	vadd.s32 s2, v4  }
0x2b2: {  	s28 =	simm.s32 $0x5;
	v13 =	vadd.s32 s18, v4  }
0x2b3: {  	s30 =	simm.s32 $0x3;
	v7 =	vadd.s32 s28, v4  }
0x2b4: {  	s31 =	simm.s32 $0x2;
	v16 =	vadd.s32 s30, v4;
	v19 =	vld.idx.msk [tilespmem:v10+s1+$0x0], $0xffff  }
0x2b5: {  	s29 =	simm.s32 $0x4;
	v18 =	vadd.s32 s31, v4  }
0x2b6: {  	v15 =	vadd.s32 s29, v4;
	v25 =	vld.idx.msk [tilespmem:v12+s1+$0x0], $0xffff  }
0x2b7: {  	v10 =	vld.idx.msk [tilespmem:v13+s1+$0x0], $0xffff  }
0x2b8: {  	v9 =	vld.idx.msk [tilespmem:v7+s1+$0x0], $0xffff;
	v7 =	vsel vm0, v17, v11  }
0x2b9: {  	v23 =	vimm.s32 $0x0;
	s23 =	simm.s32 $0x8;
	s20 =	simm.s32 $0xE;
	s19 =	simm.s32 $0xF;
	v22 =	vld.idx.msk [tilespmem:v16+s1+$0x0], $0xffff;
	v49 =	vsub.f32 v19, v7  }
0x2ba: {  	v26 =	vadd.s32 s23, v4;
	s21 =	simm.s32 $0xC;
	v27 =	vadd.s32 s20, v4;
	v48 =	vadd.s32 s19, v4;
	v24 =	vld.idx.msk [tilespmem:v18+s1+$0x0], $0xffff  }
0x2bb: {  	s22 =	simm.s32 $0xB;
	s25 =	simm.s32 $0xD;
	v20 =	vld.idx.msk [tilespmem:v15+s1+$0x0], $0xffff;
	v13 =	vadd.s32 s21, v4;
	v39 =	vmul.f32 $1.442695020e+00, v49;
	v40 =	vsub.f32 v25, v7  }
0x2bc: {  	v15 =	vadd.s32 s25, v4;
	v17 =	vimm.f32 $1.000000000e+00;
	v11 =	vadd.s32 s22, v4  }
0x2bd: {  	v18 =	vand.u32 $0x7FFFFFFF, v19;
	(erf) = vpow2.f32 v39;
	v57 =	vmul.f32 $1.442695020e+00, v40  }
0x2be: {  	v50 =	vand.u32 $0x7FFFFFFF, v10;
	v51 =	vand.u32 $0x7FFFFFFF, v8;
	v52 =	vand.u32 $0x7FFFFFFF, v22  }
0x2bf: {  	v37 =	vsub.f32 v24, v7;
	v21 =	vand.u32 $0x7FFFFFFF, v9;
	(erf) = vpow2.f32 v57  }
0x2c0: {  	v53 =	vand.u32 $0x7FFFFFFF, v20;
	v16 =	vsub.f32 v8, v7;
	v21 =	vmax.f32 v21, v7  }
0x2c1: {  	v56 =	vsub.f32 v10, v7;
	v58 =	vmul.f32 $-4.000000060e-01, v21;
	v21 =	vmul.f32 $1.442695020e+00, v37  }
0x2c2: {  	v55 =	vand.u32 $0x7FFFFFFF, v24;
	v38 =	vsub.f32 v22, v7;
	v60 =	vsub.f32 v20, v7  }
0x2c3: {  	v18 =	vmax.f32 v18, v7;
	v31 =	vmax.f32 v51, v7;
	(erf) = vpow2.f32 v21  }
0x2c4: {  	v30 =	vmax.f32 v50, v7;
	v41 =	vmul.f32 $-4.000000060e-01, v18;
	v54 =	vand.u32 $0x7FFFFFFF, v25  }
0x2c5: {  	v35 =	vmax.f32 v55, v7;
	v42 =	vmul.f32 $1.442695020e+00, v38;
	v34 =	vmax.f32 v54, v7  }
0x2c6: {  	v18 =	vmul.f32 $-4.000000060e-01, v31;
	vm0 =	vlt.f32 v49, v41;
	v34 =	vmul.f32 $-4.000000060e-01, v34;
	v63 =	vpop (erf)  }
0x2c7: {  	(erf) = vpow2.f32 v42;
	v31 =	vsel vm0, $0x0, v63;
	vm0 =	vgt.f32 v19, v14  }
0x2c8: {  	vm1 =	vlt.f32 v40, v34;
	v14 =	vsel vm0, v19, v14;
	v19 =	vsel vm0, s0, v23;
	v23 =	vpop (erf)  }
0x2c9: {  	v45 =	vmul.f32 $1.442695020e+00, v60;
	v43 =	vsub.f32 v9, v7;
	v23 =	vsel vm1, $0x0, v23  }
0x2ca: {  	v33 =	vmax.f32 v53, v7;
	v35 =	vmul.f32 $-4.000000060e-01, v35;
	v17 =	vadd.f32 v31, v17  }
0x2cb: {  	v32 =	vmax.f32 v52, v7;
	v62 =	vmul.f32 $1.442695020e+00, v43;
	(erf) = vpow2.f32 v45  }
0x2cc: {  	v59 =	vmul.f32 $-4.000000060e-01, v32;
	vm2 =	vlt.f32 v37, v35;
	v17 =	vadd.f32 v23, v17;
	v23 =	vpop (erf)  }
0x2cd: {  	v61 =	vmul.f32 $1.442695020e+00, v56;
	(erf) = vpow2.f32 v62;
	v23 =	vsel vm2, $0x0, v23  }
0x2ce: {  	v33 =	vmul.f32 $-4.000000060e-01, v33;
	v44 =	vmul.f32 $1.442695020e+00, v16;
	vm0 =	vgt.f32 v25, v14  }
0x2cf: {  	vm3 =	vlt.f32 v38, v59;
	v14 =	vsel vm0, v25, v14;
	(erf) = vpow2.f32 v61  }
0x2d0: {  	v19 =	vsel vm0, s2, v19;
	vm0 =	vgt.f32 v24, v14;
	v17 =	vadd.f32 v23, v17;
	v23 =	vpop (erf)  }
0x2d1: {  	(erf) = vpow2.f32 v44;
	v14 =	vsel vm0, v24, v14;
	v23 =	vsel vm3, $0x0, v23  }
0x2d2: {  	s24 =	simm.s32 $0xA;
	v19 =	vsel vm0, s31, v19;
	vm0 =	vgt.f32 v22, v14;
	v23 =	vadd.f32 v23, v17  }
0x2d3: {  	v12 =	vadd.s32 s24, v4;
	v30 =	vmul.f32 $-4.000000060e-01, v30;
	v22 =	vsel vm0, v22, v14  }
0x2d4: {  	s26 =	simm.s32 $0x9;
	vm1 =	vlt.f32 v60, v33;
	v19 =	vsel vm0, s30, v19;
	vm0 =	vgt.f32 v20, v22;
	v17 =	vpop (erf)  }
0x2d5: {  	v21 =	vadd.s32 s26, v4;
	v14 =	vld.idx.msk [tilespmem:v26+s1+$0x0], $0xffff;
	v22 =	vsel vm0, v20, v22;
	v24 =	vsel vm1, $0x0, v17  }
0x2d6: {  	v20 =	vsel vm0, s29, v19;
	v19 =	vld.idx.msk [tilespmem:v27+s1+$0x0], $0xffff;
	vm1 =	vlt.f32 v43, v58;
	v24 =	vadd.f32 v24, v23;
	v23 =	vpop (erf)  }
0x2d7: {  	s29 =	simm.s32 $0x10;
	vm0 =	vlt.f32 v56, v30;
	v17 =	vld.idx.msk [tilespmem:v48+s1+$0x0], $0xffff;
	v23 =	vsel vm1, $0x0, v23;
	vm1 =	vgt.f32 v9, v22  }
.LBB2_17:
0x2d8: {  	p0 =	slt.u32 s29, $0x38;
	v23 =	vadd.f32 v23, v24;
	v24 =	vsel vm1, v9, v22;
	v9 =	vld.idx.msk [tilespmem:v15+s1+$0x0], $0xffff;
	v25 =	vsel vm1, s28, v20;
	v22 =	vpop (erf);
	s28 =	smov.u32 s25  }
0x2d9: {  	vm1 =	vlt.f32 v16, v18;
	v20 =	vld.idx.msk [tilespmem:v13+s1+$0x0], $0xffff;
	v13 =	vsel vm0, $0x0, v22;
	vm0 =	vgt.f32 v10, v24  }
0x2da: {  	v22 =	vld.idx.msk [tilespmem:v11+s1+$0x0], $0xffff;
	v11 =	vadd.f32 v13, v23;
	v10 =	vsel vm0, v10, v24;
	v13 =	vsel vm0, s18, v25;
	v15 =	vpop (erf);
	s18 =	smov.u32 s20  }
0x2db: {  	v24 =	vld.idx.msk [tilespmem:v12+s1+$0x0], $0xffff;
	v12 =	vsel vm1, $0x0, v15;
	vm0 =	vgt.f32 v8, v10  }
0x2dc: {  	s20 =	sadd.s32 $0x6, s29;
	v25 =	vld.idx.msk [tilespmem:v21+s1+$0x0], $0xffff;
	v26 =	vadd.f32 v12, v11;
	v27 =	vsel vm0, v8, v10;
	v28 =	vsel vm0, s17, v13;
	v8 =	vmovc v17;
	s17 =	smov.u32 s19;
	s19 =	sadd.s32 $0x7, s29  }
0x2dd: {  	s31 =	sadd.s32 $0x3, s29;
	s30 =	sadd.s32 $0x4, s29;
	s25 =	sadd.s32 $0x5, s29;
	v23 =	vadd.s32 s20, v4;
	v17 =	vadd.s32 s29, v4;
	v29 =	vadd.s32 s19, v4;
	v10 =	vmovc v19  }
0x2de: {  	s0 =	sadd.s32 $0x2, s29;
	v15 =	vadd.s32 s25, v4;
	v11 =	vadd.s32 s31, v4;
	v13 =	vadd.s32 s30, v4  }
0x2df: {  	v18 =	vand.u32 $0x7FFFFFFF, v14;
	v12 =	vadd.s32 s0, v4;
	v19 =	vsub.f32 v14, v7  }
0x2e0: {  	v21 =	vand.u32 $0x7FFFFFFF, v9;
	v31 =	vand.u32 $0x7FFFFFFF, v8;
	v30 =	vand.u32 $0x7FFFFFFF, v10  }
0x2e1: {  	v16 =	vsub.f32 v8, v7;
	v33 =	vand.u32 $0x7FFFFFFF, v20;
	v32 =	vand.u32 $0x7FFFFFFF, v22  }
0x2e2: {  	v36 =	vsub.f32 v10, v7;
	v35 =	vand.u32 $0x7FFFFFFF, v24;
	v34 =	vand.u32 $0x7FFFFFFF, v25  }
0x2e3: {  	v18 =	vmax.f32 v18, v7;
	v38 =	vsub.f32 v22, v7;
	v37 =	vsub.f32 v24, v7  }
0x2e4: {  	v31 =	vmax.f32 v31, v7;
	v39 =	vmul.f32 $1.442695020e+00, v19;
	v40 =	vsub.f32 v25, v7  }
0x2e5: {  	v41 =	vmul.f32 $-4.000000060e-01, v18;
	v30 =	vmax.f32 v30, v7;
	v18 =	vmul.f32 $-4.000000060e-01, v31  }
0x2e6: {  	v21 =	vmax.f32 v21, v7;
	v31 =	vmul.f32 $1.442695020e+00, v40;
	(erf) = vpow2.f32 v39  }
0x2e7: {  	v33 =	vmax.f32 v33, v7;
	v30 =	vmul.f32 $-4.000000060e-01, v30;
	v39 =	vmul.f32 $-4.000000060e-01, v21  }
0x2e8: {  	v32 =	vmax.f32 v32, v7;
	v21 =	vmul.f32 $1.442695020e+00, v37;
	(erf) = vpow2.f32 v31  }
0x2e9: {  	v33 =	vmul.f32 $-4.000000060e-01, v33;
	v31 =	vmul.f32 $-4.000000060e-01, v32;
	v32 =	vsub.f32 v20, v7  }
0x2ea: {  	v35 =	vmax.f32 v35, v7;
	v42 =	vmul.f32 $1.442695020e+00, v38;
	(erf) = vpow2.f32 v21  }
0x2eb: {  	v43 =	vsub.f32 v9, v7;
	v44 =	vmul.f32 $1.442695020e+00, v16;
	v35 =	vmul.f32 $-4.000000060e-01, v35  }
0x2ec: {  	s2 =	sadd.s32 $0x1, s29;
	v34 =	vmax.f32 v34, v7;
	v45 =	vmul.f32 $1.442695020e+00, v32;
	(erf) = vpow2.f32 v42  }
0x2ed: {  	v34 =	vmul.f32 $-4.000000060e-01, v34;
	v21 =	vadd.s32 s2, v4;
	v42 =	vmul.f32 $1.442695020e+00, v36  }
0x2ee: {  	vm1 =	vlt.f32 v19, v41;
	v19 =	vmul.f32 $1.442695020e+00, v43;
	(erf) = vpow2.f32 v45  }
0x2ef: {  	vm3 =	vlt.f32 v37, v35;
	vm2 =	vlt.f32 v40, v34;
	vm0 =	vlt.f32 v38, v31;
	v31 =	vpop (erf)  }
0x2f0: {  	v31 =	vsel vm1, $0x0, v31;
	vm1 =	vgt.f32 v14, v27;
	(erf) = vpow2.f32 v19  }
0x2f1: {  	v19 =	vadd.f32 v31, v26;
	v14 =	vsel vm1, v14, v27;
	v28 =	vsel vm1, s23, v28;
	v27 =	vpop (erf);
	s23 =	smov.u32 s29  }
0x2f2: {  	v27 =	vsel vm2, $0x0, v27;
	vm1 =	vgt.f32 v25, v14;
	(erf) = vpow2.f32 v42  }
0x2f3: {  	v19 =	vadd.f32 v27, v19;
	v14 =	vsel vm1, v25, v14;
	v27 =	vsel vm1, s26, v28;
	v26 =	vpop (erf);
	s26 =	smov.u32 s2  }
0x2f4: {  	v26 =	vsel vm3, $0x0, v26;
	vm1 =	vgt.f32 v24, v14;
	(erf) = vpow2.f32 v44  }
0x2f5: {  	v19 =	vadd.f32 v26, v19;
	v14 =	vsel vm1, v24, v14;
	v26 =	vsel vm1, s24, v27;
	v25 =	vpop (erf);
	s24 =	smov.u32 s0  }
.Ltmp7:
0x2f6: {  	vm1 =	vlt.f32 v32, v33;
	v25 =	vsel vm0, $0x0, v25;
	vm0 =	vgt.f32 v22, v14;
	(pc) =	sbr.rel @p0 .LBB2_17-.Ltmp7, $4  }
0x2f7: {  	v19 =	vadd.f32 v25, v19;
	v22 =	vsel vm0, v22, v14;
	v26 =	vsel vm0, s22, v26;
	v24 =	vpop (erf);
	s22 =	smov.u32 s31  }
0x2f8: {  	v14 =	vld.idx.msk [tilespmem:v17+s1+$0x0], $0xffff;
	v24 =	vsel vm1, $0x0, v24;
	vm0 =	vgt.f32 v20, v22;
	vm1 =	vlt.f32 v43, v39  }
0x2f9: {  	v17 =	vld.idx.msk [tilespmem:v29+s1+$0x0], $0xffff;
	v24 =	vadd.f32 v24, v19;
	v22 =	vsel vm0, v20, v22;
	v20 =	vsel vm0, s21, v26;
	v25 =	vpop (erf);
	s21 =	smov.u32 s30  }
0x2fa: {  	s29 =	sadd.s32 $0x8, s29;
	vm0 =	vlt.f32 v36, v30;
	v19 =	vld.idx.msk [tilespmem:v23+s1+$0x0], $0xffff;
	v23 =	vsel vm1, $0x0, v25;
	vm1 =	vgt.f32 v9, v22  }
0x2fb: {  	_ =	sdelay $0x3  }
0x2fc: {  	v21 =	vld.idx.msk [tilespmem:v21+s1+$0x0], $0xffff  }
0x2fd: {  	v23 =	vadd.f32 v23, v24;
	v24 =	vpop (erf)  }
0x2fe: {  	v9 =	vsel vm1, v9, v22;
	vm2 =	vlt.f32 v16, v18;
	v22 =	vsel vm0, $0x0, v24  }
0x2ff: {  	v20 =	vsel vm1, s28, v20;
	vm0 =	vgt.f32 v10, v9;
	v16 =	vadd.f32 v22, v23;
	v18 =	vpop (erf)  }
0x300: {  	v12 =	vld.idx.msk [tilespmem:v12+s1+$0x0], $0xffff;
	v9 =	vsel vm0, v10, v9;
	v10 =	vsel vm2, $0x0, v18;
	v18 =	vsub.f32 v14, v7  }
0x301: {  	vm1 =	vgt.f32 v8, v9;
	v10 =	vadd.f32 v10, v16;
	v16 =	vsub.f32 v21, v7  }
0x302: {  	v8 =	vsel vm1, v8, v9;
	v9 =	vmul.f32 $1.442695020e+00, v18  }
0x303: {  	v26 =	vmul.f32 $1.442695020e+00, v16  }
0x304: {  	v11 =	vld.idx.msk [tilespmem:v11+s1+$0x0], $0xffff;
	(erf) = vpow2.f32 v9  }
0x305: {  	v25 =	vsub.f32 v12, v7;
	(erf) = vpow2.f32 v26;
	_ =	sdelay $0x1  }
0x306: {  	v30 =	vmul.f32 $1.442695020e+00, v25  }
0x307: {  	v13 =	vld.idx.msk [tilespmem:v13+s1+$0x0], $0xffff  }
0x308: {  	v15 =	vld.idx.msk [tilespmem:v15+s1+$0x0], $0xffff;
	v22 =	vand.u32 $0x7FFFFFFF, v14;
	v29 =	vsub.f32 v11, v7;
	(erf) = vpow2.f32 v30  }
0x309: {  	v22 =	vmax.f32 v22, v7;
	v31 =	vand.u32 $0x7FFFFFFF, v21  }
0x30a: {  	v22 =	vmul.f32 $-4.000000060e-01, v22;
	v31 =	vmax.f32 v31, v7;
	v34 =	vmul.f32 $1.442695020e+00, v29  }
0x30b: {  	v32 =	vand.u32 $0x7FFFFFFF, v12;
	v31 =	vmul.f32 $-4.000000060e-01, v31  }
0x30c: {  	v33 =	vsub.f32 v13, v7;
	vm2 =	vlt.f32 v18, v22;
	(erf) = vpow2.f32 v34;
	v18 =	vpop (erf)  }
0x30d: {  	v35 =	vsub.f32 v15, v7;
	v18 =	vsel vm2, $0x0, v18;
	vm2 =	vlt.f32 v16, v31;
	v16 =	vpop (erf)  }
0x30e: {  	v32 =	vmax.f32 v32, v7;
	v36 =	vmul.f32 $1.442695020e+00, v33;
	v16 =	vsel vm2, $0x0, v16  }
0x30f: {  	v46 =	vsub.f32 v19, v7;
	v32 =	vmul.f32 $-4.000000060e-01, v32;
	v10 =	vadd.f32 v18, v10  }
0x310: {  	v27 =	vand.u32 $0x7FFFFFFF, v11;
	v47 =	vmul.f32 $1.442695020e+00, v35;
	(erf) = vpow2.f32 v36  }
0x311: {  	v22 =	vmul.f32 $1.442695020e+00, v46;
	vm2 =	vlt.f32 v25, v32;
	v10 =	vadd.f32 v16, v10;
	v16 =	vpop (erf)  }
0x312: {  	v27 =	vmax.f32 v27, v7;
	(erf) = vpow2.f32 v47;
	v16 =	vsel vm2, $0x0, v16  }
0x313: {  	v26 =	vsub.f32 v17, v7;
	(erf) = vpow2.f32 v22;
	v22 =	vmul.f32 $-4.000000060e-01, v27  }
0x314: {  	v28 =	vand.u32 $0x7FFFFFFF, v13  }
0x315: {  	v18 =	vmul.f32 $1.442695020e+00, v26;
	vm2 =	vlt.f32 v29, v22;
	v10 =	vadd.f32 v16, v10;
	v16 =	vpop (erf)  }
0x316: {  	v25 =	vmax.f32 v28, v7;
	v16 =	vsel vm2, $0x0, v16  }
0x317: {  	v23 =	vand.u32 $0x7FFFFFFF, v15;
	(erf) = vpow2.f32 v18;
	v18 =	vmul.f32 $-4.000000060e-01, v25  }
0x318: {  	v24 =	vand.u32 $0x7FFFFFFF, v19;
	v23 =	vmax.f32 v23, v7  }
0x319: {  	vm3 =	vlt.f32 v33, v18;
	vm2 =	vgt.f32 v14, v8;
	v10 =	vadd.f32 v16, v10;
	v16 =	vpop (erf)  }
0x31a: {  	v9 =	vand.u32 $0x7FFFFFFF, v17;
	v8 =	vsel vm2, v14, v8;
	v14 =	vsel vm3, $0x0, v16  }
0x31b: {  	v9 =	vmax.f32 v9, v7;
	v22 =	vmul.f32 $-4.000000060e-01, v23;
	v10 =	vadd.f32 v14, v10  }
0x31c: {  	v9 =	vmul.f32 $-4.000000060e-01, v9;
	v7 =	vmax.f32 v24, v7  }
0x31d: {  	v7 =	vmul.f32 $-4.000000060e-01, v7;
	vm4 =	vlt.f32 v35, v22;
	vm3 =	vgt.f32 v21, v8;
	v14 =	vpop (erf)  }
0x31e: {  	v8 =	vsel vm3, v21, v8;
	v14 =	vsel vm4, $0x0, v14  }
0x31f: {  	vm5 =	vlt.f32 v46, v7;
	vm14 =	vgt.f32 v12, v8;
	v7 =	vadd.f32 v14, v10;
	v10 =	vpop (erf)  }
0x320: {  	vm15 =	vlt.f32 v26, v9;
	v8 =	vsel vm14, v12, v8;
	v10 =	vsel vm5, $0x0, v10  }
0x321: {  	v14 =	vsel vm0, s18, v20;
	vm0 =	vgt.f32 v11, v8;
	v9 =	vpop (erf);
	v7 =	vadd.f32 v10, v7  }
0x322: {  	v8 =	vsel vm0, v11, v8;
	v10 =	vsel vm1, s17, v14;
	v9 =	vsel vm15, $0x0, v9  }
0x323: {  	vm1 =	vgt.f32 v13, v8;
	v10 =	vsel vm2, s23, v10;
	v7 =	vadd.f32 v9, v7  }
0x324: {  	v8 =	vsel vm1, v13, v8;
	v9 =	vsel vm3, s26, v10  }
0x325: {  	vm2 =	vgt.f32 v15, v8;
	v9 =	vsel vm14, s24, v9;
	(erf) = vrcp.f32 v7  }
0x326: {  	v8 =	vsel vm2, v15, v8;
	v7 =	vsel vm0, s22, v9  }
0x327: {  	vm0 =	vgt.f32 v19, v8;
	v7 =	vsel vm1, s21, v7  }
0x328: {  	v11 =	vsel vm0, v19, v8;
	v7 =	vsel vm2, s25, v7  }
0x329: {  	v8 =	vor.u32 $0x4, v5;
	v7 =	vsel vm0, s20, v7;
	vm0 =	vgt.f32 v17, v11  }
0x32a: {  	v7 =	vsel vm0, s19, v7  }
0x32b: {  	s17 =	simm.s32 $0x7;
	v9 =	vadd.s32 v4, v7  }
0x32c: {  	v12 =	vadd.s32 s17, v4;
	_ =	sdelay $0x1  }
0x32d: {  	s0 =	simm.s32 $0x0;
	[tilespmem:v8+s11+$0x0] =	vst.idx.msk $0xffff, v6;
	v6 =	vpop (erf)  }
0x32e: {  	v14 =	vimm.f32 $-Inf;
	v10 =	vadd.s32 s0, v4;
	[tilespmem:v8+s12+$0x0] =	vst.idx.msk $0xffff, v6  }
0x32f: {  	s2 =	simm.s32 $0x1;
	[tilespmem:v9+s0+$0x0] =	vst.idx.msk $0xffff, v14  }
0x330: {  	s18 =	simm.s32 $0x6;
	v8 =	vld.idx.msk [tilespmem:v12+s1+$0x0], $0xffff;
	v12 =	vadd.s32 s2, v4  }
0x331: {  	s28 =	simm.s32 $0x5;
	v13 =	vadd.s32 s18, v4  }
0x332: {  	s30 =	simm.s32 $0x3;
	v6 =	vadd.s32 s28, v4  }
0x333: {  	s31 =	simm.s32 $0x2;
	v16 =	vadd.s32 s30, v4;
	v19 =	vld.idx.msk [tilespmem:v10+s1+$0x0], $0xffff  }
0x334: {  	s29 =	simm.s32 $0x4;
	v18 =	vadd.s32 s31, v4  }
0x335: {  	v15 =	vadd.s32 s29, v4;
	v25 =	vld.idx.msk [tilespmem:v12+s1+$0x0], $0xffff  }
0x336: {  	v10 =	vld.idx.msk [tilespmem:v13+s1+$0x0], $0xffff  }
0x337: {  	v9 =	vld.idx.msk [tilespmem:v6+s1+$0x0], $0xffff;
	v6 =	vsel vm0, v17, v11  }
0x338: {  	v23 =	vimm.s32 $0x0;
	s23 =	simm.s32 $0x8;
	s20 =	simm.s32 $0xE;
	s19 =	simm.s32 $0xF;
	v22 =	vld.idx.msk [tilespmem:v16+s1+$0x0], $0xffff;
	v49 =	vsub.f32 v19, v6  }
0x339: {  	v26 =	vadd.s32 s23, v4;
	s21 =	simm.s32 $0xC;
	v27 =	vadd.s32 s20, v4;
	v48 =	vadd.s32 s19, v4;
	v24 =	vld.idx.msk [tilespmem:v18+s1+$0x0], $0xffff  }
0x33a: {  	s22 =	simm.s32 $0xB;
	s25 =	simm.s32 $0xD;
	v20 =	vld.idx.msk [tilespmem:v15+s1+$0x0], $0xffff;
	v13 =	vadd.s32 s21, v4;
	v39 =	vmul.f32 $1.442695020e+00, v49;
	v40 =	vsub.f32 v25, v6  }
0x33b: {  	v15 =	vadd.s32 s25, v4;
	v17 =	vimm.f32 $1.000000000e+00;
	v11 =	vadd.s32 s22, v4  }
0x33c: {  	v18 =	vand.u32 $0x7FFFFFFF, v19;
	(erf) = vpow2.f32 v39;
	v57 =	vmul.f32 $1.442695020e+00, v40  }
0x33d: {  	v50 =	vand.u32 $0x7FFFFFFF, v10;
	v51 =	vand.u32 $0x7FFFFFFF, v8;
	v52 =	vand.u32 $0x7FFFFFFF, v22  }
0x33e: {  	v37 =	vsub.f32 v24, v6;
	v21 =	vand.u32 $0x7FFFFFFF, v9;
	(erf) = vpow2.f32 v57  }
0x33f: {  	v53 =	vand.u32 $0x7FFFFFFF, v20;
	v16 =	vsub.f32 v8, v6;
	v21 =	vmax.f32 v21, v6  }
0x340: {  	v56 =	vsub.f32 v10, v6;
	v58 =	vmul.f32 $-4.000000060e-01, v21;
	v21 =	vmul.f32 $1.442695020e+00, v37  }
0x341: {  	v55 =	vand.u32 $0x7FFFFFFF, v24;
	v38 =	vsub.f32 v22, v6;
	v60 =	vsub.f32 v20, v6  }
0x342: {  	v18 =	vmax.f32 v18, v6;
	v31 =	vmax.f32 v51, v6;
	(erf) = vpow2.f32 v21  }
0x343: {  	v30 =	vmax.f32 v50, v6;
	v41 =	vmul.f32 $-4.000000060e-01, v18;
	v54 =	vand.u32 $0x7FFFFFFF, v25  }
0x344: {  	v35 =	vmax.f32 v55, v6;
	v42 =	vmul.f32 $1.442695020e+00, v38;
	v34 =	vmax.f32 v54, v6  }
0x345: {  	v18 =	vmul.f32 $-4.000000060e-01, v31;
	vm0 =	vlt.f32 v49, v41;
	v34 =	vmul.f32 $-4.000000060e-01, v34;
	v63 =	vpop (erf)  }
0x346: {  	(erf) = vpow2.f32 v42;
	v31 =	vsel vm0, $0x0, v63;
	vm0 =	vgt.f32 v19, v14  }
0x347: {  	vm1 =	vlt.f32 v40, v34;
	v14 =	vsel vm0, v19, v14;
	v19 =	vsel vm0, s0, v23;
	v23 =	vpop (erf)  }
0x348: {  	v45 =	vmul.f32 $1.442695020e+00, v60;
	v43 =	vsub.f32 v9, v6;
	v23 =	vsel vm1, $0x0, v23  }
0x349: {  	v33 =	vmax.f32 v53, v6;
	v35 =	vmul.f32 $-4.000000060e-01, v35;
	v17 =	vadd.f32 v31, v17  }
0x34a: {  	v32 =	vmax.f32 v52, v6;
	v62 =	vmul.f32 $1.442695020e+00, v43;
	(erf) = vpow2.f32 v45  }
0x34b: {  	v59 =	vmul.f32 $-4.000000060e-01, v32;
	vm2 =	vlt.f32 v37, v35;
	v17 =	vadd.f32 v23, v17;
	v23 =	vpop (erf)  }
0x34c: {  	v61 =	vmul.f32 $1.442695020e+00, v56;
	(erf) = vpow2.f32 v62;
	v23 =	vsel vm2, $0x0, v23  }
0x34d: {  	v33 =	vmul.f32 $-4.000000060e-01, v33;
	v44 =	vmul.f32 $1.442695020e+00, v16;
	vm0 =	vgt.f32 v25, v14  }
0x34e: {  	vm3 =	vlt.f32 v38, v59;
	v14 =	vsel vm0, v25, v14;
	(erf) = vpow2.f32 v61  }
0x34f: {  	v19 =	vsel vm0, s2, v19;
	vm0 =	vgt.f32 v24, v14;
	v17 =	vadd.f32 v23, v17;
	v23 =	vpop (erf)  }
0x350: {  	(erf) = vpow2.f32 v44;
	v14 =	vsel vm0, v24, v14;
	v23 =	vsel vm3, $0x0, v23  }
0x351: {  	s24 =	simm.s32 $0xA;
	v19 =	vsel vm0, s31, v19;
	vm0 =	vgt.f32 v22, v14;
	v23 =	vadd.f32 v23, v17  }
0x352: {  	v12 =	vadd.s32 s24, v4;
	v30 =	vmul.f32 $-4.000000060e-01, v30;
	v22 =	vsel vm0, v22, v14  }
0x353: {  	s26 =	simm.s32 $0x9;
	vm1 =	vlt.f32 v60, v33;
	v19 =	vsel vm0, s30, v19;
	vm0 =	vgt.f32 v20, v22;
	v17 =	vpop (erf)  }
0x354: {  	v21 =	vadd.s32 s26, v4;
	v14 =	vld.idx.msk [tilespmem:v26+s1+$0x0], $0xffff;
	v22 =	vsel vm0, v20, v22;
	v24 =	vsel vm1, $0x0, v17  }
0x355: {  	v20 =	vsel vm0, s29, v19;
	v19 =	vld.idx.msk [tilespmem:v27+s1+$0x0], $0xffff;
	vm1 =	vlt.f32 v43, v58;
	v24 =	vadd.f32 v24, v23;
	v23 =	vpop (erf)  }
0x356: {  	s29 =	simm.s32 $0x10;
	vm0 =	vlt.f32 v56, v30;
	v17 =	vld.idx.msk [tilespmem:v48+s1+$0x0], $0xffff;
	v23 =	vsel vm1, $0x0, v23;
	vm1 =	vgt.f32 v9, v22  }
.LBB2_19:
0x357: {  	p0 =	slt.u32 s29, $0x38;
	v23 =	vadd.f32 v23, v24;
	v24 =	vsel vm1, v9, v22;
	v9 =	vld.idx.msk [tilespmem:v15+s1+$0x0], $0xffff;
	v25 =	vsel vm1, s28, v20;
	v22 =	vpop (erf);
	s28 =	smov.u32 s25  }
0x358: {  	vm1 =	vlt.f32 v16, v18;
	v20 =	vld.idx.msk [tilespmem:v13+s1+$0x0], $0xffff;
	v13 =	vsel vm0, $0x0, v22;
	vm0 =	vgt.f32 v10, v24  }
0x359: {  	v22 =	vld.idx.msk [tilespmem:v11+s1+$0x0], $0xffff;
	v11 =	vadd.f32 v13, v23;
	v10 =	vsel vm0, v10, v24;
	v13 =	vsel vm0, s18, v25;
	v15 =	vpop (erf);
	s18 =	smov.u32 s20  }
0x35a: {  	v24 =	vld.idx.msk [tilespmem:v12+s1+$0x0], $0xffff;
	v12 =	vsel vm1, $0x0, v15;
	vm0 =	vgt.f32 v8, v10  }
0x35b: {  	s20 =	sadd.s32 $0x6, s29;
	v25 =	vld.idx.msk [tilespmem:v21+s1+$0x0], $0xffff;
	v26 =	vadd.f32 v12, v11;
	v27 =	vsel vm0, v8, v10;
	v28 =	vsel vm0, s17, v13;
	v8 =	vmovc v17;
	s17 =	smov.u32 s19;
	s19 =	sadd.s32 $0x7, s29  }
0x35c: {  	s31 =	sadd.s32 $0x3, s29;
	s30 =	sadd.s32 $0x4, s29;
	s25 =	sadd.s32 $0x5, s29;
	v23 =	vadd.s32 s20, v4;
	v17 =	vadd.s32 s29, v4;
	v29 =	vadd.s32 s19, v4;
	v10 =	vmovc v19  }
0x35d: {  	s0 =	sadd.s32 $0x2, s29;
	v15 =	vadd.s32 s25, v4;
	v11 =	vadd.s32 s31, v4;
	v13 =	vadd.s32 s30, v4  }
0x35e: {  	v18 =	vand.u32 $0x7FFFFFFF, v14;
	v12 =	vadd.s32 s0, v4;
	v19 =	vsub.f32 v14, v6  }
0x35f: {  	v21 =	vand.u32 $0x7FFFFFFF, v9;
	v31 =	vand.u32 $0x7FFFFFFF, v8;
	v30 =	vand.u32 $0x7FFFFFFF, v10  }
0x360: {  	v16 =	vsub.f32 v8, v6;
	v33 =	vand.u32 $0x7FFFFFFF, v20;
	v32 =	vand.u32 $0x7FFFFFFF, v22  }
0x361: {  	v36 =	vsub.f32 v10, v6;
	v35 =	vand.u32 $0x7FFFFFFF, v24;
	v34 =	vand.u32 $0x7FFFFFFF, v25  }
0x362: {  	v18 =	vmax.f32 v18, v6;
	v38 =	vsub.f32 v22, v6;
	v37 =	vsub.f32 v24, v6  }
0x363: {  	v31 =	vmax.f32 v31, v6;
	v39 =	vmul.f32 $1.442695020e+00, v19;
	v40 =	vsub.f32 v25, v6  }
0x364: {  	v41 =	vmul.f32 $-4.000000060e-01, v18;
	v30 =	vmax.f32 v30, v6;
	v18 =	vmul.f32 $-4.000000060e-01, v31  }
0x365: {  	v21 =	vmax.f32 v21, v6;
	v31 =	vmul.f32 $1.442695020e+00, v40;
	(erf) = vpow2.f32 v39  }
0x366: {  	v33 =	vmax.f32 v33, v6;
	v30 =	vmul.f32 $-4.000000060e-01, v30;
	v39 =	vmul.f32 $-4.000000060e-01, v21  }
0x367: {  	v32 =	vmax.f32 v32, v6;
	v21 =	vmul.f32 $1.442695020e+00, v37;
	(erf) = vpow2.f32 v31  }
0x368: {  	v33 =	vmul.f32 $-4.000000060e-01, v33;
	v31 =	vmul.f32 $-4.000000060e-01, v32;
	v32 =	vsub.f32 v20, v6  }
0x369: {  	v35 =	vmax.f32 v35, v6;
	v42 =	vmul.f32 $1.442695020e+00, v38;
	(erf) = vpow2.f32 v21  }
0x36a: {  	v43 =	vsub.f32 v9, v6;
	v44 =	vmul.f32 $1.442695020e+00, v16;
	v35 =	vmul.f32 $-4.000000060e-01, v35  }
0x36b: {  	s2 =	sadd.s32 $0x1, s29;
	v34 =	vmax.f32 v34, v6;
	v45 =	vmul.f32 $1.442695020e+00, v32;
	(erf) = vpow2.f32 v42  }
0x36c: {  	v34 =	vmul.f32 $-4.000000060e-01, v34;
	v21 =	vadd.s32 s2, v4;
	v42 =	vmul.f32 $1.442695020e+00, v36  }
0x36d: {  	vm1 =	vlt.f32 v19, v41;
	v19 =	vmul.f32 $1.442695020e+00, v43;
	(erf) = vpow2.f32 v45  }
0x36e: {  	vm3 =	vlt.f32 v37, v35;
	vm2 =	vlt.f32 v40, v34;
	vm0 =	vlt.f32 v38, v31;
	v31 =	vpop (erf)  }
0x36f: {  	v31 =	vsel vm1, $0x0, v31;
	vm1 =	vgt.f32 v14, v27;
	(erf) = vpow2.f32 v19  }
0x370: {  	v19 =	vadd.f32 v31, v26;
	v14 =	vsel vm1, v14, v27;
	v28 =	vsel vm1, s23, v28;
	v27 =	vpop (erf);
	s23 =	smov.u32 s29  }
0x371: {  	v27 =	vsel vm2, $0x0, v27;
	vm1 =	vgt.f32 v25, v14;
	(erf) = vpow2.f32 v42  }
0x372: {  	v19 =	vadd.f32 v27, v19;
	v14 =	vsel vm1, v25, v14;
	v27 =	vsel vm1, s26, v28;
	v26 =	vpop (erf);
	s26 =	smov.u32 s2  }
0x373: {  	v26 =	vsel vm3, $0x0, v26;
	vm1 =	vgt.f32 v24, v14;
	(erf) = vpow2.f32 v44  }
0x374: {  	v19 =	vadd.f32 v26, v19;
	v14 =	vsel vm1, v24, v14;
	v26 =	vsel vm1, s24, v27;
	v25 =	vpop (erf);
	s24 =	smov.u32 s0  }
.Ltmp8:
0x375: {  	vm1 =	vlt.f32 v32, v33;
	v25 =	vsel vm0, $0x0, v25;
	vm0 =	vgt.f32 v22, v14;
	(pc) =	sbr.rel @p0 .LBB2_19-.Ltmp8, $4  }
0x376: {  	v19 =	vadd.f32 v25, v19;
	v22 =	vsel vm0, v22, v14;
	v26 =	vsel vm0, s22, v26;
	v24 =	vpop (erf);
	s22 =	smov.u32 s31  }
0x377: {  	v14 =	vld.idx.msk [tilespmem:v17+s1+$0x0], $0xffff;
	v24 =	vsel vm1, $0x0, v24;
	vm0 =	vgt.f32 v20, v22;
	vm1 =	vlt.f32 v43, v39  }
0x378: {  	v17 =	vld.idx.msk [tilespmem:v29+s1+$0x0], $0xffff;
	v24 =	vadd.f32 v24, v19;
	v22 =	vsel vm0, v20, v22;
	v20 =	vsel vm0, s21, v26;
	v25 =	vpop (erf);
	s21 =	smov.u32 s30  }
0x379: {  	s29 =	sadd.s32 $0x8, s29;
	vm0 =	vlt.f32 v36, v30;
	v19 =	vld.idx.msk [tilespmem:v23+s1+$0x0], $0xffff;
	v23 =	vsel vm1, $0x0, v25;
	vm1 =	vgt.f32 v9, v22  }
0x37a: {  	_ =	sdelay $0x3  }
0x37b: {  	v21 =	vld.idx.msk [tilespmem:v21+s1+$0x0], $0xffff  }
0x37c: {  	v23 =	vadd.f32 v23, v24;
	v24 =	vpop (erf)  }
0x37d: {  	v9 =	vsel vm1, v9, v22;
	vm2 =	vlt.f32 v16, v18;
	v22 =	vsel vm0, $0x0, v24  }
0x37e: {  	v20 =	vsel vm1, s28, v20;
	vm0 =	vgt.f32 v10, v9;
	v16 =	vadd.f32 v22, v23;
	v18 =	vpop (erf)  }
0x37f: {  	v12 =	vld.idx.msk [tilespmem:v12+s1+$0x0], $0xffff;
	v9 =	vsel vm0, v10, v9;
	v10 =	vsel vm2, $0x0, v18;
	v18 =	vsub.f32 v14, v6  }
0x380: {  	vm1 =	vgt.f32 v8, v9;
	v10 =	vadd.f32 v10, v16;
	v16 =	vsub.f32 v21, v6  }
0x381: {  	v8 =	vsel vm1, v8, v9;
	v9 =	vmul.f32 $1.442695020e+00, v18  }
0x382: {  	v26 =	vmul.f32 $1.442695020e+00, v16  }
0x383: {  	v11 =	vld.idx.msk [tilespmem:v11+s1+$0x0], $0xffff;
	(erf) = vpow2.f32 v9  }
0x384: {  	v25 =	vsub.f32 v12, v6;
	(erf) = vpow2.f32 v26;
	_ =	sdelay $0x1  }
0x385: {  	v30 =	vmul.f32 $1.442695020e+00, v25  }
0x386: {  	v13 =	vld.idx.msk [tilespmem:v13+s1+$0x0], $0xffff  }
0x387: {  	v15 =	vld.idx.msk [tilespmem:v15+s1+$0x0], $0xffff;
	v22 =	vand.u32 $0x7FFFFFFF, v14;
	v29 =	vsub.f32 v11, v6;
	(erf) = vpow2.f32 v30  }
0x388: {  	v22 =	vmax.f32 v22, v6;
	v31 =	vand.u32 $0x7FFFFFFF, v21  }
0x389: {  	v22 =	vmul.f32 $-4.000000060e-01, v22;
	v31 =	vmax.f32 v31, v6;
	v34 =	vmul.f32 $1.442695020e+00, v29  }
0x38a: {  	v32 =	vand.u32 $0x7FFFFFFF, v12;
	v31 =	vmul.f32 $-4.000000060e-01, v31  }
0x38b: {  	v33 =	vsub.f32 v13, v6;
	vm2 =	vlt.f32 v18, v22;
	(erf) = vpow2.f32 v34;
	v18 =	vpop (erf)  }
0x38c: {  	v35 =	vsub.f32 v15, v6;
	v18 =	vsel vm2, $0x0, v18;
	vm2 =	vlt.f32 v16, v31;
	v16 =	vpop (erf)  }
0x38d: {  	v32 =	vmax.f32 v32, v6;
	v36 =	vmul.f32 $1.442695020e+00, v33;
	v16 =	vsel vm2, $0x0, v16  }
0x38e: {  	v46 =	vsub.f32 v19, v6;
	v32 =	vmul.f32 $-4.000000060e-01, v32;
	v10 =	vadd.f32 v18, v10  }
0x38f: {  	v27 =	vand.u32 $0x7FFFFFFF, v11;
	v47 =	vmul.f32 $1.442695020e+00, v35;
	(erf) = vpow2.f32 v36  }
0x390: {  	v22 =	vmul.f32 $1.442695020e+00, v46;
	vm2 =	vlt.f32 v25, v32;
	v10 =	vadd.f32 v16, v10;
	v16 =	vpop (erf)  }
0x391: {  	v27 =	vmax.f32 v27, v6;
	(erf) = vpow2.f32 v47;
	v16 =	vsel vm2, $0x0, v16  }
0x392: {  	v26 =	vsub.f32 v17, v6;
	(erf) = vpow2.f32 v22;
	v22 =	vmul.f32 $-4.000000060e-01, v27  }
0x393: {  	v28 =	vand.u32 $0x7FFFFFFF, v13  }
0x394: {  	v18 =	vmul.f32 $1.442695020e+00, v26;
	vm2 =	vlt.f32 v29, v22;
	v10 =	vadd.f32 v16, v10;
	v16 =	vpop (erf)  }
0x395: {  	v25 =	vmax.f32 v28, v6;
	v16 =	vsel vm2, $0x0, v16  }
0x396: {  	v23 =	vand.u32 $0x7FFFFFFF, v15;
	(erf) = vpow2.f32 v18;
	v18 =	vmul.f32 $-4.000000060e-01, v25  }
0x397: {  	v24 =	vand.u32 $0x7FFFFFFF, v19;
	v23 =	vmax.f32 v23, v6  }
0x398: {  	vm3 =	vlt.f32 v33, v18;
	vm2 =	vgt.f32 v14, v8;
	v10 =	vadd.f32 v16, v10;
	v16 =	vpop (erf)  }
0x399: {  	v9 =	vand.u32 $0x7FFFFFFF, v17;
	v8 =	vsel vm2, v14, v8;
	v14 =	vsel vm3, $0x0, v16  }
0x39a: {  	v9 =	vmax.f32 v9, v6;
	v22 =	vmul.f32 $-4.000000060e-01, v23;
	v10 =	vadd.f32 v14, v10  }
0x39b: {  	v9 =	vmul.f32 $-4.000000060e-01, v9;
	v6 =	vmax.f32 v24, v6  }
0x39c: {  	v6 =	vmul.f32 $-4.000000060e-01, v6;
	vm4 =	vlt.f32 v35, v22;
	vm3 =	vgt.f32 v21, v8;
	v14 =	vpop (erf)  }
0x39d: {  	v8 =	vsel vm3, v21, v8;
	v14 =	vsel vm4, $0x0, v14  }
0x39e: {  	vm5 =	vlt.f32 v46, v6;
	vm14 =	vgt.f32 v12, v8;
	v6 =	vadd.f32 v14, v10;
	v10 =	vpop (erf)  }
0x39f: {  	vm15 =	vlt.f32 v26, v9;
	v8 =	vsel vm14, v12, v8;
	v10 =	vsel vm5, $0x0, v10  }
0x3a0: {  	v14 =	vsel vm0, s18, v20;
	vm0 =	vgt.f32 v11, v8;
	v9 =	vpop (erf);
	v6 =	vadd.f32 v10, v6  }
0x3a1: {  	v8 =	vsel vm0, v11, v8;
	v10 =	vsel vm1, s17, v14;
	v9 =	vsel vm15, $0x0, v9  }
0x3a2: {  	vm1 =	vgt.f32 v13, v8;
	v10 =	vsel vm2, s23, v10;
	v6 =	vadd.f32 v9, v6  }
0x3a3: {  	v8 =	vsel vm1, v13, v8;
	v9 =	vsel vm3, s26, v10  }
0x3a4: {  	vm2 =	vgt.f32 v15, v8;
	v9 =	vsel vm14, s24, v9;
	(erf) = vrcp.f32 v6  }
0x3a5: {  	v8 =	vsel vm2, v15, v8;
	v6 =	vsel vm0, s22, v9  }
0x3a6: {  	vm0 =	vgt.f32 v19, v8;
	v6 =	vsel vm1, s21, v6  }
0x3a7: {  	v11 =	vsel vm0, v19, v8;
	v6 =	vsel vm2, s25, v6  }
0x3a8: {  	v8 =	vor.u32 $0x5, v5;
	v6 =	vsel vm0, s20, v6;
	vm0 =	vgt.f32 v17, v11  }
0x3a9: {  	v6 =	vsel vm0, s19, v6  }
0x3aa: {  	s17 =	simm.s32 $0x7;
	v9 =	vadd.s32 v4, v6  }
0x3ab: {  	v12 =	vadd.s32 s17, v4;
	_ =	sdelay $0x1  }
0x3ac: {  	s0 =	simm.s32 $0x0;
	[tilespmem:v8+s11+$0x0] =	vst.idx.msk $0xffff, v7;
	v7 =	vpop (erf)  }
0x3ad: {  	v14 =	vimm.f32 $-Inf;
	v10 =	vadd.s32 s0, v4;
	[tilespmem:v8+s12+$0x0] =	vst.idx.msk $0xffff, v7  }
0x3ae: {  	s2 =	simm.s32 $0x1;
	[tilespmem:v9+s0+$0x0] =	vst.idx.msk $0xffff, v14  }
0x3af: {  	s18 =	simm.s32 $0x6;
	v8 =	vld.idx.msk [tilespmem:v12+s1+$0x0], $0xffff;
	v12 =	vadd.s32 s2, v4  }
0x3b0: {  	s28 =	simm.s32 $0x5;
	v13 =	vadd.s32 s18, v4  }
0x3b1: {  	s30 =	simm.s32 $0x3;
	v7 =	vadd.s32 s28, v4  }
0x3b2: {  	s31 =	simm.s32 $0x2;
	v16 =	vadd.s32 s30, v4;
	v19 =	vld.idx.msk [tilespmem:v10+s1+$0x0], $0xffff  }
0x3b3: {  	s29 =	simm.s32 $0x4;
	v18 =	vadd.s32 s31, v4  }
0x3b4: {  	v15 =	vadd.s32 s29, v4;
	v25 =	vld.idx.msk [tilespmem:v12+s1+$0x0], $0xffff  }
0x3b5: {  	v10 =	vld.idx.msk [tilespmem:v13+s1+$0x0], $0xffff  }
0x3b6: {  	v9 =	vld.idx.msk [tilespmem:v7+s1+$0x0], $0xffff;
	v7 =	vsel vm0, v17, v11  }
0x3b7: {  	v23 =	vimm.s32 $0x0;
	s23 =	simm.s32 $0x8;
	s20 =	simm.s32 $0xE;
	s19 =	simm.s32 $0xF;
	v22 =	vld.idx.msk [tilespmem:v16+s1+$0x0], $0xffff;
	v49 =	vsub.f32 v19, v7  }
0x3b8: {  	v26 =	vadd.s32 s23, v4;
	s25 =	simm.s32 $0xD;
	v27 =	vadd.s32 s20, v4;
	v48 =	vadd.s32 s19, v4;
	v24 =	vld.idx.msk [tilespmem:v18+s1+$0x0], $0xffff  }
0x3b9: {  	s24 =	simm.s32 $0xA;
	s21 =	simm.s32 $0xC;
	v20 =	vld.idx.msk [tilespmem:v15+s1+$0x0], $0xffff;
	v15 =	vadd.s32 s25, v4;
	v39 =	vmul.f32 $1.442695020e+00, v49;
	v40 =	vsub.f32 v25, v7  }
0x3ba: {  	v13 =	vadd.s32 s24, v4;
	v17 =	vimm.f32 $1.000000000e+00;
	v11 =	vadd.s32 s21, v4  }
0x3bb: {  	v18 =	vand.u32 $0x7FFFFFFF, v19;
	(erf) = vpow2.f32 v39;
	v57 =	vmul.f32 $1.442695020e+00, v40  }
0x3bc: {  	v50 =	vand.u32 $0x7FFFFFFF, v10;
	v51 =	vand.u32 $0x7FFFFFFF, v8;
	v52 =	vand.u32 $0x7FFFFFFF, v22  }
0x3bd: {  	v37 =	vsub.f32 v24, v7;
	v21 =	vand.u32 $0x7FFFFFFF, v9;
	(erf) = vpow2.f32 v57  }
0x3be: {  	v53 =	vand.u32 $0x7FFFFFFF, v20;
	v16 =	vsub.f32 v8, v7;
	v21 =	vmax.f32 v21, v7  }
0x3bf: {  	v56 =	vsub.f32 v10, v7;
	v58 =	vmul.f32 $-4.000000060e-01, v21;
	v21 =	vmul.f32 $1.442695020e+00, v37  }
0x3c0: {  	v55 =	vand.u32 $0x7FFFFFFF, v24;
	v38 =	vsub.f32 v22, v7;
	v60 =	vsub.f32 v20, v7  }
0x3c1: {  	v18 =	vmax.f32 v18, v7;
	v31 =	vmax.f32 v51, v7;
	(erf) = vpow2.f32 v21  }
0x3c2: {  	v30 =	vmax.f32 v50, v7;
	v41 =	vmul.f32 $-4.000000060e-01, v18;
	v54 =	vand.u32 $0x7FFFFFFF, v25  }
0x3c3: {  	v35 =	vmax.f32 v55, v7;
	v42 =	vmul.f32 $1.442695020e+00, v38;
	v34 =	vmax.f32 v54, v7  }
0x3c4: {  	v18 =	vmul.f32 $-4.000000060e-01, v31;
	vm0 =	vlt.f32 v49, v41;
	v34 =	vmul.f32 $-4.000000060e-01, v34;
	v63 =	vpop (erf)  }
0x3c5: {  	(erf) = vpow2.f32 v42;
	v31 =	vsel vm0, $0x0, v63;
	vm0 =	vgt.f32 v19, v14  }
0x3c6: {  	vm1 =	vlt.f32 v40, v34;
	v14 =	vsel vm0, v19, v14;
	v19 =	vsel vm0, s0, v23;
	v23 =	vpop (erf)  }
0x3c7: {  	v45 =	vmul.f32 $1.442695020e+00, v60;
	v43 =	vsub.f32 v9, v7;
	v23 =	vsel vm1, $0x0, v23  }
0x3c8: {  	v33 =	vmax.f32 v53, v7;
	v35 =	vmul.f32 $-4.000000060e-01, v35;
	v17 =	vadd.f32 v31, v17  }
0x3c9: {  	v32 =	vmax.f32 v52, v7;
	v62 =	vmul.f32 $1.442695020e+00, v43;
	(erf) = vpow2.f32 v45  }
0x3ca: {  	v59 =	vmul.f32 $-4.000000060e-01, v32;
	vm2 =	vlt.f32 v37, v35;
	v17 =	vadd.f32 v23, v17;
	v23 =	vpop (erf)  }
0x3cb: {  	v61 =	vmul.f32 $1.442695020e+00, v56;
	(erf) = vpow2.f32 v62;
	v23 =	vsel vm2, $0x0, v23  }
0x3cc: {  	v33 =	vmul.f32 $-4.000000060e-01, v33;
	v44 =	vmul.f32 $1.442695020e+00, v16;
	vm0 =	vgt.f32 v25, v14  }
0x3cd: {  	vm3 =	vlt.f32 v38, v59;
	v14 =	vsel vm0, v25, v14;
	(erf) = vpow2.f32 v61  }
0x3ce: {  	v19 =	vsel vm0, s2, v19;
	vm0 =	vgt.f32 v24, v14;
	v17 =	vadd.f32 v23, v17;
	v23 =	vpop (erf)  }
0x3cf: {  	(erf) = vpow2.f32 v44;
	v14 =	vsel vm0, v24, v14;
	v23 =	vsel vm3, $0x0, v23  }
0x3d0: {  	s22 =	simm.s32 $0xB;
	v19 =	vsel vm0, s31, v19;
	vm0 =	vgt.f32 v22, v14;
	v23 =	vadd.f32 v23, v17  }
0x3d1: {  	v12 =	vadd.s32 s22, v4;
	v30 =	vmul.f32 $-4.000000060e-01, v30;
	v24 =	vsel vm0, v22, v14  }
0x3d2: {  	s26 =	simm.s32 $0x9;
	vm1 =	vlt.f32 v60, v33;
	v19 =	vsel vm0, s30, v19;
	vm0 =	vgt.f32 v20, v24;
	v17 =	vpop (erf)  }
0x3d3: {  	v21 =	vadd.s32 s26, v4;
	v14 =	vld.idx.msk [tilespmem:v26+s1+$0x0], $0xffff;
	v24 =	vsel vm0, v20, v24;
	v22 =	vsel vm1, $0x0, v17  }
0x3d4: {  	v20 =	vsel vm0, s29, v19;
	v19 =	vld.idx.msk [tilespmem:v27+s1+$0x0], $0xffff;
	vm1 =	vlt.f32 v43, v58;
	v22 =	vadd.f32 v22, v23;
	v23 =	vpop (erf)  }
0x3d5: {  	s29 =	simm.s32 $0x10;
	vm0 =	vlt.f32 v56, v30;
	v17 =	vld.idx.msk [tilespmem:v48+s1+$0x0], $0xffff;
	v23 =	vsel vm1, $0x0, v23;
	vm1 =	vgt.f32 v9, v24  }
.LBB2_21:
0x3d6: {  	p0 =	slt.u32 s29, $0x38;
	v23 =	vadd.f32 v23, v22;
	v24 =	vsel vm1, v9, v24;
	v9 =	vld.idx.msk [tilespmem:v15+s1+$0x0], $0xffff;
	v25 =	vsel vm1, s28, v20;
	v22 =	vpop (erf);
	s28 =	smov.u32 s25  }
0x3d7: {  	vm1 =	vlt.f32 v16, v18;
	v20 =	vld.idx.msk [tilespmem:v11+s1+$0x0], $0xffff;
	v11 =	vsel vm0, $0x0, v22;
	vm0 =	vgt.f32 v10, v24  }
0x3d8: {  	v22 =	vld.idx.msk [tilespmem:v12+s1+$0x0], $0xffff;
	v11 =	vadd.f32 v11, v23;
	v10 =	vsel vm0, v10, v24;
	v12 =	vsel vm0, s18, v25;
	v15 =	vpop (erf);
	s18 =	smov.u32 s20  }
0x3d9: {  	v24 =	vld.idx.msk [tilespmem:v13+s1+$0x0], $0xffff;
	v13 =	vsel vm1, $0x0, v15;
	vm0 =	vgt.f32 v8, v10  }
0x3da: {  	s20 =	sadd.s32 $0x6, s29;
	v25 =	vld.idx.msk [tilespmem:v21+s1+$0x0], $0xffff;
	v26 =	vadd.f32 v13, v11;
	v27 =	vsel vm0, v8, v10;
	v28 =	vsel vm0, s17, v12;
	v8 =	vmovc v17;
	s17 =	smov.u32 s19;
	s19 =	sadd.s32 $0x7, s29  }
0x3db: {  	s31 =	sadd.s32 $0x3, s29;
	s30 =	sadd.s32 $0x4, s29;
	s25 =	sadd.s32 $0x5, s29;
	v23 =	vadd.s32 s20, v4;
	v17 =	vadd.s32 s29, v4;
	v29 =	vadd.s32 s19, v4;
	v10 =	vmovc v19  }
0x3dc: {  	s0 =	sadd.s32 $0x2, s29;
	v15 =	vadd.s32 s25, v4;
	v12 =	vadd.s32 s31, v4;
	v11 =	vadd.s32 s30, v4  }
0x3dd: {  	v18 =	vand.u32 $0x7FFFFFFF, v14;
	v13 =	vadd.s32 s0, v4;
	v19 =	vsub.f32 v14, v7  }
0x3de: {  	v21 =	vand.u32 $0x7FFFFFFF, v9;
	v31 =	vand.u32 $0x7FFFFFFF, v8;
	v30 =	vand.u32 $0x7FFFFFFF, v10  }
0x3df: {  	v16 =	vsub.f32 v8, v7;
	v33 =	vand.u32 $0x7FFFFFFF, v20;
	v32 =	vand.u32 $0x7FFFFFFF, v22  }
0x3e0: {  	v36 =	vsub.f32 v10, v7;
	v35 =	vand.u32 $0x7FFFFFFF, v24;
	v34 =	vand.u32 $0x7FFFFFFF, v25  }
0x3e1: {  	v18 =	vmax.f32 v18, v7;
	v38 =	vsub.f32 v22, v7;
	v37 =	vsub.f32 v24, v7  }
0x3e2: {  	v31 =	vmax.f32 v31, v7;
	v39 =	vmul.f32 $1.442695020e+00, v19;
	v40 =	vsub.f32 v25, v7  }
0x3e3: {  	v41 =	vmul.f32 $-4.000000060e-01, v18;
	v30 =	vmax.f32 v30, v7;
	v18 =	vmul.f32 $-4.000000060e-01, v31  }
0x3e4: {  	v21 =	vmax.f32 v21, v7;
	v31 =	vmul.f32 $1.442695020e+00, v40;
	(erf) = vpow2.f32 v39  }
0x3e5: {  	v33 =	vmax.f32 v33, v7;
	v30 =	vmul.f32 $-4.000000060e-01, v30;
	v39 =	vmul.f32 $-4.000000060e-01, v21  }
0x3e6: {  	v32 =	vmax.f32 v32, v7;
	v21 =	vmul.f32 $1.442695020e+00, v37;
	(erf) = vpow2.f32 v31  }
0x3e7: {  	v33 =	vmul.f32 $-4.000000060e-01, v33;
	v31 =	vmul.f32 $-4.000000060e-01, v32;
	v32 =	vsub.f32 v20, v7  }
0x3e8: {  	v35 =	vmax.f32 v35, v7;
	v42 =	vmul.f32 $1.442695020e+00, v38;
	(erf) = vpow2.f32 v21  }
0x3e9: {  	v43 =	vsub.f32 v9, v7;
	v44 =	vmul.f32 $1.442695020e+00, v16;
	v35 =	vmul.f32 $-4.000000060e-01, v35  }
0x3ea: {  	s2 =	sadd.s32 $0x1, s29;
	v34 =	vmax.f32 v34, v7;
	v45 =	vmul.f32 $1.442695020e+00, v32;
	(erf) = vpow2.f32 v42  }
0x3eb: {  	v34 =	vmul.f32 $-4.000000060e-01, v34;
	v21 =	vadd.s32 s2, v4;
	v42 =	vmul.f32 $1.442695020e+00, v36  }
0x3ec: {  	vm1 =	vlt.f32 v19, v41;
	v19 =	vmul.f32 $1.442695020e+00, v43;
	(erf) = vpow2.f32 v45  }
0x3ed: {  	vm3 =	vlt.f32 v37, v35;
	vm2 =	vlt.f32 v40, v34;
	vm0 =	vlt.f32 v38, v31;
	v31 =	vpop (erf)  }
0x3ee: {  	v31 =	vsel vm1, $0x0, v31;
	vm1 =	vgt.f32 v14, v27;
	(erf) = vpow2.f32 v19  }
0x3ef: {  	v19 =	vadd.f32 v31, v26;
	v14 =	vsel vm1, v14, v27;
	v28 =	vsel vm1, s23, v28;
	v27 =	vpop (erf);
	s23 =	smov.u32 s29  }
0x3f0: {  	v27 =	vsel vm2, $0x0, v27;
	vm1 =	vgt.f32 v25, v14;
	(erf) = vpow2.f32 v42  }
0x3f1: {  	v19 =	vadd.f32 v27, v19;
	v14 =	vsel vm1, v25, v14;
	v27 =	vsel vm1, s26, v28;
	v26 =	vpop (erf);
	s26 =	smov.u32 s2  }
0x3f2: {  	v26 =	vsel vm3, $0x0, v26;
	vm1 =	vgt.f32 v24, v14;
	(erf) = vpow2.f32 v44  }
0x3f3: {  	v19 =	vadd.f32 v26, v19;
	v14 =	vsel vm1, v24, v14;
	v24 =	vsel vm1, s24, v27;
	v25 =	vpop (erf);
	s24 =	smov.u32 s0  }
.Ltmp9:
0x3f4: {  	vm1 =	vlt.f32 v32, v33;
	v25 =	vsel vm0, $0x0, v25;
	vm0 =	vgt.f32 v22, v14;
	(pc) =	sbr.rel @p0 .LBB2_21-.Ltmp9, $4  }
0x3f5: {  	v19 =	vadd.f32 v25, v19;
	v27 =	vsel vm0, v22, v14;
	v26 =	vsel vm0, s22, v24;
	v22 =	vpop (erf);
	s22 =	smov.u32 s31  }
0x3f6: {  	v14 =	vld.idx.msk [tilespmem:v17+s1+$0x0], $0xffff;
	v22 =	vsel vm1, $0x0, v22;
	vm0 =	vgt.f32 v20, v27;
	vm1 =	vlt.f32 v43, v39  }
0x3f7: {  	v17 =	vld.idx.msk [tilespmem:v29+s1+$0x0], $0xffff;
	v22 =	vadd.f32 v22, v19;
	v24 =	vsel vm0, v20, v27;
	v20 =	vsel vm0, s21, v26;
	v25 =	vpop (erf);
	s21 =	smov.u32 s30  }
0x3f8: {  	s29 =	sadd.s32 $0x8, s29;
	vm0 =	vlt.f32 v36, v30;
	v19 =	vld.idx.msk [tilespmem:v23+s1+$0x0], $0xffff;
	v23 =	vsel vm1, $0x0, v25;
	vm1 =	vgt.f32 v9, v24  }
0x3f9: {  	_ =	sdelay $0x3  }
0x3fa: {  	v21 =	vld.idx.msk [tilespmem:v21+s1+$0x0], $0xffff  }
0x3fb: {  	v22 =	vadd.f32 v23, v22;
	v9 =	vsel vm1, v9, v24;
	v23 =	vpop (erf)  }
0x3fc: {  	v23 =	vsel vm0, $0x0, v23;
	vm8 =	vgt.f32 v10, v9  }
0x3fd: {  	vm2 =	vlt.f32 v16, v18;
	v16 =	vadd.f32 v23, v22;
	v9 =	vsel vm8, v10, v9;
	v10 =	vpop (erf)  }
0x3fe: {  	v13 =	vld.idx.msk [tilespmem:v13+s1+$0x0], $0xffff;
	v24 =	vsub.f32 v14, v7;
	v10 =	vsel vm2, $0x0, v10  }
0x3ff: {  	v10 =	vadd.f32 v10, v16;
	v16 =	vsub.f32 v21, v7  }
0x400: {  	v18 =	vmul.f32 $1.442695020e+00, v24  }
0x401: {  	v25 =	vmul.f32 $1.442695020e+00, v16  }
0x402: {  	v12 =	vld.idx.msk [tilespmem:v12+s1+$0x0], $0xffff;
	(erf) = vpow2.f32 v18  }
0x403: {  	v23 =	vsub.f32 v13, v7;
	(erf) = vpow2.f32 v25;
	_ =	sdelay $0x1  }
0x404: {  	v20 =	vsel vm1, s28, v20;
	v11 =	vld.idx.msk [tilespmem:v11+s1+$0x0], $0xffff;
	vm1 =	vgt.f32 v8, v9;
	v29 =	vmul.f32 $1.442695020e+00, v23  }
0x405: {  	v8 =	vsel vm1, v8, v9  }
0x406: {  	v9 =	vand.u32 $0x7FFFFFFF, v14;
	v28 =	vsub.f32 v12, v7;
	(erf) = vpow2.f32 v29  }
0x407: {  	v26 =	vand.u32 $0x7FFFFFFF, v17;
	v9 =	vmax.f32 v9, v7;
	v29 =	vand.u32 $0x7FFFFFFF, v21  }
0x408: {  	v9 =	vmul.f32 $-4.000000060e-01, v9;
	v32 =	vmul.f32 $1.442695020e+00, v28;
	v29 =	vmax.f32 v29, v7  }
0x409: {  	v15 =	vld.idx.msk [tilespmem:v15+s1+$0x0], $0xffff;
	v30 =	vsub.f32 v11, v7;
	v33 =	vand.u32 $0x7FFFFFFF, v13;
	v29 =	vmul.f32 $-4.000000060e-01, v29  }
0x40a: {  	vm9 =	vlt.f32 v24, v9;
	v24 =	vmax.f32 v26, v7;
	(erf) = vpow2.f32 v32;
	v26 =	vpop (erf)  }
0x40b: {  	v33 =	vmax.f32 v33, v7;
	vm10 =	vlt.f32 v16, v29;
	v16 =	vpop (erf)  }
0x40c: {  	v34 =	vmul.f32 $1.442695020e+00, v30;
	v26 =	vsel vm9, $0x0, v26;
	v16 =	vsel vm10, $0x0, v16  }
0x40d: {  	v33 =	vmul.f32 $-4.000000060e-01, v33;
	v10 =	vadd.f32 v26, v10  }
0x40e: {  	v27 =	vand.u32 $0x7FFFFFFF, v12;
	v56 =	vsub.f32 v15, v7;
	(erf) = vpow2.f32 v34  }
0x40f: {  	v9 =	vsub.f32 v19, v7;
	vm11 =	vlt.f32 v23, v33;
	v10 =	vadd.f32 v16, v10;
	v16 =	vpop (erf)  }
0x410: {  	v27 =	vmax.f32 v27, v7;
	v57 =	vmul.f32 $1.442695020e+00, v56;
	v16 =	vsel vm11, $0x0, v16  }
0x411: {  	v27 =	vmul.f32 $-4.000000060e-01, v27;
	v58 =	vmul.f32 $1.442695020e+00, v9  }
0x412: {  	v31 =	vsub.f32 v17, v7;
	v25 =	vand.u32 $0x7FFFFFFF, v11;
	(erf) = vpow2.f32 v57  }
0x413: {  	vm12 =	vlt.f32 v28, v27;
	(erf) = vpow2.f32 v58;
	v10 =	vadd.f32 v16, v10;
	v16 =	vpop (erf)  }
0x414: {  	v23 =	vmax.f32 v25, v7;
	v16 =	vsel vm12, $0x0, v16  }
0x415: {  	v23 =	vmul.f32 $-4.000000060e-01, v23;
	v26 =	vmul.f32 $1.442695020e+00, v31  }
0x416: {  	v22 =	vand.u32 $0x7FFFFFFF, v19;
	vm13 =	vgt.f32 v14, v8  }
0x417: {  	vm3 =	vlt.f32 v30, v23;
	(erf) = vpow2.f32 v26;
	v10 =	vadd.f32 v16, v10;
	v16 =	vpop (erf)  }
0x418: {  	v18 =	vand.u32 $0x7FFFFFFF, v15;
	v8 =	vsel vm13, v14, v8;
	v14 =	vsel vm3, $0x0, v16  }
0x419: {  	v18 =	vmax.f32 v18, v7;
	v7 =	vmax.f32 v22, v7  }
0x41a: {  	v18 =	vmul.f32 $-4.000000060e-01, v18;
	v7 =	vmul.f32 $-4.000000060e-01, v7  }
0x41b: {  	vm14 =	vgt.f32 v21, v8;
	v10 =	vadd.f32 v14, v10;
	v14 =	vpop (erf)  }
0x41c: {  	v8 =	vsel vm14, v21, v8;
	vm4 =	vlt.f32 v56, v18;
	vm5 =	vlt.f32 v9, v7;
	v9 =	vpop (erf)  }
0x41d: {  	v16 =	vmul.f32 $-4.000000060e-01, v24;
	v14 =	vsel vm4, $0x0, v14;
	v9 =	vsel vm5, $0x0, v9  }
0x41e: {  	vm15 =	vgt.f32 v13, v8;
	v7 =	vadd.f32 v14, v10  }
0x41f: {  	v8 =	vsel vm15, v13, v8;
	vm9 =	vlt.f32 v31, v16  }
0x420: {  	v10 =	vsel vm8, s18, v20;
	vm8 =	vgt.f32 v12, v8;
	v7 =	vadd.f32 v9, v7;
	v9 =	vpop (erf)  }
0x421: {  	v10 =	vsel vm1, s17, v10;
	v8 =	vsel vm8, v12, v8;
	v9 =	vsel vm9, $0x0, v9  }
0x422: {  	v10 =	vsel vm13, s23, v10;
	vm10 =	vgt.f32 v11, v8;
	v7 =	vadd.f32 v9, v7  }
0x423: {  	v8 =	vsel vm10, v11, v8;
	v9 =	vsel vm14, s26, v10  }
0x424: {  	vm11 =	vgt.f32 v15, v8;
	v9 =	vsel vm15, s24, v9;
	(erf) = vrcp.f32 v7  }
0x425: {  	v8 =	vsel vm11, v15, v8;
	v7 =	vsel vm8, s22, v9  }
0x426: {  	vm12 =	vgt.f32 v19, v8;
	v7 =	vsel vm10, s21, v7  }
0x427: {  	v8 =	vsel vm12, v19, v8;
	v7 =	vsel vm11, s25, v7  }
0x428: {  	v9 =	vor.u32 $0x6, v5;
	vm13 =	vgt.f32 v17, v8;
	v7 =	vsel vm12, s20, v7  }
0x429: {  	v7 =	vsel vm13, s19, v7  }
0x42a: {  	s0 =	simm.s32 $0x0;
	v10 =	vadd.s32 v4, v7  }
0x42b: {  	s2 =	simm.s32 $0x1;
	v11 =	vadd.s32 s0, v4  }
0x42c: {  	v12 =	vadd.s32 s2, v4;
	s21 =	simm.s32 $0x5  }
0x42d: {  	v13 =	vadd.s32 s21, v4;
	s19 =	simm.s32 $0x7;
	[tilespmem:v9+s11+$0x0] =	vst.idx.msk $0xffff, v6;
	v6 =	vpop (erf)  }
0x42e: {  	s20 =	simm.s32 $0x2;
	[tilespmem:v9+s12+$0x0] =	vst.idx.msk $0xffff, v6;
	v6 =	vadd.s32 s19, v4  }
0x42f: {  	s23 =	simm.s32 $0x4;
	[tilespmem:v10+s0+$0x0] =	vst.idx.msk $0xffff, v3;
	v10 =	vadd.s32 s20, v4  }
0x430: {  	v16 =	vadd.s32 s23, v4;
	s22 =	simm.s32 $0x3;
	v15 =	vld.idx.msk [tilespmem:v11+s1+$0x0], $0xffff  }
0x431: {  	v11 =	vadd.s32 s22, v4;
	v25 =	vld.idx.msk [tilespmem:v12+s1+$0x0], $0xffff  }
0x432: {  	v26 =	vld.idx.msk [tilespmem:v13+s1+$0x0], $0xffff  }
0x433: {  	s24 =	simm.s32 $0x6;
	v9 =	vld.idx.msk [tilespmem:v6+s1+$0x0], $0xffff  }
0x434: {  	v6 =	vsel vm13, v17, v8;
	v17 =	vadd.s32 s24, v4;
	v20 =	vld.idx.msk [tilespmem:v10+s1+$0x0], $0xffff  }
0x435: {  	s17 =	simm.s32 $0x8;
	s26 =	simm.s32 $0xF;
	v29 =	vld.idx.msk [tilespmem:v16+s1+$0x0], $0xffff;
	v27 =	vsub.f32 v15, v6  }
0x436: {  	s28 =	simm.s32 $0xA;
	v28 =	vimm.f32 $1.000000000e+00;
	v14 =	vadd.s32 s17, v4;
	v12 =	vadd.s32 s26, v4;
	v21 =	vld.idx.msk [tilespmem:v11+s1+$0x0], $0xffff  }
0x437: {  	s29 =	simm.s32 $0xB;
	s30 =	simm.s32 $0xC;
	s25 =	simm.s32 $0xD;
	v13 =	vadd.s32 s28, v4;
	v30 =	vsub.f32 v25, v6;
	v16 =	vmul.f32 $1.442695020e+00, v27  }
0x438: {  	v8 =	vadd.s32 s25, v4;
	v10 =	vadd.s32 s30, v4;
	v11 =	vadd.s32 s29, v4  }
0x439: {  	v18 =	vld.idx.msk [tilespmem:v17+s1+$0x0], $0xffff;
	v17 =	vmul.f32 $1.442695020e+00, v30;
	v23 =	vsub.f32 v20, v6;
	(erf) = vpow2.f32 v16  }
0x43a: {  	v31 =	vand.u32 $0x7FFFFFFF, v15;
	v19 =	vand.u32 $0x7FFFFFFF, v26;
	v24 =	vand.u32 $0x7FFFFFFF, v29  }
0x43b: {  	v22 =	vsub.f32 v21, v6;
	(erf) = vpow2.f32 v17;
	v59 =	vmul.f32 $1.442695020e+00, v23  }
0x43c: {  	v60 =	vand.u32 $0x7FFFFFFF, v21;
	v21 =	vsub.f32 v29, v6;
	v29 =	vmax.f32 v31, v6  }
0x43d: {  	v31 =	vand.u32 $0x7FFFFFFF, v20;
	v61 =	vmul.f32 $1.442695020e+00, v22;
	(erf) = vpow2.f32 v59  }
0x43e: {  	v20 =	vsub.f32 v26, v6;
	v26 =	vmul.f32 $-4.000000060e-01, v29;
	v29 =	vand.u32 $0x7FFFFFFF, v25  }
0x43f: {  	v62 =	vmul.f32 $1.442695020e+00, v21;
	v29 =	vmax.f32 v29, v6;
	(erf) = vpow2.f32 v61  }
0x440: {  	v15 =	vsub.f32 v9, v6;
	vm14 =	vlt.f32 v27, v26;
	v27 =	vmul.f32 $-4.000000060e-01, v29  }
0x441: {  	s31 =	simm.s32 $0x9;
	v63 =	vmul.f32 $1.442695020e+00, v20;
	v17 =	vsub.f32 v18, v6;
	(erf) = vpow2.f32 v62  }
0x442: {  	v16 =	vadd.s32 s31, v4;
	v25 =	vmax.f32 v60, v6;
	v29 =	vmax.f32 v31, v6;
	v26 =	vpop (erf)  }
0x443: {  	v31 =	vmul.f32 $1.442695020e+00, v17;
	(erf) = vpow2.f32 v63;
	v26 =	vsel vm14, $0x0, v26  }
0x444: {  	vm15 =	vlt.f32 v30, v27;
	v27 =	vpop (erf);
	v26 =	vadd.f32 v26, v28;
	v28 =	vmul.f32 $-4.000000060e-01, v29  }
0x445: {  	s18 =	simm.s32 $0x10;
	(erf) = vpow2.f32 v31;
	v29 =	vsel vm15, $0x0, v27;
	v27 =	vmul.f32 $1.442695020e+00, v15  }
.LBB2_23:
0x446: {  	p0 =	slt.u32 s18, $0x38;
	v26 =	vadd.f32 v29, v26;
	vm0 =	vlt.f32 v23, v28;
	v28 =	vmul.f32 $-4.000000060e-01, v25;
	v25 =	vpop (erf)  }
0x447: {  	v24 =	vmax.f32 v24, v6;
	v25 =	vsel vm0, $0x0, v25;
	(erf) = vpow2.f32 v27  }
0x448: {  	v25 =	vadd.f32 v25, v26;
	vm0 =	vlt.f32 v22, v28;
	v22 =	vmul.f32 $-4.000000060e-01, v24;
	v23 =	vpop (erf)  }
0x449: {  	v19 =	vmax.f32 v19, v6;
	v18 =	vand.u32 $0x7FFFFFFF, v18;
	v23 =	vsel vm0, $0x0, v23  }
0x44a: {  	v19 =	vmul.f32 $-4.000000060e-01, v19;
	v24 =	vld.idx.msk [tilespmem:v14+s1+$0x0], $0xffff;
	v14 =	vadd.f32 v23, v25;
	vm0 =	vlt.f32 v21, v22;
	v21 =	vpop (erf)  }
0x44b: {  	v23 =	vmax.f32 v18, v6;
	v22 =	vand.u32 $0x7FFFFFFF, v9;
	v21 =	vsel vm0, $0x0, v21  }
0x44c: {  	s0 =	sadd.s32 $0x6, s17;
	s17 =	smov.u32 s18;
	vm0 =	vlt.f32 v20, v19;
	v25 =	vld.idx.msk [tilespmem:v16+s1+$0x0], $0xffff;
	v14 =	vadd.f32 v21, v14;
	v21 =	vmul.f32 $-4.000000060e-01, v23;
	v18 =	vpop (erf)  }
0x44d: {  	v19 =	vadd.s32 s0, v4;
	v9 =	vld.idx.msk [tilespmem:v12+s1+$0x0], $0xffff;
	v12 =	vsel vm0, $0x0, v18;
	v18 =	vmax.f32 v22, v6  }
0x44e: {  	v20 =	vld.idx.msk [tilespmem:v13+s1+$0x0], $0xffff;
	v12 =	vadd.f32 v12, v14;
	vm0 =	vlt.f32 v17, v21;
	v18 =	vmul.f32 $-4.000000060e-01, v18;
	v16 =	vpop (erf)  }
0x44f: {  	v14 =	vadd.s32 s18, v4;
	v26 =	vld.idx.msk [tilespmem:v8+s1+$0x0], $0xffff;
	v8 =	vsel vm0, $0x0, v16  }
0x450: {  	s2 =	sadd.s32 $0x7, s18;
	s0 =	sadd.s32 $0x5, s18;
	v27 =	vsub.f32 v24, v6;
	v17 =	vld.idx.msk [tilespmem:v11+s1+$0x0], $0xffff;
	v11 =	vadd.f32 v8, v12;
	vm0 =	vlt.f32 v15, v18;
	v13 =	vpop (erf)  }
0x451: {  	v8 =	vadd.s32 s0, v4;
	v12 =	vadd.s32 s2, v4;
	v21 =	vld.idx.msk [tilespmem:v10+s1+$0x0], $0xffff;
	v10 =	vsel vm0, $0x0, v13  }
0x452: {  	s19 =	sadd.s32 $0x4, s18;
	s0 =	sadd.s32 $0x2, s18;
	s2 =	sadd.s32 $0x3, s18;
	v15 =	vmul.f32 $1.442695020e+00, v27;
	v28 =	vsub.f32 v25, v6;
	v29 =	vadd.f32 v10, v11  }
0x453: {  	v13 =	vadd.s32 s0, v4;
	v11 =	vadd.s32 s2, v4;
	v10 =	vadd.s32 s19, v4;
	v18 =	vld.idx.msk [tilespmem:v19+s1+$0x0], $0xffff  }
0x454: {  	s0 =	sadd.s32 $0x1, s18;
	v30 =	vmul.f32 $1.442695020e+00, v28;
	v23 =	vsub.f32 v20, v6;
	(erf) = vpow2.f32 v15  }
0x455: {  	v31 =	vand.u32 $0x7FFFFFFF, v24;
	v16 =	vadd.s32 s0, v4;
	v19 =	vand.u32 $0x7FFFFFFF, v26  }
0x456: {  	v32 =	vmul.f32 $1.442695020e+00, v23;
	v22 =	vsub.f32 v17, v6;
	(erf) = vpow2.f32 v30  }
0x457: {  	v15 =	vsub.f32 v9, v6;
	v30 =	vand.u32 $0x7FFFFFFF, v17;
	v24 =	vand.u32 $0x7FFFFFFF, v21  }
0x458: {  	v21 =	vsub.f32 v21, v6;
	v33 =	vmul.f32 $1.442695020e+00, v22;
	(erf) = vpow2.f32 v32  }
0x459: {  	v31 =	vmax.f32 v31, v6;
	v32 =	vand.u32 $0x7FFFFFFF, v20;
	v17 =	vsub.f32 v18, v6  }
0x45a: {  	v34 =	vmul.f32 $1.442695020e+00, v21;
	v20 =	vsub.f32 v26, v6;
	(erf) = vpow2.f32 v33  }
0x45b: {  	v33 =	vmul.f32 $-4.000000060e-01, v31;
	v31 =	vand.u32 $0x7FFFFFFF, v25;
	v25 =	vmax.f32 v30, v6  }
.Ltmp10:
0x45c: {  	v30 =	vmax.f32 v31, v6;
	v31 =	vmul.f32 $1.442695020e+00, v20;
	(erf) = vpow2.f32 v34;
	(pc) =	sbr.rel @p0 .LBB2_23-.Ltmp10, $4  }
0x45d: {  	vm0 =	vlt.f32 v27, v33;
	v33 =	vmul.f32 $-4.000000060e-01, v30;
	v30 =	vmax.f32 v32, v6;
	v26 =	vpop (erf)  }
0x45e: {  	v32 =	vmul.f32 $1.442695020e+00, v17;
	v26 =	vsel vm0, $0x0, v26;
	(erf) = vpow2.f32 v31  }
0x45f: {  	vm0 =	vlt.f32 v28, v33;
	v28 =	vmul.f32 $-4.000000060e-01, v30;
	v26 =	vadd.f32 v26, v29;
	v27 =	vpop (erf)  }
0x460: {  	s18 =	sadd.s32 $0x8, s18;
	v29 =	vsel vm0, $0x0, v27;
	v27 =	vmul.f32 $1.442695020e+00, v15;
	(erf) = vpow2.f32 v32  }
0x461: {  	_ =	sdelay $0x2  }
0x462: {  	v26 =	vadd.f32 v29, v26  }
0x463: {  	vm0 =	vlt.f32 v23, v28;
	v63 =	vmul.f32 $-4.000000060e-01, v25;
	v24 =	vmax.f32 v24, v6;
	v14 =	vld.idx.msk [tilespmem:v14+s1+$0x0], $0xffff  }
0x464: {  	v28 =	vpop (erf);
	v19 =	vmax.f32 v19, v6;
	v18 =	vand.u32 $0x7FFFFFFF, v18;
	v9 =	vand.u32 $0x7FFFFFFF, v9;
	v16 =	vld.idx.msk [tilespmem:v16+s1+$0x0], $0xffff  }
0x465: {  	s0 =	sadd.s32 $0x6, s17;
	v13 =	vld.idx.msk [tilespmem:v13+s1+$0x0], $0xffff;
	v25 =	vsel vm0, $0x0, v28;
	(erf) = vpow2.f32 v27;
	v29 =	vmul.f32 $-4.000000060e-01, v24  }
0x466: {  	v8 =	vld.idx.msk [tilespmem:v8+s1+$0x0], $0xffff;
	v19 =	vmul.f32 $-4.000000060e-01, v19;
	v18 =	vmax.f32 v18, v6;
	v4 =	vadd.s32 s0, v4  }
0x467: {  	v11 =	vld.idx.msk [tilespmem:v11+s1+$0x0], $0xffff;
	v9 =	vmax.f32 v9, v6;
	v25 =	vadd.f32 v25, v26;
	vm15 =	vlt.f32 v22, v63;
	v30 =	vpop (erf)  }
0x468: {  	v10 =	vld.idx.msk [tilespmem:v10+s1+$0x0], $0xffff;
	v18 =	vmul.f32 $-4.000000060e-01, v18;
	v9 =	vmul.f32 $-4.000000060e-01, v9;
	v23 =	vsel vm15, $0x0, v30  }
0x469: {  	v12 =	vld.idx.msk [tilespmem:v12+s1+$0x0], $0xffff;
	vm4 =	vlt.f32 v21, v29;
	vm5 =	vlt.f32 v20, v19;
	v23 =	vadd.f32 v23, v25  }
0x46a: {  	v31 =	vpop (erf);
	vm6 =	vlt.f32 v17, v18;
	vm7 =	vlt.f32 v15, v9;
	v34 =	vsub.f32 v14, v6  }
0x46b: {  	v21 =	vsel vm4, $0x0, v31;
	v37 =	vsub.f32 v16, v6;
	v39 =	vsub.f32 v13, v6  }
0x46c: {  	v14 =	vand.u32 $0x7FFFFFFF, v14;
	v40 =	vand.u32 $0x7FFFFFFF, v8;
	v42 =	vsub.f32 v11, v6  }
0x46d: {  	v11 =	vand.u32 $0x7FFFFFFF, v11;
	v43 =	vand.u32 $0x7FFFFFFF, v10;
	v36 =	vmul.f32 $1.442695020e+00, v34  }
0x46e: {  	v44 =	vsub.f32 v12, v6;
	v10 =	vsub.f32 v10, v6;
	v13 =	vand.u32 $0x7FFFFFFF, v13;
	v32 =	vpop (erf)  }
0x46f: {  	v8 =	vsub.f32 v8, v6;
	v38 =	vmul.f32 $1.442695020e+00, v37;
	v33 =	vpop (erf);
	(erf) = vpow2.f32 v36  }
0x470: {  	v16 =	vand.u32 $0x7FFFFFFF, v16;
	v12 =	vand.u32 $0x7FFFFFFF, v12;
	v21 =	vadd.f32 v21, v23  }
0x471: {  	v14 =	vmax.f32 v14, v6;
	v41 =	vmul.f32 $1.442695020e+00, v39;
	(erf) = vpow2.f32 v38  }
0x472: {  	v4 =	vld.idx.msk [tilespmem:v4+s1+$0x0], $0xffff;
	v11 =	vmax.f32 v11, v6;
	v16 =	vmax.f32 v16, v6;
	v13 =	vmax.f32 v13, v6  }
0x473: {  	v19 =	vsel vm5, $0x0, v32;
	v45 =	vmul.f32 $1.442695020e+00, v42;
	(erf) = vpow2.f32 v41  }
0x474: {  	v55 =	vmax.f32 v43, v6;
	v58 =	vmax.f32 v40, v6;
	v19 =	vadd.f32 v19, v21  }
0x475: {  	v47 =	vmul.f32 $1.442695020e+00, v10;
	v17 =	vsel vm6, $0x0, v33;
	(erf) = vpow2.f32 v45  }
0x476: {  	v14 =	vmul.f32 $-4.000000060e-01, v14;
	v48 =	vmul.f32 $1.442695020e+00, v8;
	v35 =	vpop (erf);
	v17 =	vadd.f32 v17, v19  }
0x477: {  	v9 =	vsel vm7, $0x0, v35;
	v46 =	vsub.f32 v4, v6;
	(erf) = vpow2.f32 v47  }
0x478: {  	v49 =	vmul.f32 $-4.000000060e-01, v16;
	vm8 =	vlt.f32 v34, v14;
	v9 =	vadd.f32 v9, v17;
	v50 =	vpop (erf)  }
0x479: {  	v51 =	vmul.f32 $1.442695020e+00, v46;
	(erf) = vpow2.f32 v48;
	v16 =	vsel vm8, $0x0, v50  }
0x47a: {  	v13 =	vmul.f32 $-4.000000060e-01, v13;
	vm9 =	vlt.f32 v37, v49;
	v52 =	vpop (erf);
	v9 =	vadd.f32 v16, v9  }
0x47b: {  	v53 =	vmul.f32 $1.442695020e+00, v44;
	(erf) = vpow2.f32 v51;
	v14 =	vsel vm9, $0x0, v52  }
0x47c: {  	v11 =	vmul.f32 $-4.000000060e-01, v11;
	vm10 =	vlt.f32 v39, v13;
	v54 =	vpop (erf);
	v9 =	vadd.f32 v14, v9  }
0x47d: {  	v56 =	vmul.f32 $-4.000000060e-01, v55;
	(erf) = vpow2.f32 v53;
	v13 =	vsel vm10, $0x0, v54  }
0x47e: {  	vm11 =	vlt.f32 v42, v11;
	v4 =	vand.u32 $0x7FFFFFFF, v4;
	v57 =	vpop (erf);
	v9 =	vadd.f32 v13, v9  }
0x47f: {  	v59 =	vmul.f32 $-4.000000060e-01, v58;
	v4 =	vmax.f32 v4, v6;
	v13 =	vsel vm11, $0x0, v57  }
0x480: {  	vm12 =	vlt.f32 v10, v56;
	v4 =	vmul.f32 $-4.000000060e-01, v4;
	v60 =	vpop (erf);
	v9 =	vadd.f32 v13, v9  }
0x481: {  	v62 =	vmax.f32 v12, v6;
	vm13 =	vlt.f32 v8, v59;
	v11 =	vsel vm12, $0x0, v60  }
0x482: {  	vm14 =	vlt.f32 v46, v4;
	v4 =	vmul.f32 $-4.000000060e-01, v62;
	v61 =	vpop (erf);
	v9 =	vadd.f32 v11, v9  }
0x483: {  	v8 =	vsel vm13, $0x0, v61  }
0x484: {  	v63 =	vpop (erf);
	v8 =	vadd.f32 v8, v9  }
0x485: {  	v6 =	vsel vm14, $0x0, v63  }
0x486: {  	vm15 =	vlt.f32 v44, v4;
	v4 =	vpop (erf);
	v6 =	vadd.f32 v6, v8  }
0x487: {  	v4 =	vsel vm15, $0x0, v4  }
0x488: {  	v4 =	vadd.f32 v4, v6;
	_ =	sdelay $0x1  }
0x489: {  	(erf) = vrcp.f32 v4;
	_ =	sdelay $0x3  }
0x48a: {  	s16 =	sadd.s32 $0x1, s16;
	v4 =	vor.u32 $0x7, v5  }
0x48b: {  	p0 =	sne.s32 s16, $0x8  }
.Ltmp11:
0x48c: {  	_ = 	snop;
	(pc) =	sbr.rel @p0 .LBB2_6-.Ltmp11, $3  }
0x48d: {  	_ =	sdelay $0x1  }
0x48e: {  	[tilespmem:v4+s11+$0x0] =	vst.idx.msk $0xffff, v7;
	v5 =	vpop (erf)  }
0x48f: {  	[tilespmem:v4+s12+$0x0] =	vst.idx.msk $0xffff, v5  }
0x490: {  	s0 =	sshll.u32 s14, $0xB  }
0x491: {  	s0 =	sadd.s32 s7, s0  }
0x492: {  	s2 =	sadd.s32 s4, s0  }
0x493: {  	[hbm4b:s2+s1] =	stream.linear.scatter [tilespmem:s11], [sflag:$0x1], $0x4000, $0x38;
	[tilespmem:$0x1C400] =	vst v63  }
0x494: {  	s14 =	sadd.s32 $0x1, s14;
	_ =	swait.ge [sflag:s10], $0x4000  }
0x495: {  	p0 =	sne.s32 s14, $0x8;
	[sflag:s10] =	ssyncset.done $0x0  }
.Ltmp12:
0x496: {  	s0 =	sadd.s32 s6, s0;
	[sflag:s10] =	ssyncadd.s32 $0xFFFFC000;
	(pc) =	sbr.rel @p0 .LBB2_5-.Ltmp12, $4  }
0x497: {  	[hbm4b:s0+s1] =	stream.linear.scatter [tilespmem:s12], [sflag:$0x1], $0x4000, $0x38;
	[tilespmem:$0x1C400] =	vst v63  }
0x498: {  	_ =	swait.ge [sflag:s10], $0x4000  }
0x499: {  	[sflag:s10] =	ssyncset.done $0x0  }
0x49a: {  	[sflag:s10] =	ssyncadd.s32 $0xFFFFC000  }
0x49b: {  	s13 =	sadd.s32 $0x1, s13  }
0x49c: {  	p0 =	sne.s32 s13, s8  }
.Ltmp13:
0x49d: {  	_ = 	snop;
	(pc) =	sbr.rel @p0 .LBB2_1-.Ltmp13, $1  }
0x49e: {  	_ =	sdelay $0x3  }
0x49f: {  	_ =	sfence.sel $0x180000  }
0x4a0: {  	[bflag:$0x0] =	sbarrier.arrive $0xFFFF  }
0x4a1: {  	_ =	strace $0x90000047  }
0x4a2: {  	s0 =	stileid.u32;
	[bflag:$0x2] =	sbarrier.arrive $0xFFFF  }
0x4a3: {  	p0 =	sne.s32 s0, $0x0;
	s0 =	rddreg [dreg:$0x1]  }
0x4a4: {  	s0 =	sadd.s32 @!p0 $0x100000, s0  }
0x4a5: {  	[sflag:s0] =	ssyncadd.tile.s32 @!p0 $0x1;
	_ =	shalt  }
.Lfunc_end2:
_tile_overlayer_lowered:
.L_overlay_start_2:
0x4a6: {  	(tag) =	ssettag $0x2  }
0x4a7: {  	s0 =	rddreg [dreg:$0x0];
	s2 =	stileid.u32  }
0x4a8: {  	s1 =	rddreg [dreg:$0x1];
	p0 =	sne.s32 s2, $0x0  }
0x4a9: {  	s3 =	rddreg [dreg:$0x2];
	[bflag:$0x3] =	sbarrier.arrive $0xFFFF;
	s2 =	simm.s32 @!p0 $0x1C01  }
0x4aa: {  	[timem:s3], [sflag:s2] =	dma.local @!p0 [hbm:s0], s1  }
0x4ab: {  	s0 =	simm.s32 @!p0 $0x1  }
0x4ac: {  	_ =	swait.ge @!p0 [sflag:s0], s1  }
0x4ad: {  	s1 =	ssub.s32 @!p0 $0x0, s1;
	[sflag:s0] =	ssyncset.done @!p0 $0x0  }
0x4ae: {  	[sflag:s0] =	ssyncadd.s32 @!p0 s1  }
0x4af: {  	[bflag:$0x3] =	sbarrier.arrive $0xFFFF  }
0x4b0: {  	_ =	shalt  }

</sc_bundles>
